<compile_context>
chip_gen: v7x
topology: tpu7x:2x2x1
jax: 0.10.2.dev20260603
libtpu: 0.0.44.dev20260713+nightly
codegen_flags: <defaults>
</compile_context>

<pallas_src>
import functools

import jax
import jax.numpy as jnp
from jax import lax
from jax.experimental import pallas as pl
from jax.experimental.pallas import tpu as pltpu
from jax.experimental.pallas import tpu_sc as plsc

_H = 16

_NC, _NS = 2, 16


def _ckv_body(x_ref, w_ref, o_ref):
    o_ref[...] = jnp.dot(x_ref[...], w_ref[...],
                         preferred_element_type=jnp.float32)


def _attn_body(xq_ref, c_ref, wq_ref, wup_ref, woutt_ref, o_ref,
               a_scr, b_scr, m_scr, *, nq, ksel, d, h, latent, scale):
    hd = d // h
    bf = jnp.bfloat16
    f32 = jnp.float32

    @pl.when(pl.program_id(0) == 0)
    def _prep():
        wq = wq_ref[...]
        wup = wup_ref[...]
        woutt = woutt_ref[...]
        for i in range(h):
            sl = slice(i * hd, (i + 1) * hd)
            a_scr[i * d:(i + 1) * d, :] = lax.dot_general(
                wq[sl], wup[sl], (((0,), (0,)), ((), ())),
                preferred_element_type=f32).astype(bf)
            b_scr[i * latent:(i + 1) * latent, :] = lax.dot_general(
                wup[d + i * hd:d + (i + 1) * hd], woutt[sl],
                (((0,), (0,)), ((), ())),
                preferred_element_type=f32).astype(bf)
        g = nq // 4
        r_q = lax.broadcasted_iota(jnp.int32, (h * g, g * ksel), 0) % g
        c_q = lax.broadcasted_iota(jnp.int32, (h * g, g * ksel), 1) // ksel
        m_scr[...] = (r_q == c_q).astype(bf)

    ng = 4
    g = nq // ng
    nb = xq_ref.shape[0]
    xq_all = jnp.concatenate([xq_ref[j] for j in range(nb)],
                             axis=0).astype(bf)
    qh = [jnp.dot(xq_all, a_scr[i * d:(i + 1) * d, :],
                  preferred_element_type=f32) for i in range(h)]
    qlat = jnp.concatenate(qh, axis=0).astype(bf)
    olats = {}
    for j in range(nb):
        c = c_ref[j].astype(bf)
        for gg in range(ng):
            base = j * nq + gg * g
            qlat_g = jnp.concatenate(
                [qlat[i * nb * nq + base:i * nb * nq + base + g]
                 for i in range(h)], axis=0)
            c_g = c[gg * g * ksel:(gg + 1) * g * ksel]
            s = lax.dot_general(qlat_g, c_g, (((1,), (1,)), ((), ())),
                                preferred_element_type=f32) * scale
            e = jnp.exp(s).astype(bf) * m_scr[...]
            cp = jnp.concatenate([c_g, jnp.ones((g * ksel, latent), bf)],
                                 axis=1)
            o = jnp.dot(e, cp, preferred_element_type=f32)
            olats[j, gg] = (o[:, :latent] /
                            o[:, latent:latent + 1]).astype(bf)
    acc = jnp.zeros((nb * nq, d), f32)
    for i in range(h):
        olat_i = jnp.concatenate(
            [olats[j, gg][i * g:(i + 1) * g]
             for j in range(nb) for gg in range(ng)], axis=0)
        acc = acc + jnp.dot(olat_i, b_scr[i * latent:(i + 1) * latent, :],
                            preferred_element_type=f32)
    for j in range(nb):
        o_ref[j] = acc[j * nq:(j + 1) * nq]


def _make_gather(total_rows, latent, nkv, rows_per_batch):
    nw = _NC * _NS
    bpw = total_rows // nw
    wpb = rows_per_batch // bpw
    mesh = plsc.VectorSubcoreMesh(core_axis_name="c", subcore_axis_name="s")

    def body(table_hbm, idx_hbm, out_hbm, idx_v, rows_v, sem):
        wid = lax.axis_index("s") * _NC + lax.axis_index("c")
        base = wid * bpw
        pltpu.sync_copy(idx_hbm.at[pl.ds(base, bpw)], idx_v)
        off = (wid // wpb) * nkv
        for i in range(bpw // 16):
            sl = pl.ds(i * 16, 16)
            idx_v[sl] = idx_v[sl] + off
        pltpu.async_copy(table_hbm.at[idx_v], rows_v, sem).wait()
        pltpu.sync_copy(rows_v, out_hbm.at[pl.ds(base, bpw)])

    return pl.kernel(
        body,
        out_type=jax.ShapeDtypeStruct((total_rows, latent), jnp.float32),
        mesh=mesh,
        scratch_types=[
            pltpu.VMEM((bpw,), jnp.int32),
            pltpu.VMEM((bpw, latent), jnp.float32),
            pltpu.SemaphoreType.DMA,
        ],
    )


def kernel(x_q, x_kv, indices, W_q, W_down, W_up, W_out):
    b, nq, d = x_q.shape
    nkv = x_kv.shape[1]
    ksel = indices.shape[2]
    latent = W_down.shape[0]
    h = _H
    scale = 1.0 / float(d // h) ** 0.5

    xkv_flat = x_kv.reshape(b * nkv, d)
    rows = 2048
    ckv_flat = pl.pallas_call(
        _ckv_body,
        grid=(b * nkv // rows,),
        in_specs=[
            pl.BlockSpec((rows, d), lambda i: (i, 0)),
            pl.BlockSpec((d, latent), lambda i: (0, 0)),
        ],
        out_specs=pl.BlockSpec((rows, latent), lambda i: (i, 0)),
        out_shape=jax.ShapeDtypeStruct((b * nkv, latent), jnp.float32),
    )(xkv_flat, W_down.T)

    idx_flat = indices.reshape(b * nq * ksel).astype(jnp.int32)
    gather = _make_gather(b * nq * ksel, latent, nkv, nq * ksel)
    c_sel_flat = gather(ckv_flat, idx_flat)
    c_sel = c_sel_flat.reshape(b, nq * ksel, latent)

    body = functools.partial(_attn_body, nq=nq, ksel=ksel, d=d, h=h,
                             latent=latent, scale=scale)
    out = pl.pallas_call(
        body,
        grid=(b // 4,),
        in_specs=[
            pl.BlockSpec((4, nq, d), lambda i: (i, 0, 0)),
            pl.BlockSpec((4, nq * ksel, latent), lambda i: (i, 0, 0)),
            pl.BlockSpec((d, d), lambda i: (0, 0)),
            pl.BlockSpec((2 * d, latent), lambda i: (0, 0)),
            pl.BlockSpec((d, d), lambda i: (0, 0)),
        ],
        out_specs=pl.BlockSpec((4, nq, d), lambda i: (i, 0, 0)),
        out_shape=jax.ShapeDtypeStruct((b, nq, d), jnp.float32),
        scratch_shapes=[
            pltpu.VMEM((h * d, latent), jnp.bfloat16),
            pltpu.VMEM((h * latent, d), jnp.bfloat16),
            pltpu.VMEM((h * (nq // 4), (nq // 4) * ksel), jnp.bfloat16),
        ],
    )(x_q, c_sel, W_q, W_up, W_out.T)
    return out

# --- scband reference (transcript-rebuilt; emitter-appended) ---
"""Pipeline reference for scband-deep-seek-mla-64518998720785 (READ-ONLY COPY).

The authoritative reference and input builder live on the scoring server;
editing this copy changes nothing except your own understanding.
"""

import jax, jax.numpy as jnp
import numpy as np

B, NQ, NKV, D, H, L, K = 8, 32, 2048, 1024, 16, 128, 64
HD = D // H
SCALE = 1.0 / np.sqrt(HD)


def setup_inputs(seed: int = 0) -> dict:
    key = jax.random.key(seed)
    ks = jax.random.split(key, 7)
    x_q = jax.random.normal(ks[0], (B, NQ, D), dtype=jnp.float32)
    x_kv = jax.random.normal(ks[1], (B, NKV, D), dtype=jnp.float32)
    indices = jax.random.randint(ks[2], (B, NQ, K), 0, NKV, dtype=jnp.int64 if jax.config.jax_enable_x64 else jnp.int32)
    W_q = jax.random.normal(ks[3], (D, D), dtype=jnp.float32) * 0.02
    W_down = jax.random.normal(ks[4], (L, D), dtype=jnp.float32) * 0.02
    W_up = jax.random.normal(ks[5], (2 * D, L), dtype=jnp.float32) * 0.02
    W_out = jax.random.normal(ks[6], (D, D), dtype=jnp.float32) * 0.02
    return {"x_q": x_q, "x_kv": x_kv, "indices": indices,
            "W_q": W_q, "W_down": W_down, "W_up": W_up, "W_out": W_out}


def reference(x_q, x_kv, indices, W_q, W_down, W_up, W_out):
    # q projection -> [B, NQ, H, HD]
    q = (x_q @ W_q.T).reshape(B, NQ, H, HD)
    # latent KV compression -> [B, NKV, L]
    c_kv = x_kv @ W_down.T
    # sparse gather of selected latents: [B, NQ, K, L]
    c_kv_selected = jax.vmap(lambda c, idx: c[idx])(c_kv, indices)
    # up-project selected latents -> [B, NQ, K, 2, H, HD]
    kv_heads = (c_kv_selected @ W_up.T).reshape(B, NQ, K, 2, H, HD)
    k = kv_heads[:, :, :, 0]  # [B, NQ, K, H, HD]
    v = kv_heads[:, :, :, 1]
    # attention scores over selected keys: [B, NQ, K, H]
    attn_score = jnp.einsum('bqhd,bqkhd->bqkh', q, k) * SCALE
    attn_weights = jax.nn.softmax(attn_score, axis=2)
    out = jnp.einsum('bqkh,bqkhd->bqhd', attn_weights, v).reshape(B, NQ, D)
    return out @ W_out.T

if __name__ == "__main__":
    import jax
    _d = setup_inputs()
    print(jax.jit(kernel)(*tuple(_d.values())))

</pallas_src>

<mosaic_0001>
#map = affine_map<(d0, d1) -> (0, 0)>
#map1 = affine_map<(d0, d1) -> (0)>
module attributes {stable_mosaic.version = 14 : i64} {
  func.func @body(%arg0: i32, %arg1: i32, %arg2: memref<16384x128xf32, #tpu.memory_space<hbm>>, %arg3: memref<16384xi32, #tpu.memory_space<hbm>>, %arg4: memref<16384x128xf32, #tpu.memory_space<hbm>>, %arg5: memref<512xi32, #tpu.memory_space<vmem>>, %arg6: memref<512x128xf32, #tpu.memory_space<vmem>>, %arg7: memref<!tpu.dma_semaphore, #tpu.memory_space<semaphore_mem>>) attributes {dimension_semantics = [#tpu.dimension_semantics<core_parallel>, #tpu.dimension_semantics<subcore_parallel>], iteration_bounds = array<i64: 2, 16>, scalar_prefetch = 0 : i64, scratch_operands = 3 : i64, tpu.core_type = #tpu.core_type<sc_vector_subcore>, window_params = [{transform_indices = #map}, {transform_indices = #map1}, {transform_indices = #map}]} {
    %mul3A = arith.constant 2 : i32
    %mul3A_0 = arith.muli %arg1, %mul3A : i32
    %add3A = arith.addi %mul3A_0, %arg0 : i32
    %mul3A_1 = arith.constant 512 : i32
    %mul3A_2 = arith.muli %add3A, %mul3A_1 : i32
    "tpu.region"() ({
      %run_scoped3A = tpu.sem_alloc : memref<!tpu.dma_semaphore, #tpu.memory_space<semaphore_mem>>
      %dma_start3A_311 = tpu.memref_slice %arg3[%mul3A_2] : memref<16384xi32, #tpu.memory_space<hbm>> -> memref<512xi32, #tpu.memory_space<hbm>>
      %dma_start3A_312 = tpu.memref_slice %arg3[%mul3A_2] : memref<16384xi32, #tpu.memory_space<hbm>> -> memref<512xi32, #tpu.memory_space<hbm>>
      tpu.enqueue_dma source(%dma_start3A_312 : memref<512xi32, #tpu.memory_space<hbm>>) target(%arg5 : memref<512xi32, #tpu.memory_space<vmem>>) target_semaphore(%run_scoped3A : memref<!tpu.dma_semaphore, #tpu.memory_space<semaphore_mem>>)
      %dma_wait3A_313 = tpu.memref_slice %arg3[%mul3A_2] : memref<16384xi32, #tpu.memory_space<hbm>> -> memref<512xi32, #tpu.memory_space<hbm>>
      %dma_wait3A_314 = tpu.memref_slice %arg3[%mul3A_2] : memref<16384xi32, #tpu.memory_space<hbm>> -> memref<512xi32, #tpu.memory_space<hbm>>
      tpu.wait_dma2 semaphore(%run_scoped3A : memref<!tpu.dma_semaphore, #tpu.memory_space<semaphore_mem>>) src(%dma_wait3A_314 : memref<512xi32, #tpu.memory_space<hbm>>) dst(%arg5 : memref<512xi32, #tpu.memory_space<vmem>>)
      tpu.yield
    }) : () -> ()
    %jit3A = arith.constant 4 : i32
    %div3A = arith.divsi %add3A, %jit3A : i32
    %sign3A = arith.constant 0 : i32
    %sign3A_3 = arith.cmpi sgt, %add3A, %sign3A : i32
    %sign3A_4 = arith.extui %sign3A_3 : i1 to i32
    %sign3A_5 = arith.constant 0 : i32
    %sign3A_6 = arith.cmpi slt, %add3A, %sign3A_5 : i32
    %sign3A_7 = arith.extui %sign3A_6 : i1 to i32
    %sign3A_8 = arith.subi %sign3A_4, %sign3A_7 : i32
    %sign3A_9 = arith.constant 0 : i32
    %sign3A_10 = arith.cmpi sgt, %jit3A, %sign3A_9 : i32
    %sign3A_11 = arith.extui %sign3A_10 : i1 to i32
    %sign3A_12 = arith.constant 0 : i32
    %sign3A_13 = arith.cmpi slt, %jit3A, %sign3A_12 : i32
    %sign3A_14 = arith.extui %sign3A_13 : i1 to i32
    %sign3A_15 = arith.subi %sign3A_11, %sign3A_14 : i32
    %ne3A = arith.cmpi ne, %sign3A_8, %sign3A_15 : i32
    %rem3A = arith.remsi %add3A, %jit3A : i32
    %ne3A_16 = arith.constant 0 : i32
    %ne3A_17 = arith.cmpi ne, %rem3A, %ne3A_16 : i32
    %and3A = arith.andi %ne3A, %ne3A_17 : i1
    %sub3A = arith.constant 1 : i32
    %sub3A_18 = arith.subi %div3A, %sub3A : i32
    %select_n3A = arith.select %and3A, %sub3A_18, %div3A : i32
    %mul3A_19 = arith.constant 2048 : i32
    %mul3A_20 = arith.muli %select_n3A, %mul3A_19 : i32
    %get3A = arith.constant 0 : index
    %get3A_21 = tpu.vector_load %arg5[%get3A] {strides = array<i32>} : memref<512xi32, #tpu.memory_space<vmem>>, vector<16xi32>,
    %get3A_22 = vector.shape_cast %get3A_21 : vector<16xi32> to vector<16xi32>
    %add3A_23 = vector.broadcast %mul3A_20 : i32 to vector<16xi32>
    %add3A_24 = arith.addi %get3A_22, %add3A_23 : vector<16xi32>
    %swap3A = arith.constant 0 : index
    %swap3A_25 = tpu.vector_load %arg5[%swap3A] {strides = array<i32>} : memref<512xi32, #tpu.memory_space<vmem>>, vector<16xi32>,
    %swap3A_26 = vector.shape_cast %swap3A_25 : vector<16xi32> to vector<16xi32>
    %swap3A_27 = vector.shape_cast %add3A_24 : vector<16xi32> to vector<16xi32>
    tpu.vector_store %arg5[%swap3A], %swap3A_27 {strides = array<i32>} : memref<512xi32, #tpu.memory_space<vmem>>, vector<16xi32>,
    %get3A_28 = arith.constant 16 : index
    %get3A_29 = tpu.vector_load %arg5[%get3A_28] {strides = array<i32>} : memref<512xi32, #tpu.memory_space<vmem>>, vector<16xi32>,
    %get3A_30 = vector.shape_cast %get3A_29 : vector<16xi32> to vector<16xi32>
    %add3A_31 = vector.broadcast %mul3A_20 : i32 to vector<16xi32>
    %add3A_32 = arith.addi %get3A_30, %add3A_31 : vector<16xi32>
    %swap3A_33 = arith.constant 16 : index
    %swap3A_34 = tpu.vector_load %arg5[%swap3A_33] {strides = array<i32>} : memref<512xi32, #tpu.memory_space<vmem>>, vector<16xi32>,
    %swap3A_35 = vector.shape_cast %swap3A_34 : vector<16xi32> to vector<16xi32>
    %swap3A_36 = vector.shape_cast %add3A_32 : vector<16xi32> to vector<16xi32>
    tpu.vector_store %arg5[%swap3A_33], %swap3A_36 {strides = array<i32>} : memref<512xi32, #tpu.memory_space<vmem>>, vector<16xi32>,
    %get3A_37 = arith.constant 32 : index
    %get3A_38 = tpu.vector_load %arg5[%get3A_37] {strides = array<i32>} : memref<512xi32, #tpu.memory_space<vmem>>, vector<16xi32>,
    %get3A_39 = vector.shape_cast %get3A_38 : vector<16xi32> to vector<16xi32>
    %add3A_40 = vector.broadcast %mul3A_20 : i32 to vector<16xi32>
    %add3A_41 = arith.addi %get3A_39, %add3A_40 : vector<16xi32>
    %swap3A_42 = arith.constant 32 : index
    %swap3A_43 = tpu.vector_load %arg5[%swap3A_42] {strides = array<i32>} : memref<512xi32, #tpu.memory_space<vmem>>, vector<16xi32>,
    %swap3A_44 = vector.shape_cast %swap3A_43 : vector<16xi32> to vector<16xi32>
    %swap3A_45 = vector.shape_cast %add3A_41 : vector<16xi32> to vector<16xi32>
    tpu.vector_store %arg5[%swap3A_42], %swap3A_45 {strides = array<i32>} : memref<512xi32, #tpu.memory_space<vmem>>, vector<16xi32>,
    %get3A_46 = arith.constant 48 : index
    %get3A_47 = tpu.vector_load %arg5[%get3A_46] {strides = array<i32>} : memref<512xi32, #tpu.memory_space<vmem>>, vector<16xi32>,
    %get3A_48 = vector.shape_cast %get3A_47 : vector<16xi32> to vector<16xi32>
    %add3A_49 = vector.broadcast %mul3A_20 : i32 to vector<16xi32>
    %add3A_50 = arith.addi %get3A_48, %add3A_49 : vector<16xi32>
    %swap3A_51 = arith.constant 48 : index
    %swap3A_52 = tpu.vector_load %arg5[%swap3A_51] {strides = array<i32>} : memref<512xi32, #tpu.memory_space<vmem>>, vector<16xi32>,
    %swap3A_53 = vector.shape_cast %swap3A_52 : vector<16xi32> to vector<16xi32>
    %swap3A_54 = vector.shape_cast %add3A_50 : vector<16xi32> to vector<16xi32>
    tpu.vector_store %arg5[%swap3A_51], %swap3A_54 {strides = array<i32>} : memref<512xi32, #tpu.memory_space<vmem>>, vector<16xi32>,
    %get3A_55 = arith.constant 64 : index
    %get3A_56 = tpu.vector_load %arg5[%get3A_55] {strides = array<i32>} : memref<512xi32, #tpu.memory_space<vmem>>, vector<16xi32>,
    %get3A_57 = vector.shape_cast %get3A_56 : vector<16xi32> to vector<16xi32>
    %add3A_58 = vector.broadcast %mul3A_20 : i32 to vector<16xi32>
    %add3A_59 = arith.addi %get3A_57, %add3A_58 : vector<16xi32>
    %swap3A_60 = arith.constant 64 : index
    %swap3A_61 = tpu.vector_load %arg5[%swap3A_60] {strides = array<i32>} : memref<512xi32, #tpu.memory_space<vmem>>, vector<16xi32>,
    %swap3A_62 = vector.shape_cast %swap3A_61 : vector<16xi32> to vector<16xi32>
    %swap3A_63 = vector.shape_cast %add3A_59 : vector<16xi32> to vector<16xi32>
    tpu.vector_store %arg5[%swap3A_60], %swap3A_63 {strides = array<i32>} : memref<512xi32, #tpu.memory_space<vmem>>, vector<16xi32>,
    %get3A_64 = arith.constant 80 : index
    %get3A_65 = tpu.vector_load %arg5[%get3A_64] {strides = array<i32>} : memref<512xi32, #tpu.memory_space<vmem>>, vector<16xi32>,
    %get3A_66 = vector.shape_cast %get3A_65 : vector<16xi32> to vector<16xi32>
    %add3A_67 = vector.broadcast %mul3A_20 : i32 to vector<16xi32>
    %add3A_68 = arith.addi %get3A_66, %add3A_67 : vector<16xi32>
    %swap3A_69 = arith.constant 80 : index
    %swap3A_70 = tpu.vector_load %arg5[%swap3A_69] {strides = array<i32>} : memref<512xi32, #tpu.memory_space<vmem>>, vector<16xi32>,
    %swap3A_71 = vector.shape_cast %swap3A_70 : vector<16xi32> to vector<16xi32>
    %swap3A_72 = vector.shape_cast %add3A_68 : vector<16xi32> to vector<16xi32>
    tpu.vector_store %arg5[%swap3A_69], %swap3A_72 {strides = array<i32>} : memref<512xi32, #tpu.memory_space<vmem>>, vector<16xi32>,
    %get3A_73 = arith.constant 96 : index
    %get3A_74 = tpu.vector_load %arg5[%get3A_73] {strides = array<i32>} : memref<512xi32, #tpu.memory_space<vmem>>, vector<16xi32>,
    %get3A_75 = vector.shape_cast %get3A_74 : vector<16xi32> to vector<16xi32>
    %add3A_76 = vector.broadcast %mul3A_20 : i32 to vector<16xi32>
    %add3A_77 = arith.addi %get3A_75, %add3A_76 : vector<16xi32>
    %swap3A_78 = arith.constant 96 : index
    %swap3A_79 = tpu.vector_load %arg5[%swap3A_78] {strides = array<i32>} : memref<512xi32, #tpu.memory_space<vmem>>, vector<16xi32>,
    %swap3A_80 = vector.shape_cast %swap3A_79 : vector<16xi32> to vector<16xi32>
    %swap3A_81 = vector.shape_cast %add3A_77 : vector<16xi32> to vector<16xi32>
    tpu.vector_store %arg5[%swap3A_78], %swap3A_81 {strides = array<i32>} : memref<512xi32, #tpu.memory_space<vmem>>, vector<16xi32>,
    %get3A_82 = arith.constant 112 : index
    %get3A_83 = tpu.vector_load %arg5[%get3A_82] {strides = array<i32>} : memref<512xi32, #tpu.memory_space<vmem>>, vector<16xi32>,
    %get3A_84 = vector.shape_cast %get3A_83 : vector<16xi32> to vector<16xi32>
    %add3A_85 = vector.broadcast %mul3A_20 : i32 to vector<16xi32>
    %add3A_86 = arith.addi %get3A_84, %add3A_85 : vector<16xi32>
    %swap3A_87 = arith.constant 112 : index
    %swap3A_88 = tpu.vector_load %arg5[%swap3A_87] {strides = array<i32>} : memref<512xi32, #tpu.memory_space<vmem>>, vector<16xi32>,
    %swap3A_89 = vector.shape_cast %swap3A_88 : vector<16xi32> to vector<16xi32>
    %swap3A_90 = vector.shape_cast %add3A_86 : vector<16xi32> to vector<16xi32>
    tpu.vector_store %arg5[%swap3A_87], %swap3A_90 {strides = array<i32>} : memref<512xi32, #tpu.memory_space<vmem>>, vector<16xi32>,
    %get3A_91 = arith.constant 128 : index
    %get3A_92 = tpu.vector_load %arg5[%get3A_91] {strides = array<i32>} : memref<512xi32, #tpu.memory_space<vmem>>, vector<16xi32>,
    %get3A_93 = vector.shape_cast %get3A_92 : vector<16xi32> to vector<16xi32>
    %add3A_94 = vector.broadcast %mul3A_20 : i32 to vector<16xi32>
    %add3A_95 = arith.addi %get3A_93, %add3A_94 : vector<16xi32>
    %swap3A_96 = arith.constant 128 : index
    %swap3A_97 = tpu.vector_load %arg5[%swap3A_96] {strides = array<i32>} : memref<512xi32, #tpu.memory_space<vmem>>, vector<16xi32>,
    %swap3A_98 = vector.shape_cast %swap3A_97 : vector<16xi32> to vector<16xi32>
    %swap3A_99 = vector.shape_cast %add3A_95 : vector<16xi32> to vector<16xi32>
    tpu.vector_store %arg5[%swap3A_96], %swap3A_99 {strides = array<i32>} : memref<512xi32, #tpu.memory_space<vmem>>, vector<16xi32>,
    %get3A_100 = arith.constant 144 : index
    %get3A_101 = tpu.vector_load %arg5[%get3A_100] {strides = array<i32>} : memref<512xi32, #tpu.memory_space<vmem>>, vector<16xi32>,
    %get3A_102 = vector.shape_cast %get3A_101 : vector<16xi32> to vector<16xi32>
    %add3A_103 = vector.broadcast %mul3A_20 : i32 to vector<16xi32>
    %add3A_104 = arith.addi %get3A_102, %add3A_103 : vector<16xi32>
    %swap3A_105 = arith.constant 144 : index
    %swap3A_106 = tpu.vector_load %arg5[%swap3A_105] {strides = array<i32>} : memref<512xi32, #tpu.memory_space<vmem>>, vector<16xi32>,
    %swap3A_107 = vector.shape_cast %swap3A_106 : vector<16xi32> to vector<16xi32>
    %swap3A_108 = vector.shape_cast %add3A_104 : vector<16xi32> to vector<16xi32>
    tpu.vector_store %arg5[%swap3A_105], %swap3A_108 {strides = array<i32>} : memref<512xi32, #tpu.memory_space<vmem>>, vector<16xi32>,
    %get3A_109 = arith.constant 160 : index
    %get3A_110 = tpu.vector_load %arg5[%get3A_109] {strides = array<i32>} : memref<512xi32, #tpu.memory_space<vmem>>, vector<16xi32>,
    %get3A_111 = vector.shape_cast %get3A_110 : vector<16xi32> to vector<16xi32>
    %add3A_112 = vector.broadcast %mul3A_20 : i32 to vector<16xi32>
    %add3A_113 = arith.addi %get3A_111, %add3A_112 : vector<16xi32>
    %swap3A_114 = arith.constant 160 : index
    %swap3A_115 = tpu.vector_load %arg5[%swap3A_114] {strides = array<i32>} : memref<512xi32, #tpu.memory_space<vmem>>, vector<16xi32>,
    %swap3A_116 = vector.shape_cast %swap3A_115 : vector<16xi32> to vector<16xi32>
    %swap3A_117 = vector.shape_cast %add3A_113 : vector<16xi32> to vector<16xi32>
    tpu.vector_store %arg5[%swap3A_114], %swap3A_117 {strides = array<i32>} : memref<512xi32, #tpu.memory_space<vmem>>, vector<16xi32>,
    %get3A_118 = arith.constant 176 : index
    %get3A_119 = tpu.vector_load %arg5[%get3A_118] {strides = array<i32>} : memref<512xi32, #tpu.memory_space<vmem>>, vector<16xi32>,
    %get3A_120 = vector.shape_cast %get3A_119 : vector<16xi32> to vector<16xi32>
    %add3A_121 = vector.broadcast %mul3A_20 : i32 to vector<16xi32>
    %add3A_122 = arith.addi %get3A_120, %add3A_121 : vector<16xi32>
    %swap3A_123 = arith.constant 176 : index
    %swap3A_124 = tpu.vector_load %arg5[%swap3A_123] {strides = array<i32>} : memref<512xi32, #tpu.memory_space<vmem>>, vector<16xi32>,
    %swap3A_125 = vector.shape_cast %swap3A_124 : vector<16xi32> to vector<16xi32>
    %swap3A_126 = vector.shape_cast %add3A_122 : vector<16xi32> to vector<16xi32>
    tpu.vector_store %arg5[%swap3A_123], %swap3A_126 {strides = array<i32>} : memref<512xi32, #tpu.memory_space<vmem>>, vector<16xi32>,
    %get3A_127 = arith.constant 192 : index
    %get3A_128 = tpu.vector_load %arg5[%get3A_127] {strides = array<i32>} : memref<512xi32, #tpu.memory_space<vmem>>, vector<16xi32>,
    %get3A_129 = vector.shape_cast %get3A_128 : vector<16xi32> to vector<16xi32>
    %add3A_130 = vector.broadcast %mul3A_20 : i32 to vector<16xi32>
    %add3A_131 = arith.addi %get3A_129, %add3A_130 : vector<16xi32>
    %swap3A_132 = arith.constant 192 : index
    %swap3A_133 = tpu.vector_load %arg5[%swap3A_132] {strides = array<i32>} : memref<512xi32, #tpu.memory_space<vmem>>, vector<16xi32>,
    %swap3A_134 = vector.shape_cast %swap3A_133 : vector<16xi32> to vector<16xi32>
    %swap3A_135 = vector.shape_cast %add3A_131 : vector<16xi32> to vector<16xi32>
    tpu.vector_store %arg5[%swap3A_132], %swap3A_135 {strides = array<i32>} : memref<512xi32, #tpu.memory_space<vmem>>, vector<16xi32>,
    %get3A_136 = arith.constant 208 : index
    %get3A_137 = tpu.vector_load %arg5[%get3A_136] {strides = array<i32>} : memref<512xi32, #tpu.memory_space<vmem>>, vector<16xi32>,
    %get3A_138 = vector.shape_cast %get3A_137 : vector<16xi32> to vector<16xi32>
    %add3A_139 = vector.broadcast %mul3A_20 : i32 to vector<16xi32>
    %add3A_140 = arith.addi %get3A_138, %add3A_139 : vector<16xi32>
    %swap3A_141 = arith.constant 208 : index
    %swap3A_142 = tpu.vector_load %arg5[%swap3A_141] {strides = array<i32>} : memref<512xi32, #tpu.memory_space<vmem>>, vector<16xi32>,
    %swap3A_143 = vector.shape_cast %swap3A_142 : vector<16xi32> to vector<16xi32>
    %swap3A_144 = vector.shape_cast %add3A_140 : vector<16xi32> to vector<16xi32>
    tpu.vector_store %arg5[%swap3A_141], %swap3A_144 {strides = array<i32>} : memref<512xi32, #tpu.memory_space<vmem>>, vector<16xi32>,
    %get3A_145 = arith.constant 224 : index
    %get3A_146 = tpu.vector_load %arg5[%get3A_145] {strides = array<i32>} : memref<512xi32, #tpu.memory_space<vmem>>, vector<16xi32>,
    %get3A_147 = vector.shape_cast %get3A_146 : vector<16xi32> to vector<16xi32>
    %add3A_148 = vector.broadcast %mul3A_20 : i32 to vector<16xi32>
    %add3A_149 = arith.addi %get3A_147, %add3A_148 : vector<16xi32>
    %swap3A_150 = arith.constant 224 : index
    %swap3A_151 = tpu.vector_load %arg5[%swap3A_150] {strides = array<i32>} : memref<512xi32, #tpu.memory_space<vmem>>, vector<16xi32>,
    %swap3A_152 = vector.shape_cast %swap3A_151 : vector<16xi32> to vector<16xi32>
    %swap3A_153 = vector.shape_cast %add3A_149 : vector<16xi32> to vector<16xi32>
    tpu.vector_store %arg5[%swap3A_150], %swap3A_153 {strides = array<i32>} : memref<512xi32, #tpu.memory_space<vmem>>, vector<16xi32>,
    %get3A_154 = arith.constant 240 : index
    %get3A_155 = tpu.vector_load %arg5[%get3A_154] {strides = array<i32>} : memref<512xi32, #tpu.memory_space<vmem>>, vector<16xi32>,
    %get3A_156 = vector.shape_cast %get3A_155 : vector<16xi32> to vector<16xi32>
    %add3A_157 = vector.broadcast %mul3A_20 : i32 to vector<16xi32>
    %add3A_158 = arith.addi %get3A_156, %add3A_157 : vector<16xi32>
    %swap3A_159 = arith.constant 240 : index
    %swap3A_160 = tpu.vector_load %arg5[%swap3A_159] {strides = array<i32>} : memref<512xi32, #tpu.memory_space<vmem>>, vector<16xi32>,
    %swap3A_161 = vector.shape_cast %swap3A_160 : vector<16xi32> to vector<16xi32>
    %swap3A_162 = vector.shape_cast %add3A_158 : vector<16xi32> to vector<16xi32>
    tpu.vector_store %arg5[%swap3A_159], %swap3A_162 {strides = array<i32>} : memref<512xi32, #tpu.memory_space<vmem>>, vector<16xi32>,
    %get3A_163 = arith.constant 256 : index
    %get3A_164 = tpu.vector_load %arg5[%get3A_163] {strides = array<i32>} : memref<512xi32, #tpu.memory_space<vmem>>, vector<16xi32>,
    %get3A_165 = vector.shape_cast %get3A_164 : vector<16xi32> to vector<16xi32>
    %add3A_166 = vector.broadcast %mul3A_20 : i32 to vector<16xi32>
    %add3A_167 = arith.addi %get3A_165, %add3A_166 : vector<16xi32>
    %swap3A_168 = arith.constant 256 : index
    %swap3A_169 = tpu.vector_load %arg5[%swap3A_168] {strides = array<i32>} : memref<512xi32, #tpu.memory_space<vmem>>, vector<16xi32>,
    %swap3A_170 = vector.shape_cast %swap3A_169 : vector<16xi32> to vector<16xi32>
    %swap3A_171 = vector.shape_cast %add3A_167 : vector<16xi32> to vector<16xi32>
    tpu.vector_store %arg5[%swap3A_168], %swap3A_171 {strides = array<i32>} : memref<512xi32, #tpu.memory_space<vmem>>, vector<16xi32>,
    %get3A_172 = arith.constant 272 : index
    %get3A_173 = tpu.vector_load %arg5[%get3A_172] {strides = array<i32>} : memref<512xi32, #tpu.memory_space<vmem>>, vector<16xi32>,
    %get3A_174 = vector.shape_cast %get3A_173 : vector<16xi32> to vector<16xi32>
    %add3A_175 = vector.broadcast %mul3A_20 : i32 to vector<16xi32>
    %add3A_176 = arith.addi %get3A_174, %add3A_175 : vector<16xi32>
    %swap3A_177 = arith.constant 272 : index
    %swap3A_178 = tpu.vector_load %arg5[%swap3A_177] {strides = array<i32>} : memref<512xi32, #tpu.memory_space<vmem>>, vector<16xi32>,
    %swap3A_179 = vector.shape_cast %swap3A_178 : vector<16xi32> to vector<16xi32>
    %swap3A_180 = vector.shape_cast %add3A_176 : vector<16xi32> to vector<16xi32>
    tpu.vector_store %arg5[%swap3A_177], %swap3A_180 {strides = array<i32>} : memref<512xi32, #tpu.memory_space<vmem>>, vector<16xi32>,
    %get3A_181 = arith.constant 288 : index
    %get3A_182 = tpu.vector_load %arg5[%get3A_181] {strides = array<i32>} : memref<512xi32, #tpu.memory_space<vmem>>, vector<16xi32>,
    %get3A_183 = vector.shape_cast %get3A_182 : vector<16xi32> to vector<16xi32>
    %add3A_184 = vector.broadcast %mul3A_20 : i32 to vector<16xi32>
    %add3A_185 = arith.addi %get3A_183, %add3A_184 : vector<16xi32>
    %swap3A_186 = arith.constant 288 : index
    %swap3A_187 = tpu.vector_load %arg5[%swap3A_186] {strides = array<i32>} : memref<512xi32, #tpu.memory_space<vmem>>, vector<16xi32>,
    %swap3A_188 = vector.shape_cast %swap3A_187 : vector<16xi32> to vector<16xi32>
    %swap3A_189 = vector.shape_cast %add3A_185 : vector<16xi32> to vector<16xi32>
    tpu.vector_store %arg5[%swap3A_186], %swap3A_189 {strides = array<i32>} : memref<512xi32, #tpu.memory_space<vmem>>, vector<16xi32>,
    %get3A_190 = arith.constant 304 : index
    %get3A_191 = tpu.vector_load %arg5[%get3A_190] {strides = array<i32>} : memref<512xi32, #tpu.memory_space<vmem>>, vector<16xi32>,
    %get3A_192 = vector.shape_cast %get3A_191 : vector<16xi32> to vector<16xi32>
    %add3A_193 = vector.broadcast %mul3A_20 : i32 to vector<16xi32>
    %add3A_194 = arith.addi %get3A_192, %add3A_193 : vector<16xi32>
    %swap3A_195 = arith.constant 304 : index
    %swap3A_196 = tpu.vector_load %arg5[%swap3A_195] {strides = array<i32>} : memref<512xi32, #tpu.memory_space<vmem>>, vector<16xi32>,
    %swap3A_197 = vector.shape_cast %swap3A_196 : vector<16xi32> to vector<16xi32>
    %swap3A_198 = vector.shape_cast %add3A_194 : vector<16xi32> to vector<16xi32>
    tpu.vector_store %arg5[%swap3A_195], %swap3A_198 {strides = array<i32>} : memref<512xi32, #tpu.memory_space<vmem>>, vector<16xi32>,
    %get3A_199 = arith.constant 320 : index
    %get3A_200 = tpu.vector_load %arg5[%get3A_199] {strides = array<i32>} : memref<512xi32, #tpu.memory_space<vmem>>, vector<16xi32>,
    %get3A_201 = vector.shape_cast %get3A_200 : vector<16xi32> to vector<16xi32>
    %add3A_202 = vector.broadcast %mul3A_20 : i32 to vector<16xi32>
    %add3A_203 = arith.addi %get3A_201, %add3A_202 : vector<16xi32>
    %swap3A_204 = arith.constant 320 : index
    %swap3A_205 = tpu.vector_load %arg5[%swap3A_204] {strides = array<i32>} : memref<512xi32, #tpu.memory_space<vmem>>, vector<16xi32>,
    %swap3A_206 = vector.shape_cast %swap3A_205 : vector<16xi32> to vector<16xi32>
    %swap3A_207 = vector.shape_cast %add3A_203 : vector<16xi32> to vector<16xi32>
    tpu.vector_store %arg5[%swap3A_204], %swap3A_207 {strides = array<i32>} : memref<512xi32, #tpu.memory_space<vmem>>, vector<16xi32>,
    %get3A_208 = arith.constant 336 : index
    %get3A_209 = tpu.vector_load %arg5[%get3A_208] {strides = array<i32>} : memref<512xi32, #tpu.memory_space<vmem>>, vector<16xi32>,
    %get3A_210 = vector.shape_cast %get3A_209 : vector<16xi32> to vector<16xi32>
    %add3A_211 = vector.broadcast %mul3A_20 : i32 to vector<16xi32>
    %add3A_212 = arith.addi %get3A_210, %add3A_211 : vector<16xi32>
    %swap3A_213 = arith.constant 336 : index
    %swap3A_214 = tpu.vector_load %arg5[%swap3A_213] {strides = array<i32>} : memref<512xi32, #tpu.memory_space<vmem>>, vector<16xi32>,
    %swap3A_215 = vector.shape_cast %swap3A_214 : vector<16xi32> to vector<16xi32>
    %swap3A_216 = vector.shape_cast %add3A_212 : vector<16xi32> to vector<16xi32>
    tpu.vector_store %arg5[%swap3A_213], %swap3A_216 {strides = array<i32>} : memref<512xi32, #tpu.memory_space<vmem>>, vector<16xi32>,
    %get3A_217 = arith.constant 352 : index
    %get3A_218 = tpu.vector_load %arg5[%get3A_217] {strides = array<i32>} : memref<512xi32, #tpu.memory_space<vmem>>, vector<16xi32>,
    %get3A_219 = vector.shape_cast %get3A_218 : vector<16xi32> to vector<16xi32>
    %add3A_220 = vector.broadcast %mul3A_20 : i32 to vector<16xi32>
    %add3A_221 = arith.addi %get3A_219, %add3A_220 : vector<16xi32>
    %swap3A_222 = arith.constant 352 : index
    %swap3A_223 = tpu.vector_load %arg5[%swap3A_222] {strides = array<i32>} : memref<512xi32, #tpu.memory_space<vmem>>, vector<16xi32>,
    %swap3A_224 = vector.shape_cast %swap3A_223 : vector<16xi32> to vector<16xi32>
    %swap3A_225 = vector.shape_cast %add3A_221 : vector<16xi32> to vector<16xi32>
    tpu.vector_store %arg5[%swap3A_222], %swap3A_225 {strides = array<i32>} : memref<512xi32, #tpu.memory_space<vmem>>, vector<16xi32>,
    %get3A_226 = arith.constant 368 : index
    %get3A_227 = tpu.vector_load %arg5[%get3A_226] {strides = array<i32>} : memref<512xi32, #tpu.memory_space<vmem>>, vector<16xi32>,
    %get3A_228 = vector.shape_cast %get3A_227 : vector<16xi32> to vector<16xi32>
    %add3A_229 = vector.broadcast %mul3A_20 : i32 to vector<16xi32>
    %add3A_230 = arith.addi %get3A_228, %add3A_229 : vector<16xi32>
    %swap3A_231 = arith.constant 368 : index
    %swap3A_232 = tpu.vector_load %arg5[%swap3A_231] {strides = array<i32>} : memref<512xi32, #tpu.memory_space<vmem>>, vector<16xi32>,
    %swap3A_233 = vector.shape_cast %swap3A_232 : vector<16xi32> to vector<16xi32>
    %swap3A_234 = vector.shape_cast %add3A_230 : vector<16xi32> to vector<16xi32>
    tpu.vector_store %arg5[%swap3A_231], %swap3A_234 {strides = array<i32>} : memref<512xi32, #tpu.memory_space<vmem>>, vector<16xi32>,
    %get3A_235 = arith.constant 384 : index
    %get3A_236 = tpu.vector_load %arg5[%get3A_235] {strides = array<i32>} : memref<512xi32, #tpu.memory_space<vmem>>, vector<16xi32>,
    %get3A_237 = vector.shape_cast %get3A_236 : vector<16xi32> to vector<16xi32>
    %add3A_238 = vector.broadcast %mul3A_20 : i32 to vector<16xi32>
    %add3A_239 = arith.addi %get3A_237, %add3A_238 : vector<16xi32>
    %swap3A_240 = arith.constant 384 : index
    %swap3A_241 = tpu.vector_load %arg5[%swap3A_240] {strides = array<i32>} : memref<512xi32, #tpu.memory_space<vmem>>, vector<16xi32>,
    %swap3A_242 = vector.shape_cast %swap3A_241 : vector<16xi32> to vector<16xi32>
    %swap3A_243 = vector.shape_cast %add3A_239 : vector<16xi32> to vector<16xi32>
    tpu.vector_store %arg5[%swap3A_240], %swap3A_243 {strides = array<i32>} : memref<512xi32, #tpu.memory_space<vmem>>, vector<16xi32>,
    %get3A_244 = arith.constant 400 : index
    %get3A_245 = tpu.vector_load %arg5[%get3A_244] {strides = array<i32>} : memref<512xi32, #tpu.memory_space<vmem>>, vector<16xi32>,
    %get3A_246 = vector.shape_cast %get3A_245 : vector<16xi32> to vector<16xi32>
    %add3A_247 = vector.broadcast %mul3A_20 : i32 to vector<16xi32>
    %add3A_248 = arith.addi %get3A_246, %add3A_247 : vector<16xi32>
    %swap3A_249 = arith.constant 400 : index
    %swap3A_250 = tpu.vector_load %arg5[%swap3A_249] {strides = array<i32>} : memref<512xi32, #tpu.memory_space<vmem>>, vector<16xi32>,
    %swap3A_251 = vector.shape_cast %swap3A_250 : vector<16xi32> to vector<16xi32>
    %swap3A_252 = vector.shape_cast %add3A_248 : vector<16xi32> to vector<16xi32>
    tpu.vector_store %arg5[%swap3A_249], %swap3A_252 {strides = array<i32>} : memref<512xi32, #tpu.memory_space<vmem>>, vector<16xi32>,
    %get3A_253 = arith.constant 416 : index
    %get3A_254 = tpu.vector_load %arg5[%get3A_253] {strides = array<i32>} : memref<512xi32, #tpu.memory_space<vmem>>, vector<16xi32>,
    %get3A_255 = vector.shape_cast %get3A_254 : vector<16xi32> to vector<16xi32>
    %add3A_256 = vector.broadcast %mul3A_20 : i32 to vector<16xi32>
    %add3A_257 = arith.addi %get3A_255, %add3A_256 : vector<16xi32>
    %swap3A_258 = arith.constant 416 : index
    %swap3A_259 = tpu.vector_load %arg5[%swap3A_258] {strides = array<i32>} : memref<512xi32, #tpu.memory_space<vmem>>, vector<16xi32>,
    %swap3A_260 = vector.shape_cast %swap3A_259 : vector<16xi32> to vector<16xi32>
    %swap3A_261 = vector.shape_cast %add3A_257 : vector<16xi32> to vector<16xi32>
    tpu.vector_store %arg5[%swap3A_258], %swap3A_261 {strides = array<i32>} : memref<512xi32, #tpu.memory_space<vmem>>, vector<16xi32>,
    %get3A_262 = arith.constant 432 : index
    %get3A_263 = tpu.vector_load %arg5[%get3A_262] {strides = array<i32>} : memref<512xi32, #tpu.memory_space<vmem>>, vector<16xi32>,
    %get3A_264 = vector.shape_cast %get3A_263 : vector<16xi32> to vector<16xi32>
    %add3A_265 = vector.broadcast %mul3A_20 : i32 to vector<16xi32>
    %add3A_266 = arith.addi %get3A_264, %add3A_265 : vector<16xi32>
    %swap3A_267 = arith.constant 432 : index
    %swap3A_268 = tpu.vector_load %arg5[%swap3A_267] {strides = array<i32>} : memref<512xi32, #tpu.memory_space<vmem>>, vector<16xi32>,
    %swap3A_269 = vector.shape_cast %swap3A_268 : vector<16xi32> to vector<16xi32>
    %swap3A_270 = vector.shape_cast %add3A_266 : vector<16xi32> to vector<16xi32>
    tpu.vector_store %arg5[%swap3A_267], %swap3A_270 {strides = array<i32>} : memref<512xi32, #tpu.memory_space<vmem>>, vector<16xi32>,
    %get3A_271 = arith.constant 448 : index
    %get3A_272 = tpu.vector_load %arg5[%get3A_271] {strides = array<i32>} : memref<512xi32, #tpu.memory_space<vmem>>, vector<16xi32>,
    %get3A_273 = vector.shape_cast %get3A_272 : vector<16xi32> to vector<16xi32>
    %add3A_274 = vector.broadcast %mul3A_20 : i32 to vector<16xi32>
    %add3A_275 = arith.addi %get3A_273, %add3A_274 : vector<16xi32>
    %swap3A_276 = arith.constant 448 : index
    %swap3A_277 = tpu.vector_load %arg5[%swap3A_276] {strides = array<i32>} : memref<512xi32, #tpu.memory_space<vmem>>, vector<16xi32>,
    %swap3A_278 = vector.shape_cast %swap3A_277 : vector<16xi32> to vector<16xi32>
    %swap3A_279 = vector.shape_cast %add3A_275 : vector<16xi32> to vector<16xi32>
    tpu.vector_store %arg5[%swap3A_276], %swap3A_279 {strides = array<i32>} : memref<512xi32, #tpu.memory_space<vmem>>, vector<16xi32>,
    %get3A_280 = arith.constant 464 : index
    %get3A_281 = tpu.vector_load %arg5[%get3A_280] {strides = array<i32>} : memref<512xi32, #tpu.memory_space<vmem>>, vector<16xi32>,
    %get3A_282 = vector.shape_cast %get3A_281 : vector<16xi32> to vector<16xi32>
    %add3A_283 = vector.broadcast %mul3A_20 : i32 to vector<16xi32>
    %add3A_284 = arith.addi %get3A_282, %add3A_283 : vector<16xi32>
    %swap3A_285 = arith.constant 464 : index
    %swap3A_286 = tpu.vector_load %arg5[%swap3A_285] {strides = array<i32>} : memref<512xi32, #tpu.memory_space<vmem>>, vector<16xi32>,
    %swap3A_287 = vector.shape_cast %swap3A_286 : vector<16xi32> to vector<16xi32>
    %swap3A_288 = vector.shape_cast %add3A_284 : vector<16xi32> to vector<16xi32>
    tpu.vector_store %arg5[%swap3A_285], %swap3A_288 {strides = array<i32>} : memref<512xi32, #tpu.memory_space<vmem>>, vector<16xi32>,
    %get3A_289 = arith.constant 480 : index
    %get3A_290 = tpu.vector_load %arg5[%get3A_289] {strides = array<i32>} : memref<512xi32, #tpu.memory_space<vmem>>, vector<16xi32>,
    %get3A_291 = vector.shape_cast %get3A_290 : vector<16xi32> to vector<16xi32>
    %add3A_292 = vector.broadcast %mul3A_20 : i32 to vector<16xi32>
    %add3A_293 = arith.addi %get3A_291, %add3A_292 : vector<16xi32>
    %swap3A_294 = arith.constant 480 : index
    %swap3A_295 = tpu.vector_load %arg5[%swap3A_294] {strides = array<i32>} : memref<512xi32, #tpu.memory_space<vmem>>, vector<16xi32>,
    %swap3A_296 = vector.shape_cast %swap3A_295 : vector<16xi32> to vector<16xi32>
    %swap3A_297 = vector.shape_cast %add3A_293 : vector<16xi32> to vector<16xi32>
    tpu.vector_store %arg5[%swap3A_294], %swap3A_297 {strides = array<i32>} : memref<512xi32, #tpu.memory_space<vmem>>, vector<16xi32>,
    %get3A_298 = arith.constant 496 : index
    %get3A_299 = tpu.vector_load %arg5[%get3A_298] {strides = array<i32>} : memref<512xi32, #tpu.memory_space<vmem>>, vector<16xi32>,
    %get3A_300 = vector.shape_cast %get3A_299 : vector<16xi32> to vector<16xi32>
    %add3A_301 = vector.broadcast %mul3A_20 : i32 to vector<16xi32>
    %add3A_302 = arith.addi %get3A_300, %add3A_301 : vector<16xi32>
    %swap3A_303 = arith.constant 496 : index
    %swap3A_304 = tpu.vector_load %arg5[%swap3A_303] {strides = array<i32>} : memref<512xi32, #tpu.memory_space<vmem>>, vector<16xi32>,
    %swap3A_305 = vector.shape_cast %swap3A_304 : vector<16xi32> to vector<16xi32>
    %swap3A_306 = vector.shape_cast %add3A_302 : vector<16xi32> to vector<16xi32>
    tpu.vector_store %arg5[%swap3A_303], %swap3A_306 {strides = array<i32>} : memref<512xi32, #tpu.memory_space<vmem>>, vector<16xi32>,
    %dma_start3A = arith.constant 0 : i32
    %dma_start3A_307 = arith.constant 0 : i32
    %dma_start3A_308 = tpu.memref_slice %arg2[%dma_start3A, %dma_start3A_307] : memref<16384x128xf32, #tpu.memory_space<hbm>> -> memref<16384x128xf32, #tpu.memory_space<hbm>>
    tpu.enqueue_indirect_dma source(%dma_start3A_308 : memref<16384x128xf32, #tpu.memory_space<hbm>>) target(%arg6 : memref<512x128xf32, #tpu.memory_space<vmem>>) offsets(%arg5 : memref<512xi32, #tpu.memory_space<vmem>>) semaphore(%arg7 : memref<!tpu.dma_semaphore, #tpu.memory_space<semaphore_mem>>)
    %dma_wait3A = arith.constant 0 : i32
    %dma_wait3A_309 = arith.constant 0 : i32
    %dma_wait3A_310 = tpu.memref_slice %arg2[%dma_wait3A, %dma_wait3A_309] : memref<16384x128xf32, #tpu.memory_space<hbm>> -> memref<16384x128xf32, #tpu.memory_space<hbm>>
    tpu.wait_indirect_dma semaphore(%arg7 : memref<!tpu.dma_semaphore, #tpu.memory_space<semaphore_mem>>) src(%dma_wait3A_310 : memref<16384x128xf32, #tpu.memory_space<hbm>>) dst(%arg6 : memref<512x128xf32, #tpu.memory_space<vmem>>)
    "tpu.region"() ({
      %run_scoped3A = tpu.sem_alloc : memref<!tpu.dma_semaphore, #tpu.memory_space<semaphore_mem>>
      %dma_start3A_311 = arith.constant 0 : i32
      %dma_start3A_312 = tpu.memref_slice %arg4[%mul3A_2, %dma_start3A_311] : memref<16384x128xf32, #tpu.memory_space<hbm>> -> memref<512x128xf32, #tpu.memory_space<hbm>>
      %dma_start3A_313 = arith.constant 0 : i32
      %dma_start3A_314 = tpu.memref_slice %arg4[%mul3A_2, %dma_start3A_313] : memref<16384x128xf32, #tpu.memory_space<hbm>> -> memref<512x128xf32, #tpu.memory_space<hbm>>
      tpu.enqueue_dma source(%arg6 : memref<512x128xf32, #tpu.memory_space<vmem>>) target(%dma_start3A_314 : memref<512x128xf32, #tpu.memory_space<hbm>>) target_semaphore(%run_scoped3A : memref<!tpu.dma_semaphore, #tpu.memory_space<semaphore_mem>>)
      %dma_wait3A_315 = arith.constant 0 : i32
      %dma_wait3A_316 = tpu.memref_slice %arg4[%mul3A_2, %dma_wait3A_315] : memref<16384x128xf32, #tpu.memory_space<hbm>> -> memref<512x128xf32, #tpu.memory_space<hbm>>
      %dma_wait3A_317 = arith.constant 0 : i32
      %dma_wait3A_318 = tpu.memref_slice %arg4[%mul3A_2, %dma_wait3A_317] : memref<16384x128xf32, #tpu.memory_space<hbm>> -> memref<512x128xf32, #tpu.memory_space<hbm>>
      tpu.wait_dma2 semaphore(%run_scoped3A : memref<!tpu.dma_semaphore, #tpu.memory_space<semaphore_mem>>) src(%arg6 : memref<512x128xf32, #tpu.memory_space<vmem>>) dst(%dma_wait3A_318 : memref<512x128xf32, #tpu.memory_space<hbm>>)
      tpu.yield
    }) : () -> ()
    return
  }
}

module attributes {stable_mosaic.version = 14 : i64} {
  func.func @_ckv_body(%arg0: i32, %arg1: memref<2048x1024xf32, #tpu.memory_space<vmem>>, %arg2: memref<1024x128xf32, #tpu.memory_space<vmem>>, %arg3: memref<2048x128xf32, #tpu.memory_space<vmem>>) attributes {dimension_semantics = [#tpu.dimension_semantics<arbitrary>], iteration_bounds = array<i64: 8>, scalar_prefetch = 0 : i64, scratch_operands = 0 : i64, tpu.core_type = #tpu.core_type<tc>, window_params = [{transform_indices = @transform_0, window_bounds = array<i64: 2048, 1024>}, {pipeline_mode = #tpu.pipeline_mode<synchronous>, transform_indices = @transform_1, window_bounds = array<i64: 1024, 128>}, {transform_indices = @transform_2, window_bounds = array<i64: 2048, 128>}]} {
    %get3A = arith.constant 0 : index
    %get3A_0 = arith.constant 0 : index
    %get3A_1 = vector.load %arg1[%get3A, %get3A_0] : memref<2048x1024xf32, #tpu.memory_space<vmem>>, vector<2048x1024xf32>
    %get3A_2 = arith.constant 0 : index
    %get3A_3 = arith.constant 0 : index
    %get3A_4 = vector.load %arg2[%get3A_2, %get3A_3] : memref<1024x128xf32, #tpu.memory_space<vmem>>, vector<1024x128xf32>
    %dot_general3A = arith.constant dense<0.000000e+00> : vector<2048x128xf32>
    %dot_general3A_5 = tpu.matmul %get3A_1, %get3A_4, %dot_general3A {dimension_numbers = #tpu.dot_dimension_numbers<[1], [0], [0], [1], [0, 0, 1, 1], [], []>, transpose_lhs_hint = false} : vector<2048x1024xf32>, vector<1024x128xf32>, vector<2048x128xf32> -> vector<2048x128xf32>
    %swap3A = arith.constant 0 : index
    %swap3A_6 = arith.constant 0 : index
    %swap3A_7 = vector.load %arg3[%swap3A, %swap3A_6] : memref<2048x128xf32, #tpu.memory_space<vmem>>, vector<2048x128xf32>
    tpu.vector_store %arg3[%swap3A, %swap3A_6], %dot_general3A_5 {strides = array<i32>} : memref<2048x128xf32, #tpu.memory_space<vmem>>, vector<2048x128xf32>,
    return
  }
  func.func @transform_0(%arg0: i32) -> (i32, i32) {
    %c0_i32 = arith.constant 0 : i32
    %c0_i32_0 = arith.constant 0 : i32
    return %arg0, %c0_i32 : i32, i32
  }
  func.func @transform_1(%arg0: i32) -> (i32, i32) {
    %c0_i32 = arith.constant 0 : i32
    %c0_i32_0 = arith.constant 0 : i32
    %c0_i32_1 = arith.constant 0 : i32
    return %c0_i32, %c0_i32_0 : i32, i32
  }
  func.func @transform_2(%arg0: i32) -> (i32, i32) {
    %c0_i32 = arith.constant 0 : i32
    %c0_i32_0 = arith.constant 0 : i32
    return %arg0, %c0_i32 : i32, i32
  }
}

module attributes {stable_mosaic.version = 14 : i64} {
  func.func @_attn_body(%arg0: i32, %arg1: memref<4x32x1024xf32, #tpu.memory_space<vmem>>, %arg2: memref<4x2048x128xf32, #tpu.memory_space<vmem>>, %arg3: memref<1024x1024xf32, #tpu.memory_space<vmem>>, %arg4: memref<2048x128xf32, #tpu.memory_space<vmem>>, %arg5: memref<1024x1024xf32, #tpu.memory_space<vmem>>, %arg6: memref<4x32x1024xf32, #tpu.memory_space<vmem>>, %arg7: memref<16384x128xbf16, #tpu.memory_space<vmem>>, %arg8: memref<2048x1024xbf16, #tpu.memory_space<vmem>>, %arg9: memref<128x512xbf16, #tpu.memory_space<vmem>>) attributes {dimension_semantics = [#tpu.dimension_semantics<arbitrary>], iteration_bounds = array<i64: 2>, scalar_prefetch = 0 : i64, scratch_operands = 3 : i64, tpu.core_type = #tpu.core_type<tc>, window_params = [{transform_indices = @transform_0, window_bounds = array<i64: 4, 32, 1024>}, {transform_indices = @transform_1, window_bounds = array<i64: 4, 2048, 128>}, {pipeline_mode = #tpu.pipeline_mode<synchronous>, transform_indices = @transform_2, window_bounds = array<i64: 1024, 1024>}, {pipeline_mode = #tpu.pipeline_mode<synchronous>, transform_indices = @transform_3, window_bounds = array<i64: 2048, 128>}, {pipeline_mode = #tpu.pipeline_mode<synchronous>, transform_indices = @transform_4, window_bounds = array<i64: 1024, 1024>}, {transform_indices = @transform_5, window_bounds = array<i64: 4, 32, 1024>}]} {
    %eq3A = arith.constant 0 : i32
    %eq3A_0 = arith.cmpi eq, %arg0, %eq3A : i32
    %convert_element_type3A = arith.extui %eq3A_0 : i1 to i32
    %cond3A = arith.constant 0 : i32
    %cond3A_1 = arith.cmpi ne, %convert_element_type3A, %cond3A : i32
    scf.if %cond3A_1 {
      %get3A_1142 = arith.constant 0 : index
      %get3A_1143 = arith.constant 0 : index
      %get3A_1144 = vector.load %arg3[%get3A_1142, %get3A_1143] : memref<1024x1024xf32, #tpu.memory_space<vmem>>, vector<1024x1024xf32>
      %get3A_1145 = arith.constant 0 : index
      %get3A_1146 = arith.constant 0 : index
      %get3A_1147 = vector.load %arg4[%get3A_1145, %get3A_1146] : memref<2048x128xf32, #tpu.memory_space<vmem>>, vector<2048x128xf32>
      %get3A_1148 = arith.constant 0 : index
      %get3A_1149 = arith.constant 0 : index
      %get3A_1150 = vector.load %arg5[%get3A_1148, %get3A_1149] : memref<1024x1024xf32, #tpu.memory_space<vmem>>, vector<1024x1024xf32>
      %slice3A_1151 = vector.extract_strided_slice %get3A_1144 {offsets = [0, 0], sizes = [64, 1024], strides = [1, 1]} : vector<1024x1024xf32> to vector<64x1024xf32>
      %slice3A_1152 = vector.extract_strided_slice %get3A_1147 {offsets = [0, 0], sizes = [64, 128], strides = [1, 1]} : vector<2048x128xf32> to vector<64x128xf32>
      %dot_general3A_1153 = arith.constant dense<0.000000e+00> : vector<1024x128xf32>
      %dot_general3A_1154 = tpu.matmul %slice3A_1151, %slice3A_1152, %dot_general3A_1153 {dimension_numbers = #tpu.dot_dimension_numbers<[0], [0], [1], [1], [0, 1, 1, 1], [], []>, transpose_lhs_hint = false} : vector<64x1024xf32>, vector<64x128xf32>, vector<1024x128xf32> -> vector<1024x128xf32>
      %convert_element_type3A_1155 = arith.truncf %dot_general3A_1154 : vector<1024x128xf32> to vector<1024x128xbf16>
      %swap3A_1156 = arith.constant 0 : index
      %swap3A_1157 = arith.constant 0 : index
      %swap3A_1158 = vector.load %arg7[%swap3A_1156, %swap3A_1157] : memref<16384x128xbf16, #tpu.memory_space<vmem>>, vector<1024x128xbf16>
      tpu.vector_store %arg7[%swap3A_1156, %swap3A_1157], %convert_element_type3A_1155 {strides = array<i32>} : memref<16384x128xbf16, #tpu.memory_space<vmem>>, vector<1024x128xbf16>,
      %slice3A_1159 = vector.extract_strided_slice %get3A_1147 {offsets = [1024, 0], sizes = [64, 128], strides = [1, 1]} : vector<2048x128xf32> to vector<64x128xf32>
      %slice3A_1160 = vector.extract_strided_slice %get3A_1150 {offsets = [0, 0], sizes = [64, 1024], strides = [1, 1]} : vector<1024x1024xf32> to vector<64x1024xf32>
      %dot_general3A_1161 = arith.constant dense<0.000000e+00> : vector<128x1024xf32>
      %dot_general3A_1162 = tpu.matmul %slice3A_1159, %slice3A_1160, %dot_general3A_1161 {dimension_numbers = #tpu.dot_dimension_numbers<[0], [0], [1], [1], [0, 1, 1, 1], [], []>, transpose_lhs_hint = false} : vector<64x128xf32>, vector<64x1024xf32>, vector<128x1024xf32> -> vector<128x1024xf32>
      %convert_element_type3A_1163 = arith.truncf %dot_general3A_1162 : vector<128x1024xf32> to vector<128x1024xbf16>
      %swap3A_1164 = arith.constant 0 : index
      %swap3A_1165 = arith.constant 0 : index
      %swap3A_1166 = vector.load %arg8[%swap3A_1164, %swap3A_1165] : memref<2048x1024xbf16, #tpu.memory_space<vmem>>, vector<128x1024xbf16>
      tpu.vector_store %arg8[%swap3A_1164, %swap3A_1165], %convert_element_type3A_1163 {strides = array<i32>} : memref<2048x1024xbf16, #tpu.memory_space<vmem>>, vector<128x1024xbf16>,
      %slice3A_1167 = vector.extract_strided_slice %get3A_1144 {offsets = [64, 0], sizes = [64, 1024], strides = [1, 1]} : vector<1024x1024xf32> to vector<64x1024xf32>
      %slice3A_1168 = vector.extract_strided_slice %get3A_1147 {offsets = [64, 0], sizes = [64, 128], strides = [1, 1]} : vector<2048x128xf32> to vector<64x128xf32>
      %dot_general3A_1169 = arith.constant dense<0.000000e+00> : vector<1024x128xf32>
      %dot_general3A_1170 = tpu.matmul %slice3A_1167, %slice3A_1168, %dot_general3A_1169 {dimension_numbers = #tpu.dot_dimension_numbers<[0], [0], [1], [1], [0, 1, 1, 1], [], []>, transpose_lhs_hint = false} : vector<64x1024xf32>, vector<64x128xf32>, vector<1024x128xf32> -> vector<1024x128xf32>
      %convert_element_type3A_1171 = arith.truncf %dot_general3A_1170 : vector<1024x128xf32> to vector<1024x128xbf16>
      %swap3A_1172 = arith.constant 1024 : index
      %swap3A_1173 = arith.constant 0 : index
      %swap3A_1174 = vector.load %arg7[%swap3A_1172, %swap3A_1173] : memref<16384x128xbf16, #tpu.memory_space<vmem>>, vector<1024x128xbf16>
      tpu.vector_store %arg7[%swap3A_1172, %swap3A_1173], %convert_element_type3A_1171 {strides = array<i32>} : memref<16384x128xbf16, #tpu.memory_space<vmem>>, vector<1024x128xbf16>,
      %slice3A_1175 = vector.extract_strided_slice %get3A_1147 {offsets = [1088, 0], sizes = [64, 128], strides = [1, 1]} : vector<2048x128xf32> to vector<64x128xf32>
      %slice3A_1176 = vector.extract_strided_slice %get3A_1150 {offsets = [64, 0], sizes = [64, 1024], strides = [1, 1]} : vector<1024x1024xf32> to vector<64x1024xf32>
      %dot_general3A_1177 = arith.constant dense<0.000000e+00> : vector<128x1024xf32>
      %dot_general3A_1178 = tpu.matmul %slice3A_1175, %slice3A_1176, %dot_general3A_1177 {dimension_numbers = #tpu.dot_dimension_numbers<[0], [0], [1], [1], [0, 1, 1, 1], [], []>, transpose_lhs_hint = false} : vector<64x128xf32>, vector<64x1024xf32>, vector<128x1024xf32> -> vector<128x1024xf32>
      %convert_element_type3A_1179 = arith.truncf %dot_general3A_1178 : vector<128x1024xf32> to vector<128x1024xbf16>
      %swap3A_1180 = arith.constant 128 : index
      %swap3A_1181 = arith.constant 0 : index
      %swap3A_1182 = vector.load %arg8[%swap3A_1180, %swap3A_1181] : memref<2048x1024xbf16, #tpu.memory_space<vmem>>, vector<128x1024xbf16>
      tpu.vector_store %arg8[%swap3A_1180, %swap3A_1181], %convert_element_type3A_1179 {strides = array<i32>} : memref<2048x1024xbf16, #tpu.memory_space<vmem>>, vector<128x1024xbf16>,
      %slice3A_1183 = vector.extract_strided_slice %get3A_1144 {offsets = [128, 0], sizes = [64, 1024], strides = [1, 1]} : vector<1024x1024xf32> to vector<64x1024xf32>
      %slice3A_1184 = vector.extract_strided_slice %get3A_1147 {offsets = [128, 0], sizes = [64, 128], strides = [1, 1]} : vector<2048x128xf32> to vector<64x128xf32>
      %dot_general3A_1185 = arith.constant dense<0.000000e+00> : vector<1024x128xf32>
      %dot_general3A_1186 = tpu.matmul %slice3A_1183, %slice3A_1184, %dot_general3A_1185 {dimension_numbers = #tpu.dot_dimension_numbers<[0], [0], [1], [1], [0, 1, 1, 1], [], []>, transpose_lhs_hint = false} : vector<64x1024xf32>, vector<64x128xf32>, vector<1024x128xf32> -> vector<1024x128xf32>
      %convert_element_type3A_1187 = arith.truncf %dot_general3A_1186 : vector<1024x128xf32> to vector<1024x128xbf16>
      %swap3A_1188 = arith.constant 2048 : index
      %swap3A_1189 = arith.constant 0 : index
      %swap3A_1190 = vector.load %arg7[%swap3A_1188, %swap3A_1189] : memref<16384x128xbf16, #tpu.memory_space<vmem>>, vector<1024x128xbf16>
      tpu.vector_store %arg7[%swap3A_1188, %swap3A_1189], %convert_element_type3A_1187 {strides = array<i32>} : memref<16384x128xbf16, #tpu.memory_space<vmem>>, vector<1024x128xbf16>,
      %slice3A_1191 = vector.extract_strided_slice %get3A_1147 {offsets = [1152, 0], sizes = [64, 128], strides = [1, 1]} : vector<2048x128xf32> to vector<64x128xf32>
      %slice3A_1192 = vector.extract_strided_slice %get3A_1150 {offsets = [128, 0], sizes = [64, 1024], strides = [1, 1]} : vector<1024x1024xf32> to vector<64x1024xf32>
      %dot_general3A_1193 = arith.constant dense<0.000000e+00> : vector<128x1024xf32>
      %dot_general3A_1194 = tpu.matmul %slice3A_1191, %slice3A_1192, %dot_general3A_1193 {dimension_numbers = #tpu.dot_dimension_numbers<[0], [0], [1], [1], [0, 1, 1, 1], [], []>, transpose_lhs_hint = false} : vector<64x128xf32>, vector<64x1024xf32>, vector<128x1024xf32> -> vector<128x1024xf32>
      %convert_element_type3A_1195 = arith.truncf %dot_general3A_1194 : vector<128x1024xf32> to vector<128x1024xbf16>
      %swap3A_1196 = arith.constant 256 : index
      %swap3A_1197 = arith.constant 0 : index
      %swap3A_1198 = vector.load %arg8[%swap3A_1196, %swap3A_1197] : memref<2048x1024xbf16, #tpu.memory_space<vmem>>, vector<128x1024xbf16>
      tpu.vector_store %arg8[%swap3A_1196, %swap3A_1197], %convert_element_type3A_1195 {strides = array<i32>} : memref<2048x1024xbf16, #tpu.memory_space<vmem>>, vector<128x1024xbf16>,
      %slice3A_1199 = vector.extract_strided_slice %get3A_1144 {offsets = [192, 0], sizes = [64, 1024], strides = [1, 1]} : vector<1024x1024xf32> to vector<64x1024xf32>
      %slice3A_1200 = vector.extract_strided_slice %get3A_1147 {offsets = [192, 0], sizes = [64, 128], strides = [1, 1]} : vector<2048x128xf32> to vector<64x128xf32>
      %dot_general3A_1201 = arith.constant dense<0.000000e+00> : vector<1024x128xf32>
      %dot_general3A_1202 = tpu.matmul %slice3A_1199, %slice3A_1200, %dot_general3A_1201 {dimension_numbers = #tpu.dot_dimension_numbers<[0], [0], [1], [1], [0, 1, 1, 1], [], []>, transpose_lhs_hint = false} : vector<64x1024xf32>, vector<64x128xf32>, vector<1024x128xf32> -> vector<1024x128xf32>
      %convert_element_type3A_1203 = arith.truncf %dot_general3A_1202 : vector<1024x128xf32> to vector<1024x128xbf16>
      %swap3A_1204 = arith.constant 3072 : index
      %swap3A_1205 = arith.constant 0 : index
      %swap3A_1206 = vector.load %arg7[%swap3A_1204, %swap3A_1205] : memref<16384x128xbf16, #tpu.memory_space<vmem>>, vector<1024x128xbf16>
      tpu.vector_store %arg7[%swap3A_1204, %swap3A_1205], %convert_element_type3A_1203 {strides = array<i32>} : memref<16384x128xbf16, #tpu.memory_space<vmem>>, vector<1024x128xbf16>,
      %slice3A_1207 = vector.extract_strided_slice %get3A_1147 {offsets = [1216, 0], sizes = [64, 128], strides = [1, 1]} : vector<2048x128xf32> to vector<64x128xf32>
      %slice3A_1208 = vector.extract_strided_slice %get3A_1150 {offsets = [192, 0], sizes = [64, 1024], strides = [1, 1]} : vector<1024x1024xf32> to vector<64x1024xf32>
      %dot_general3A_1209 = arith.constant dense<0.000000e+00> : vector<128x1024xf32>
      %dot_general3A_1210 = tpu.matmul %slice3A_1207, %slice3A_1208, %dot_general3A_1209 {dimension_numbers = #tpu.dot_dimension_numbers<[0], [0], [1], [1], [0, 1, 1, 1], [], []>, transpose_lhs_hint = false} : vector<64x128xf32>, vector<64x1024xf32>, vector<128x1024xf32> -> vector<128x1024xf32>
      %convert_element_type3A_1211 = arith.truncf %dot_general3A_1210 : vector<128x1024xf32> to vector<128x1024xbf16>
      %swap3A_1212 = arith.constant 384 : index
      %swap3A_1213 = arith.constant 0 : index
      %swap3A_1214 = vector.load %arg8[%swap3A_1212, %swap3A_1213] : memref<2048x1024xbf16, #tpu.memory_space<vmem>>, vector<128x1024xbf16>
      tpu.vector_store %arg8[%swap3A_1212, %swap3A_1213], %convert_element_type3A_1211 {strides = array<i32>} : memref<2048x1024xbf16, #tpu.memory_space<vmem>>, vector<128x1024xbf16>,
      %slice3A_1215 = vector.extract_strided_slice %get3A_1144 {offsets = [256, 0], sizes = [64, 1024], strides = [1, 1]} : vector<1024x1024xf32> to vector<64x1024xf32>
      %slice3A_1216 = vector.extract_strided_slice %get3A_1147 {offsets = [256, 0], sizes = [64, 128], strides = [1, 1]} : vector<2048x128xf32> to vector<64x128xf32>
      %dot_general3A_1217 = arith.constant dense<0.000000e+00> : vector<1024x128xf32>
      %dot_general3A_1218 = tpu.matmul %slice3A_1215, %slice3A_1216, %dot_general3A_1217 {dimension_numbers = #tpu.dot_dimension_numbers<[0], [0], [1], [1], [0, 1, 1, 1], [], []>, transpose_lhs_hint = false} : vector<64x1024xf32>, vector<64x128xf32>, vector<1024x128xf32> -> vector<1024x128xf32>
      %convert_element_type3A_1219 = arith.truncf %dot_general3A_1218 : vector<1024x128xf32> to vector<1024x128xbf16>
      %swap3A_1220 = arith.constant 4096 : index
      %swap3A_1221 = arith.constant 0 : index
      %swap3A_1222 = vector.load %arg7[%swap3A_1220, %swap3A_1221] : memref<16384x128xbf16, #tpu.memory_space<vmem>>, vector<1024x128xbf16>
      tpu.vector_store %arg7[%swap3A_1220, %swap3A_1221], %convert_element_type3A_1219 {strides = array<i32>} : memref<16384x128xbf16, #tpu.memory_space<vmem>>, vector<1024x128xbf16>,
      %slice3A_1223 = vector.extract_strided_slice %get3A_1147 {offsets = [1280, 0], sizes = [64, 128], strides = [1, 1]} : vector<2048x128xf32> to vector<64x128xf32>
      %slice3A_1224 = vector.extract_strided_slice %get3A_1150 {offsets = [256, 0], sizes = [64, 1024], strides = [1, 1]} : vector<1024x1024xf32> to vector<64x1024xf32>
      %dot_general3A_1225 = arith.constant dense<0.000000e+00> : vector<128x1024xf32>
      %dot_general3A_1226 = tpu.matmul %slice3A_1223, %slice3A_1224, %dot_general3A_1225 {dimension_numbers = #tpu.dot_dimension_numbers<[0], [0], [1], [1], [0, 1, 1, 1], [], []>, transpose_lhs_hint = false} : vector<64x128xf32>, vector<64x1024xf32>, vector<128x1024xf32> -> vector<128x1024xf32>
      %convert_element_type3A_1227 = arith.truncf %dot_general3A_1226 : vector<128x1024xf32> to vector<128x1024xbf16>
      %swap3A_1228 = arith.constant 512 : index
      %swap3A_1229 = arith.constant 0 : index
      %swap3A_1230 = vector.load %arg8[%swap3A_1228, %swap3A_1229] : memref<2048x1024xbf16, #tpu.memory_space<vmem>>, vector<128x1024xbf16>
      tpu.vector_store %arg8[%swap3A_1228, %swap3A_1229], %convert_element_type3A_1227 {strides = array<i32>} : memref<2048x1024xbf16, #tpu.memory_space<vmem>>, vector<128x1024xbf16>,
      %slice3A_1231 = vector.extract_strided_slice %get3A_1144 {offsets = [320, 0], sizes = [64, 1024], strides = [1, 1]} : vector<1024x1024xf32> to vector<64x1024xf32>
      %slice3A_1232 = vector.extract_strided_slice %get3A_1147 {offsets = [320, 0], sizes = [64, 128], strides = [1, 1]} : vector<2048x128xf32> to vector<64x128xf32>
      %dot_general3A_1233 = arith.constant dense<0.000000e+00> : vector<1024x128xf32>
      %dot_general3A_1234 = tpu.matmul %slice3A_1231, %slice3A_1232, %dot_general3A_1233 {dimension_numbers = #tpu.dot_dimension_numbers<[0], [0], [1], [1], [0, 1, 1, 1], [], []>, transpose_lhs_hint = false} : vector<64x1024xf32>, vector<64x128xf32>, vector<1024x128xf32> -> vector<1024x128xf32>
      %convert_element_type3A_1235 = arith.truncf %dot_general3A_1234 : vector<1024x128xf32> to vector<1024x128xbf16>
      %swap3A_1236 = arith.constant 5120 : index
      %swap3A_1237 = arith.constant 0 : index
      %swap3A_1238 = vector.load %arg7[%swap3A_1236, %swap3A_1237] : memref<16384x128xbf16, #tpu.memory_space<vmem>>, vector<1024x128xbf16>
      tpu.vector_store %arg7[%swap3A_1236, %swap3A_1237], %convert_element_type3A_1235 {strides = array<i32>} : memref<16384x128xbf16, #tpu.memory_space<vmem>>, vector<1024x128xbf16>,
      %slice3A_1239 = vector.extract_strided_slice %get3A_1147 {offsets = [1344, 0], sizes = [64, 128], strides = [1, 1]} : vector<2048x128xf32> to vector<64x128xf32>
      %slice3A_1240 = vector.extract_strided_slice %get3A_1150 {offsets = [320, 0], sizes = [64, 1024], strides = [1, 1]} : vector<1024x1024xf32> to vector<64x1024xf32>
      %dot_general3A_1241 = arith.constant dense<0.000000e+00> : vector<128x1024xf32>
      %dot_general3A_1242 = tpu.matmul %slice3A_1239, %slice3A_1240, %dot_general3A_1241 {dimension_numbers = #tpu.dot_dimension_numbers<[0], [0], [1], [1], [0, 1, 1, 1], [], []>, transpose_lhs_hint = false} : vector<64x128xf32>, vector<64x1024xf32>, vector<128x1024xf32> -> vector<128x1024xf32>
      %convert_element_type3A_1243 = arith.truncf %dot_general3A_1242 : vector<128x1024xf32> to vector<128x1024xbf16>
      %swap3A_1244 = arith.constant 640 : index
      %swap3A_1245 = arith.constant 0 : index
      %swap3A_1246 = vector.load %arg8[%swap3A_1244, %swap3A_1245] : memref<2048x1024xbf16, #tpu.memory_space<vmem>>, vector<128x1024xbf16>
      tpu.vector_store %arg8[%swap3A_1244, %swap3A_1245], %convert_element_type3A_1243 {strides = array<i32>} : memref<2048x1024xbf16, #tpu.memory_space<vmem>>, vector<128x1024xbf16>,
      %slice3A_1247 = vector.extract_strided_slice %get3A_1144 {offsets = [384, 0], sizes = [64, 1024], strides = [1, 1]} : vector<1024x1024xf32> to vector<64x1024xf32>
      %slice3A_1248 = vector.extract_strided_slice %get3A_1147 {offsets = [384, 0], sizes = [64, 128], strides = [1, 1]} : vector<2048x128xf32> to vector<64x128xf32>
      %dot_general3A_1249 = arith.constant dense<0.000000e+00> : vector<1024x128xf32>
      %dot_general3A_1250 = tpu.matmul %slice3A_1247, %slice3A_1248, %dot_general3A_1249 {dimension_numbers = #tpu.dot_dimension_numbers<[0], [0], [1], [1], [0, 1, 1, 1], [], []>, transpose_lhs_hint = false} : vector<64x1024xf32>, vector<64x128xf32>, vector<1024x128xf32> -> vector<1024x128xf32>
      %convert_element_type3A_1251 = arith.truncf %dot_general3A_1250 : vector<1024x128xf32> to vector<1024x128xbf16>
      %swap3A_1252 = arith.constant 6144 : index
      %swap3A_1253 = arith.constant 0 : index
      %swap3A_1254 = vector.load %arg7[%swap3A_1252, %swap3A_1253] : memref<16384x128xbf16, #tpu.memory_space<vmem>>, vector<1024x128xbf16>
      tpu.vector_store %arg7[%swap3A_1252, %swap3A_1253], %convert_element_type3A_1251 {strides = array<i32>} : memref<16384x128xbf16, #tpu.memory_space<vmem>>, vector<1024x128xbf16>,
      %slice3A_1255 = vector.extract_strided_slice %get3A_1147 {offsets = [1408, 0], sizes = [64, 128], strides = [1, 1]} : vector<2048x128xf32> to vector<64x128xf32>
      %slice3A_1256 = vector.extract_strided_slice %get3A_1150 {offsets = [384, 0], sizes = [64, 1024], strides = [1, 1]} : vector<1024x1024xf32> to vector<64x1024xf32>
      %dot_general3A_1257 = arith.constant dense<0.000000e+00> : vector<128x1024xf32>
      %dot_general3A_1258 = tpu.matmul %slice3A_1255, %slice3A_1256, %dot_general3A_1257 {dimension_numbers = #tpu.dot_dimension_numbers<[0], [0], [1], [1], [0, 1, 1, 1], [], []>, transpose_lhs_hint = false} : vector<64x128xf32>, vector<64x1024xf32>, vector<128x1024xf32> -> vector<128x1024xf32>
      %convert_element_type3A_1259 = arith.truncf %dot_general3A_1258 : vector<128x1024xf32> to vector<128x1024xbf16>
      %swap3A_1260 = arith.constant 768 : index
      %swap3A_1261 = arith.constant 0 : index
      %swap3A_1262 = vector.load %arg8[%swap3A_1260, %swap3A_1261] : memref<2048x1024xbf16, #tpu.memory_space<vmem>>, vector<128x1024xbf16>
      tpu.vector_store %arg8[%swap3A_1260, %swap3A_1261], %convert_element_type3A_1259 {strides = array<i32>} : memref<2048x1024xbf16, #tpu.memory_space<vmem>>, vector<128x1024xbf16>,
      %slice3A_1263 = vector.extract_strided_slice %get3A_1144 {offsets = [448, 0], sizes = [64, 1024], strides = [1, 1]} : vector<1024x1024xf32> to vector<64x1024xf32>
      %slice3A_1264 = vector.extract_strided_slice %get3A_1147 {offsets = [448, 0], sizes = [64, 128], strides = [1, 1]} : vector<2048x128xf32> to vector<64x128xf32>
      %dot_general3A_1265 = arith.constant dense<0.000000e+00> : vector<1024x128xf32>
      %dot_general3A_1266 = tpu.matmul %slice3A_1263, %slice3A_1264, %dot_general3A_1265 {dimension_numbers = #tpu.dot_dimension_numbers<[0], [0], [1], [1], [0, 1, 1, 1], [], []>, transpose_lhs_hint = false} : vector<64x1024xf32>, vector<64x128xf32>, vector<1024x128xf32> -> vector<1024x128xf32>
      %convert_element_type3A_1267 = arith.truncf %dot_general3A_1266 : vector<1024x128xf32> to vector<1024x128xbf16>
      %swap3A_1268 = arith.constant 7168 : index
      %swap3A_1269 = arith.constant 0 : index
      %swap3A_1270 = vector.load %arg7[%swap3A_1268, %swap3A_1269] : memref<16384x128xbf16, #tpu.memory_space<vmem>>, vector<1024x128xbf16>
      tpu.vector_store %arg7[%swap3A_1268, %swap3A_1269], %convert_element_type3A_1267 {strides = array<i32>} : memref<16384x128xbf16, #tpu.memory_space<vmem>>, vector<1024x128xbf16>,
      %slice3A_1271 = vector.extract_strided_slice %get3A_1147 {offsets = [1472, 0], sizes = [64, 128], strides = [1, 1]} : vector<2048x128xf32> to vector<64x128xf32>
      %slice3A_1272 = vector.extract_strided_slice %get3A_1150 {offsets = [448, 0], sizes = [64, 1024], strides = [1, 1]} : vector<1024x1024xf32> to vector<64x1024xf32>
      %dot_general3A_1273 = arith.constant dense<0.000000e+00> : vector<128x1024xf32>
      %dot_general3A_1274 = tpu.matmul %slice3A_1271, %slice3A_1272, %dot_general3A_1273 {dimension_numbers = #tpu.dot_dimension_numbers<[0], [0], [1], [1], [0, 1, 1, 1], [], []>, transpose_lhs_hint = false} : vector<64x128xf32>, vector<64x1024xf32>, vector<128x1024xf32> -> vector<128x1024xf32>
      %convert_element_type3A_1275 = arith.truncf %dot_general3A_1274 : vector<128x1024xf32> to vector<128x1024xbf16>
      %swap3A_1276 = arith.constant 896 : index
      %swap3A_1277 = arith.constant 0 : index
      %swap3A_1278 = vector.load %arg8[%swap3A_1276, %swap3A_1277] : memref<2048x1024xbf16, #tpu.memory_space<vmem>>, vector<128x1024xbf16>
      tpu.vector_store %arg8[%swap3A_1276, %swap3A_1277], %convert_element_type3A_1275 {strides = array<i32>} : memref<2048x1024xbf16, #tpu.memory_space<vmem>>, vector<128x1024xbf16>,
      %slice3A_1279 = vector.extract_strided_slice %get3A_1144 {offsets = [512, 0], sizes = [64, 1024], strides = [1, 1]} : vector<1024x1024xf32> to vector<64x1024xf32>
      %slice3A_1280 = vector.extract_strided_slice %get3A_1147 {offsets = [512, 0], sizes = [64, 128], strides = [1, 1]} : vector<2048x128xf32> to vector<64x128xf32>
      %dot_general3A_1281 = arith.constant dense<0.000000e+00> : vector<1024x128xf32>
      %dot_general3A_1282 = tpu.matmul %slice3A_1279, %slice3A_1280, %dot_general3A_1281 {dimension_numbers = #tpu.dot_dimension_numbers<[0], [0], [1], [1], [0, 1, 1, 1], [], []>, transpose_lhs_hint = false} : vector<64x1024xf32>, vector<64x128xf32>, vector<1024x128xf32> -> vector<1024x128xf32>
      %convert_element_type3A_1283 = arith.truncf %dot_general3A_1282 : vector<1024x128xf32> to vector<1024x128xbf16>
      %swap3A_1284 = arith.constant 8192 : index
      %swap3A_1285 = arith.constant 0 : index
      %swap3A_1286 = vector.load %arg7[%swap3A_1284, %swap3A_1285] : memref<16384x128xbf16, #tpu.memory_space<vmem>>, vector<1024x128xbf16>
      tpu.vector_store %arg7[%swap3A_1284, %swap3A_1285], %convert_element_type3A_1283 {strides = array<i32>} : memref<16384x128xbf16, #tpu.memory_space<vmem>>, vector<1024x128xbf16>,
      %slice3A_1287 = vector.extract_strided_slice %get3A_1147 {offsets = [1536, 0], sizes = [64, 128], strides = [1, 1]} : vector<2048x128xf32> to vector<64x128xf32>
      %slice3A_1288 = vector.extract_strided_slice %get3A_1150 {offsets = [512, 0], sizes = [64, 1024], strides = [1, 1]} : vector<1024x1024xf32> to vector<64x1024xf32>
      %dot_general3A_1289 = arith.constant dense<0.000000e+00> : vector<128x1024xf32>
      %dot_general3A_1290 = tpu.matmul %slice3A_1287, %slice3A_1288, %dot_general3A_1289 {dimension_numbers = #tpu.dot_dimension_numbers<[0], [0], [1], [1], [0, 1, 1, 1], [], []>, transpose_lhs_hint = false} : vector<64x128xf32>, vector<64x1024xf32>, vector<128x1024xf32> -> vector<128x1024xf32>
      %convert_element_type3A_1291 = arith.truncf %dot_general3A_1290 : vector<128x1024xf32> to vector<128x1024xbf16>
      %swap3A_1292 = arith.constant 1024 : index
      %swap3A_1293 = arith.constant 0 : index
      %swap3A_1294 = vector.load %arg8[%swap3A_1292, %swap3A_1293] : memref<2048x1024xbf16, #tpu.memory_space<vmem>>, vector<128x1024xbf16>
      tpu.vector_store %arg8[%swap3A_1292, %swap3A_1293], %convert_element_type3A_1291 {strides = array<i32>} : memref<2048x1024xbf16, #tpu.memory_space<vmem>>, vector<128x1024xbf16>,
      %slice3A_1295 = vector.extract_strided_slice %get3A_1144 {offsets = [576, 0], sizes = [64, 1024], strides = [1, 1]} : vector<1024x1024xf32> to vector<64x1024xf32>
      %slice3A_1296 = vector.extract_strided_slice %get3A_1147 {offsets = [576, 0], sizes = [64, 128], strides = [1, 1]} : vector<2048x128xf32> to vector<64x128xf32>
      %dot_general3A_1297 = arith.constant dense<0.000000e+00> : vector<1024x128xf32>
      %dot_general3A_1298 = tpu.matmul %slice3A_1295, %slice3A_1296, %dot_general3A_1297 {dimension_numbers = #tpu.dot_dimension_numbers<[0], [0], [1], [1], [0, 1, 1, 1], [], []>, transpose_lhs_hint = false} : vector<64x1024xf32>, vector<64x128xf32>, vector<1024x128xf32> -> vector<1024x128xf32>
      %convert_element_type3A_1299 = arith.truncf %dot_general3A_1298 : vector<1024x128xf32> to vector<1024x128xbf16>
      %swap3A_1300 = arith.constant 9216 : index
      %swap3A_1301 = arith.constant 0 : index
      %swap3A_1302 = vector.load %arg7[%swap3A_1300, %swap3A_1301] : memref<16384x128xbf16, #tpu.memory_space<vmem>>, vector<1024x128xbf16>
      tpu.vector_store %arg7[%swap3A_1300, %swap3A_1301], %convert_element_type3A_1299 {strides = array<i32>} : memref<16384x128xbf16, #tpu.memory_space<vmem>>, vector<1024x128xbf16>,
      %slice3A_1303 = vector.extract_strided_slice %get3A_1147 {offsets = [1600, 0], sizes = [64, 128], strides = [1, 1]} : vector<2048x128xf32> to vector<64x128xf32>
      %slice3A_1304 = vector.extract_strided_slice %get3A_1150 {offsets = [576, 0], sizes = [64, 1024], strides = [1, 1]} : vector<1024x1024xf32> to vector<64x1024xf32>
      %dot_general3A_1305 = arith.constant dense<0.000000e+00> : vector<128x1024xf32>
      %dot_general3A_1306 = tpu.matmul %slice3A_1303, %slice3A_1304, %dot_general3A_1305 {dimension_numbers = #tpu.dot_dimension_numbers<[0], [0], [1], [1], [0, 1, 1, 1], [], []>, transpose_lhs_hint = false} : vector<64x128xf32>, vector<64x1024xf32>, vector<128x1024xf32> -> vector<128x1024xf32>
      %convert_element_type3A_1307 = arith.truncf %dot_general3A_1306 : vector<128x1024xf32> to vector<128x1024xbf16>
      %swap3A_1308 = arith.constant 1152 : index
      %swap3A_1309 = arith.constant 0 : index
      %swap3A_1310 = vector.load %arg8[%swap3A_1308, %swap3A_1309] : memref<2048x1024xbf16, #tpu.memory_space<vmem>>, vector<128x1024xbf16>
      tpu.vector_store %arg8[%swap3A_1308, %swap3A_1309], %convert_element_type3A_1307 {strides = array<i32>} : memref<2048x1024xbf16, #tpu.memory_space<vmem>>, vector<128x1024xbf16>,
      %slice3A_1311 = vector.extract_strided_slice %get3A_1144 {offsets = [640, 0], sizes = [64, 1024], strides = [1, 1]} : vector<1024x1024xf32> to vector<64x1024xf32>
      %slice3A_1312 = vector.extract_strided_slice %get3A_1147 {offsets = [640, 0], sizes = [64, 128], strides = [1, 1]} : vector<2048x128xf32> to vector<64x128xf32>
      %dot_general3A_1313 = arith.constant dense<0.000000e+00> : vector<1024x128xf32>
      %dot_general3A_1314 = tpu.matmul %slice3A_1311, %slice3A_1312, %dot_general3A_1313 {dimension_numbers = #tpu.dot_dimension_numbers<[0], [0], [1], [1], [0, 1, 1, 1], [], []>, transpose_lhs_hint = false} : vector<64x1024xf32>, vector<64x128xf32>, vector<1024x128xf32> -> vector<1024x128xf32>
      %convert_element_type3A_1315 = arith.truncf %dot_general3A_1314 : vector<1024x128xf32> to vector<1024x128xbf16>
      %swap3A_1316 = arith.constant 10240 : index
      %swap3A_1317 = arith.constant 0 : index
      %swap3A_1318 = vector.load %arg7[%swap3A_1316, %swap3A_1317] : memref<16384x128xbf16, #tpu.memory_space<vmem>>, vector<1024x128xbf16>
      tpu.vector_store %arg7[%swap3A_1316, %swap3A_1317], %convert_element_type3A_1315 {strides = array<i32>} : memref<16384x128xbf16, #tpu.memory_space<vmem>>, vector<1024x128xbf16>,
      %slice3A_1319 = vector.extract_strided_slice %get3A_1147 {offsets = [1664, 0], sizes = [64, 128], strides = [1, 1]} : vector<2048x128xf32> to vector<64x128xf32>
      %slice3A_1320 = vector.extract_strided_slice %get3A_1150 {offsets = [640, 0], sizes = [64, 1024], strides = [1, 1]} : vector<1024x1024xf32> to vector<64x1024xf32>
      %dot_general3A_1321 = arith.constant dense<0.000000e+00> : vector<128x1024xf32>
      %dot_general3A_1322 = tpu.matmul %slice3A_1319, %slice3A_1320, %dot_general3A_1321 {dimension_numbers = #tpu.dot_dimension_numbers<[0], [0], [1], [1], [0, 1, 1, 1], [], []>, transpose_lhs_hint = false} : vector<64x128xf32>, vector<64x1024xf32>, vector<128x1024xf32> -> vector<128x1024xf32>
      %convert_element_type3A_1323 = arith.truncf %dot_general3A_1322 : vector<128x1024xf32> to vector<128x1024xbf16>
      %swap3A_1324 = arith.constant 1280 : index
      %swap3A_1325 = arith.constant 0 : index
      %swap3A_1326 = vector.load %arg8[%swap3A_1324, %swap3A_1325] : memref<2048x1024xbf16, #tpu.memory_space<vmem>>, vector<128x1024xbf16>
      tpu.vector_store %arg8[%swap3A_1324, %swap3A_1325], %convert_element_type3A_1323 {strides = array<i32>} : memref<2048x1024xbf16, #tpu.memory_space<vmem>>, vector<128x1024xbf16>,
      %slice3A_1327 = vector.extract_strided_slice %get3A_1144 {offsets = [704, 0], sizes = [64, 1024], strides = [1, 1]} : vector<1024x1024xf32> to vector<64x1024xf32>
      %slice3A_1328 = vector.extract_strided_slice %get3A_1147 {offsets = [704, 0], sizes = [64, 128], strides = [1, 1]} : vector<2048x128xf32> to vector<64x128xf32>
      %dot_general3A_1329 = arith.constant dense<0.000000e+00> : vector<1024x128xf32>
      %dot_general3A_1330 = tpu.matmul %slice3A_1327, %slice3A_1328, %dot_general3A_1329 {dimension_numbers = #tpu.dot_dimension_numbers<[0], [0], [1], [1], [0, 1, 1, 1], [], []>, transpose_lhs_hint = false} : vector<64x1024xf32>, vector<64x128xf32>, vector<1024x128xf32> -> vector<1024x128xf32>
      %convert_element_type3A_1331 = arith.truncf %dot_general3A_1330 : vector<1024x128xf32> to vector<1024x128xbf16>
      %swap3A_1332 = arith.constant 11264 : index
      %swap3A_1333 = arith.constant 0 : index
      %swap3A_1334 = vector.load %arg7[%swap3A_1332, %swap3A_1333] : memref<16384x128xbf16, #tpu.memory_space<vmem>>, vector<1024x128xbf16>
      tpu.vector_store %arg7[%swap3A_1332, %swap3A_1333], %convert_element_type3A_1331 {strides = array<i32>} : memref<16384x128xbf16, #tpu.memory_space<vmem>>, vector<1024x128xbf16>,
      %slice3A_1335 = vector.extract_strided_slice %get3A_1147 {offsets = [1728, 0], sizes = [64, 128], strides = [1, 1]} : vector<2048x128xf32> to vector<64x128xf32>
      %slice3A_1336 = vector.extract_strided_slice %get3A_1150 {offsets = [704, 0], sizes = [64, 1024], strides = [1, 1]} : vector<1024x1024xf32> to vector<64x1024xf32>
      %dot_general3A_1337 = arith.constant dense<0.000000e+00> : vector<128x1024xf32>
      %dot_general3A_1338 = tpu.matmul %slice3A_1335, %slice3A_1336, %dot_general3A_1337 {dimension_numbers = #tpu.dot_dimension_numbers<[0], [0], [1], [1], [0, 1, 1, 1], [], []>, transpose_lhs_hint = false} : vector<64x128xf32>, vector<64x1024xf32>, vector<128x1024xf32> -> vector<128x1024xf32>
      %convert_element_type3A_1339 = arith.truncf %dot_general3A_1338 : vector<128x1024xf32> to vector<128x1024xbf16>
      %swap3A_1340 = arith.constant 1408 : index
      %swap3A_1341 = arith.constant 0 : index
      %swap3A_1342 = vector.load %arg8[%swap3A_1340, %swap3A_1341] : memref<2048x1024xbf16, #tpu.memory_space<vmem>>, vector<128x1024xbf16>
      tpu.vector_store %arg8[%swap3A_1340, %swap3A_1341], %convert_element_type3A_1339 {strides = array<i32>} : memref<2048x1024xbf16, #tpu.memory_space<vmem>>, vector<128x1024xbf16>,
      %slice3A_1343 = vector.extract_strided_slice %get3A_1144 {offsets = [768, 0], sizes = [64, 1024], strides = [1, 1]} : vector<1024x1024xf32> to vector<64x1024xf32>
      %slice3A_1344 = vector.extract_strided_slice %get3A_1147 {offsets = [768, 0], sizes = [64, 128], strides = [1, 1]} : vector<2048x128xf32> to vector<64x128xf32>
      %dot_general3A_1345 = arith.constant dense<0.000000e+00> : vector<1024x128xf32>
      %dot_general3A_1346 = tpu.matmul %slice3A_1343, %slice3A_1344, %dot_general3A_1345 {dimension_numbers = #tpu.dot_dimension_numbers<[0], [0], [1], [1], [0, 1, 1, 1], [], []>, transpose_lhs_hint = false} : vector<64x1024xf32>, vector<64x128xf32>, vector<1024x128xf32> -> vector<1024x128xf32>
      %convert_element_type3A_1347 = arith.truncf %dot_general3A_1346 : vector<1024x128xf32> to vector<1024x128xbf16>
      %swap3A_1348 = arith.constant 12288 : index
      %swap3A_1349 = arith.constant 0 : index
      %swap3A_1350 = vector.load %arg7[%swap3A_1348, %swap3A_1349] : memref<16384x128xbf16, #tpu.memory_space<vmem>>, vector<1024x128xbf16>
      tpu.vector_store %arg7[%swap3A_1348, %swap3A_1349], %convert_element_type3A_1347 {strides = array<i32>} : memref<16384x128xbf16, #tpu.memory_space<vmem>>, vector<1024x128xbf16>,
      %slice3A_1351 = vector.extract_strided_slice %get3A_1147 {offsets = [1792, 0], sizes = [64, 128], strides = [1, 1]} : vector<2048x128xf32> to vector<64x128xf32>
      %slice3A_1352 = vector.extract_strided_slice %get3A_1150 {offsets = [768, 0], sizes = [64, 1024], strides = [1, 1]} : vector<1024x1024xf32> to vector<64x1024xf32>
      %dot_general3A_1353 = arith.constant dense<0.000000e+00> : vector<128x1024xf32>
      %dot_general3A_1354 = tpu.matmul %slice3A_1351, %slice3A_1352, %dot_general3A_1353 {dimension_numbers = #tpu.dot_dimension_numbers<[0], [0], [1], [1], [0, 1, 1, 1], [], []>, transpose_lhs_hint = false} : vector<64x128xf32>, vector<64x1024xf32>, vector<128x1024xf32> -> vector<128x1024xf32>
      %convert_element_type3A_1355 = arith.truncf %dot_general3A_1354 : vector<128x1024xf32> to vector<128x1024xbf16>
      %swap3A_1356 = arith.constant 1536 : index
      %swap3A_1357 = arith.constant 0 : index
      %swap3A_1358 = vector.load %arg8[%swap3A_1356, %swap3A_1357] : memref<2048x1024xbf16, #tpu.memory_space<vmem>>, vector<128x1024xbf16>
      tpu.vector_store %arg8[%swap3A_1356, %swap3A_1357], %convert_element_type3A_1355 {strides = array<i32>} : memref<2048x1024xbf16, #tpu.memory_space<vmem>>, vector<128x1024xbf16>,
      %slice3A_1359 = vector.extract_strided_slice %get3A_1144 {offsets = [832, 0], sizes = [64, 1024], strides = [1, 1]} : vector<1024x1024xf32> to vector<64x1024xf32>
      %slice3A_1360 = vector.extract_strided_slice %get3A_1147 {offsets = [832, 0], sizes = [64, 128], strides = [1, 1]} : vector<2048x128xf32> to vector<64x128xf32>
      %dot_general3A_1361 = arith.constant dense<0.000000e+00> : vector<1024x128xf32>
      %dot_general3A_1362 = tpu.matmul %slice3A_1359, %slice3A_1360, %dot_general3A_1361 {dimension_numbers = #tpu.dot_dimension_numbers<[0], [0], [1], [1], [0, 1, 1, 1], [], []>, transpose_lhs_hint = false} : vector<64x1024xf32>, vector<64x128xf32>, vector<1024x128xf32> -> vector<1024x128xf32>
      %convert_element_type3A_1363 = arith.truncf %dot_general3A_1362 : vector<1024x128xf32> to vector<1024x128xbf16>
      %swap3A_1364 = arith.constant 13312 : index
      %swap3A_1365 = arith.constant 0 : index
      %swap3A_1366 = vector.load %arg7[%swap3A_1364, %swap3A_1365] : memref<16384x128xbf16, #tpu.memory_space<vmem>>, vector<1024x128xbf16>
      tpu.vector_store %arg7[%swap3A_1364, %swap3A_1365], %convert_element_type3A_1363 {strides = array<i32>} : memref<16384x128xbf16, #tpu.memory_space<vmem>>, vector<1024x128xbf16>,
      %slice3A_1367 = vector.extract_strided_slice %get3A_1147 {offsets = [1856, 0], sizes = [64, 128], strides = [1, 1]} : vector<2048x128xf32> to vector<64x128xf32>
      %slice3A_1368 = vector.extract_strided_slice %get3A_1150 {offsets = [832, 0], sizes = [64, 1024], strides = [1, 1]} : vector<1024x1024xf32> to vector<64x1024xf32>
      %dot_general3A_1369 = arith.constant dense<0.000000e+00> : vector<128x1024xf32>
      %dot_general3A_1370 = tpu.matmul %slice3A_1367, %slice3A_1368, %dot_general3A_1369 {dimension_numbers = #tpu.dot_dimension_numbers<[0], [0], [1], [1], [0, 1, 1, 1], [], []>, transpose_lhs_hint = false} : vector<64x128xf32>, vector<64x1024xf32>, vector<128x1024xf32> -> vector<128x1024xf32>
      %convert_element_type3A_1371 = arith.truncf %dot_general3A_1370 : vector<128x1024xf32> to vector<128x1024xbf16>
      %swap3A_1372 = arith.constant 1664 : index
      %swap3A_1373 = arith.constant 0 : index
      %swap3A_1374 = vector.load %arg8[%swap3A_1372, %swap3A_1373] : memref<2048x1024xbf16, #tpu.memory_space<vmem>>, vector<128x1024xbf16>
      tpu.vector_store %arg8[%swap3A_1372, %swap3A_1373], %convert_element_type3A_1371 {strides = array<i32>} : memref<2048x1024xbf16, #tpu.memory_space<vmem>>, vector<128x1024xbf16>,
      %slice3A_1375 = vector.extract_strided_slice %get3A_1144 {offsets = [896, 0], sizes = [64, 1024], strides = [1, 1]} : vector<1024x1024xf32> to vector<64x1024xf32>
      %slice3A_1376 = vector.extract_strided_slice %get3A_1147 {offsets = [896, 0], sizes = [64, 128], strides = [1, 1]} : vector<2048x128xf32> to vector<64x128xf32>
      %dot_general3A_1377 = arith.constant dense<0.000000e+00> : vector<1024x128xf32>
      %dot_general3A_1378 = tpu.matmul %slice3A_1375, %slice3A_1376, %dot_general3A_1377 {dimension_numbers = #tpu.dot_dimension_numbers<[0], [0], [1], [1], [0, 1, 1, 1], [], []>, transpose_lhs_hint = false} : vector<64x1024xf32>, vector<64x128xf32>, vector<1024x128xf32> -> vector<1024x128xf32>
      %convert_element_type3A_1379 = arith.truncf %dot_general3A_1378 : vector<1024x128xf32> to vector<1024x128xbf16>
      %swap3A_1380 = arith.constant 14336 : index
      %swap3A_1381 = arith.constant 0 : index
      %swap3A_1382 = vector.load %arg7[%swap3A_1380, %swap3A_1381] : memref<16384x128xbf16, #tpu.memory_space<vmem>>, vector<1024x128xbf16>
      tpu.vector_store %arg7[%swap3A_1380, %swap3A_1381], %convert_element_type3A_1379 {strides = array<i32>} : memref<16384x128xbf16, #tpu.memory_space<vmem>>, vector<1024x128xbf16>,
      %slice3A_1383 = vector.extract_strided_slice %get3A_1147 {offsets = [1920, 0], sizes = [64, 128], strides = [1, 1]} : vector<2048x128xf32> to vector<64x128xf32>
      %slice3A_1384 = vector.extract_strided_slice %get3A_1150 {offsets = [896, 0], sizes = [64, 1024], strides = [1, 1]} : vector<1024x1024xf32> to vector<64x1024xf32>
      %dot_general3A_1385 = arith.constant dense<0.000000e+00> : vector<128x1024xf32>
      %dot_general3A_1386 = tpu.matmul %slice3A_1383, %slice3A_1384, %dot_general3A_1385 {dimension_numbers = #tpu.dot_dimension_numbers<[0], [0], [1], [1], [0, 1, 1, 1], [], []>, transpose_lhs_hint = false} : vector<64x128xf32>, vector<64x1024xf32>, vector<128x1024xf32> -> vector<128x1024xf32>
      %convert_element_type3A_1387 = arith.truncf %dot_general3A_1386 : vector<128x1024xf32> to vector<128x1024xbf16>
      %swap3A_1388 = arith.constant 1792 : index
      %swap3A_1389 = arith.constant 0 : index
      %swap3A_1390 = vector.load %arg8[%swap3A_1388, %swap3A_1389] : memref<2048x1024xbf16, #tpu.memory_space<vmem>>, vector<128x1024xbf16>
      tpu.vector_store %arg8[%swap3A_1388, %swap3A_1389], %convert_element_type3A_1387 {strides = array<i32>} : memref<2048x1024xbf16, #tpu.memory_space<vmem>>, vector<128x1024xbf16>,
      %slice3A_1391 = vector.extract_strided_slice %get3A_1144 {offsets = [960, 0], sizes = [64, 1024], strides = [1, 1]} : vector<1024x1024xf32> to vector<64x1024xf32>
      %slice3A_1392 = vector.extract_strided_slice %get3A_1147 {offsets = [960, 0], sizes = [64, 128], strides = [1, 1]} : vector<2048x128xf32> to vector<64x128xf32>
      %dot_general3A_1393 = arith.constant dense<0.000000e+00> : vector<1024x128xf32>
      %dot_general3A_1394 = tpu.matmul %slice3A_1391, %slice3A_1392, %dot_general3A_1393 {dimension_numbers = #tpu.dot_dimension_numbers<[0], [0], [1], [1], [0, 1, 1, 1], [], []>, transpose_lhs_hint = false} : vector<64x1024xf32>, vector<64x128xf32>, vector<1024x128xf32> -> vector<1024x128xf32>
      %convert_element_type3A_1395 = arith.truncf %dot_general3A_1394 : vector<1024x128xf32> to vector<1024x128xbf16>
      %swap3A_1396 = arith.constant 15360 : index
      %swap3A_1397 = arith.constant 0 : index
      %swap3A_1398 = vector.load %arg7[%swap3A_1396, %swap3A_1397] : memref<16384x128xbf16, #tpu.memory_space<vmem>>, vector<1024x128xbf16>
      tpu.vector_store %arg7[%swap3A_1396, %swap3A_1397], %convert_element_type3A_1395 {strides = array<i32>} : memref<16384x128xbf16, #tpu.memory_space<vmem>>, vector<1024x128xbf16>,
      %slice3A_1399 = vector.extract_strided_slice %get3A_1147 {offsets = [1984, 0], sizes = [64, 128], strides = [1, 1]} : vector<2048x128xf32> to vector<64x128xf32>
      %slice3A_1400 = vector.extract_strided_slice %get3A_1150 {offsets = [960, 0], sizes = [64, 1024], strides = [1, 1]} : vector<1024x1024xf32> to vector<64x1024xf32>
      %dot_general3A_1401 = arith.constant dense<0.000000e+00> : vector<128x1024xf32>
      %dot_general3A_1402 = tpu.matmul %slice3A_1399, %slice3A_1400, %dot_general3A_1401 {dimension_numbers = #tpu.dot_dimension_numbers<[0], [0], [1], [1], [0, 1, 1, 1], [], []>, transpose_lhs_hint = false} : vector<64x128xf32>, vector<64x1024xf32>, vector<128x1024xf32> -> vector<128x1024xf32>
      %convert_element_type3A_1403 = arith.truncf %dot_general3A_1402 : vector<128x1024xf32> to vector<128x1024xbf16>
      %swap3A_1404 = arith.constant 1920 : index
      %swap3A_1405 = arith.constant 0 : index
      %swap3A_1406 = vector.load %arg8[%swap3A_1404, %swap3A_1405] : memref<2048x1024xbf16, #tpu.memory_space<vmem>>, vector<128x1024xbf16>
      tpu.vector_store %arg8[%swap3A_1404, %swap3A_1405], %convert_element_type3A_1403 {strides = array<i32>} : memref<2048x1024xbf16, #tpu.memory_space<vmem>>, vector<128x1024xbf16>,
      %iota3A = tpu.iota {dimensions = array<i32: 0>} : vector<128x512xi32>
      %jit3A = arith.constant 8 : i32
      %eq3A_1407 = arith.constant 0 : i32
      %eq3A_1408 = arith.cmpi eq, %jit3A, %eq3A_1407 : i32
      %jit3A_1409 = arith.constant 1 : i32
      %select_n3A = arith.select %eq3A_1408, %jit3A_1409, %jit3A : i32
      %rem3A = vector.broadcast %select_n3A : i32 to vector<128x512xi32>
      %rem3A_1410 = arith.remsi %iota3A, %rem3A : vector<128x512xi32>
      %ne3A = arith.constant 0 : i32
      %ne3A_1411 = vector.broadcast %ne3A : i32 to vector<128x512xi32>
      %ne3A_1412 = arith.cmpi ne, %rem3A_1410, %ne3A_1411 : vector<128x512xi32>
      %lt3A = arith.constant 0 : i32
      %lt3A_1413 = vector.broadcast %lt3A : i32 to vector<128x512xi32>
      %lt3A_1414 = arith.cmpi slt, %rem3A_1410, %lt3A_1413 : vector<128x512xi32>
      %lt3A_1415 = arith.constant 0 : i32
      %lt3A_1416 = arith.cmpi slt, %select_n3A, %lt3A_1415 : i32
      %ne3A_1417 = vector.broadcast %lt3A_1416 : i1 to vector<128x512xi1>
      %ne3A_1418 = vector.broadcast %ne3A_1417 : vector<128x512xi1> to vector<128x512xi1>
      %ne3A_1419 = arith.xori %lt3A_1414, %ne3A_1418 : vector<128x512xi1>
      %and3A = arith.andi %ne3A_1419, %ne3A_1412 : vector<128x512xi1>
      %add3A_1420 = vector.broadcast %select_n3A : i32 to vector<128x512xi32>
      %add3A_1421 = arith.addi %rem3A_1410, %add3A_1420 : vector<128x512xi32>
      %select_n3A_1422 = arith.select %and3A, %add3A_1421, %rem3A_1410 : vector<128x512xi1>, vector<128x512xi32>
      %iota3A_1423 = tpu.iota {dimensions = array<i32: 1>} : vector<128x512xi32>
      %jit3A_1424 = arith.constant 64 : i32
      %div3A_1425 = vector.broadcast %jit3A_1424 : i32 to vector<128x512xi32>
      %div3A_1426 = arith.divsi %iota3A_1423, %div3A_1425 : vector<128x512xi32>
      %sign3A = arith.constant 0 : i32
      %sign3A_1427 = vector.broadcast %sign3A : i32 to vector<128x512xi32>
      %sign3A_1428 = arith.cmpi sgt, %iota3A_1423, %sign3A_1427 : vector<128x512xi32>
      %sign3A_1429 = arith.extui %sign3A_1428 : vector<128x512xi1> to vector<128x512xi32>
      %sign3A_1430 = arith.constant 0 : i32
      %sign3A_1431 = vector.broadcast %sign3A_1430 : i32 to vector<128x512xi32>
      %sign3A_1432 = arith.cmpi slt, %iota3A_1423, %sign3A_1431 : vector<128x512xi32>
      %sign3A_1433 = arith.extui %sign3A_1432 : vector<128x512xi1> to vector<128x512xi32>
      %sign3A_1434 = arith.subi %sign3A_1429, %sign3A_1433 : vector<128x512xi32>
      %sign3A_1435 = arith.constant 0 : i32
      %sign3A_1436 = arith.cmpi sgt, %jit3A_1424, %sign3A_1435 : i32
      %sign3A_1437 = arith.extui %sign3A_1436 : i1 to i32
      %sign3A_1438 = arith.constant 0 : i32
      %sign3A_1439 = arith.cmpi slt, %jit3A_1424, %sign3A_1438 : i32
      %sign3A_1440 = arith.extui %sign3A_1439 : i1 to i32
      %sign3A_1441 = arith.subi %sign3A_1437, %sign3A_1440 : i32
      %ne3A_1442 = vector.broadcast %sign3A_1441 : i32 to vector<128x512xi32>
      %ne3A_1443 = arith.cmpi ne, %sign3A_1434, %ne3A_1442 : vector<128x512xi32>
      %rem3A_1444 = vector.broadcast %jit3A_1424 : i32 to vector<128x512xi32>
      %rem3A_1445 = arith.remsi %iota3A_1423, %rem3A_1444 : vector<128x512xi32>
      %ne3A_1446 = arith.constant 0 : i32
      %ne3A_1447 = vector.broadcast %ne3A_1446 : i32 to vector<128x512xi32>
      %ne3A_1448 = arith.cmpi ne, %rem3A_1445, %ne3A_1447 : vector<128x512xi32>
      %and3A_1449 = arith.andi %ne3A_1443, %ne3A_1448 : vector<128x512xi1>
      %sub3A = arith.constant 1 : i32
      %sub3A_1450 = vector.broadcast %sub3A : i32 to vector<128x512xi32>
      %sub3A_1451 = arith.subi %div3A_1426, %sub3A_1450 : vector<128x512xi32>
      %select_n3A_1452 = arith.select %and3A_1449, %sub3A_1451, %div3A_1426 : vector<128x512xi1>, vector<128x512xi32>
      %eq3A_1453 = arith.cmpi eq, %select_n3A_1422, %select_n3A_1452 : vector<128x512xi32>
      %convert_element_type3A_1454 = arith.extui %eq3A_1453 : vector<128x512xi1> to vector<128x512xi32>
      %convert_element_type3A_1455 = arith.sitofp %convert_element_type3A_1454 : vector<128x512xi32> to vector<128x512xf32>
      %convert_element_type3A_1456 = arith.truncf %convert_element_type3A_1455 : vector<128x512xf32> to vector<128x512xbf16>
      %swap3A_1457 = arith.constant 0 : index
      %swap3A_1458 = arith.constant 0 : index
      %swap3A_1459 = vector.load %arg9[%swap3A_1457, %swap3A_1458] : memref<128x512xbf16, #tpu.memory_space<vmem>>, vector<128x512xbf16>
      tpu.vector_store %arg9[%swap3A_1457, %swap3A_1458], %convert_element_type3A_1456 {strides = array<i32>} : memref<128x512xbf16, #tpu.memory_space<vmem>>, vector<128x512xbf16>,
    } else {
    }
    %get3A = arith.constant 0 : index
    %get3A_2 = arith.constant 0 : index
    %get3A_3 = arith.constant 0 : index
    %get3A_4 = vector.load %arg1[%get3A, %get3A_2, %get3A_3] : memref<4x32x1024xf32, #tpu.memory_space<vmem>>, vector<1x32x1024xf32>
    %get3A_5 = vector.shape_cast %get3A_4 : vector<1x32x1024xf32> to vector<32x1024xf32>
    %get3A_6 = arith.constant 1 : index
    %get3A_7 = arith.constant 0 : index
    %get3A_8 = arith.constant 0 : index
    %get3A_9 = vector.load %arg1[%get3A_6, %get3A_7, %get3A_8] : memref<4x32x1024xf32, #tpu.memory_space<vmem>>, vector<1x32x1024xf32>
    %get3A_10 = vector.shape_cast %get3A_9 : vector<1x32x1024xf32> to vector<32x1024xf32>
    %get3A_11 = arith.constant 2 : index
    %get3A_12 = arith.constant 0 : index
    %get3A_13 = arith.constant 0 : index
    %get3A_14 = vector.load %arg1[%get3A_11, %get3A_12, %get3A_13] : memref<4x32x1024xf32, #tpu.memory_space<vmem>>, vector<1x32x1024xf32>
    %get3A_15 = vector.shape_cast %get3A_14 : vector<1x32x1024xf32> to vector<32x1024xf32>
    %get3A_16 = arith.constant 3 : index
    %get3A_17 = arith.constant 0 : index
    %get3A_18 = arith.constant 0 : index
    %get3A_19 = vector.load %arg1[%get3A_16, %get3A_17, %get3A_18] : memref<4x32x1024xf32, #tpu.memory_space<vmem>>, vector<1x32x1024xf32>
    %get3A_20 = vector.shape_cast %get3A_19 : vector<1x32x1024xf32> to vector<32x1024xf32>
    %concatenate3A = tpu.concatenate %get3A_5, %get3A_10, %get3A_15, %get3A_20 in 0 : vector<32x1024xf32>, vector<32x1024xf32>, vector<32x1024xf32>, vector<32x1024xf32> -> vector<128x1024xf32>
    %convert_element_type3A_21 = arith.truncf %concatenate3A : vector<128x1024xf32> to vector<128x1024xbf16>
    %get3A_22 = arith.constant 0 : index
    %get3A_23 = arith.constant 0 : index
    %get3A_24 = vector.load %arg7[%get3A_22, %get3A_23] : memref<16384x128xbf16, #tpu.memory_space<vmem>>, vector<1024x128xbf16>
    %dot_general3A = arith.constant dense<0.000000e+00> : vector<128x128xf32>
    %dot_general3A_25 = tpu.matmul %convert_element_type3A_21, %get3A_24, %dot_general3A {dimension_numbers = #tpu.dot_dimension_numbers<[1], [0], [0], [1], [0, 0, 1, 1], [], []>, transpose_lhs_hint = false} : vector<128x1024xbf16>, vector<1024x128xbf16>, vector<128x128xf32> -> vector<128x128xf32>
    %get3A_26 = arith.constant 1024 : index
    %get3A_27 = arith.constant 0 : index
    %get3A_28 = vector.load %arg7[%get3A_26, %get3A_27] : memref<16384x128xbf16, #tpu.memory_space<vmem>>, vector<1024x128xbf16>
    %dot_general3A_29 = arith.constant dense<0.000000e+00> : vector<128x128xf32>
    %dot_general3A_30 = tpu.matmul %convert_element_type3A_21, %get3A_28, %dot_general3A_29 {dimension_numbers = #tpu.dot_dimension_numbers<[1], [0], [0], [1], [0, 0, 1, 1], [], []>, transpose_lhs_hint = false} : vector<128x1024xbf16>, vector<1024x128xbf16>, vector<128x128xf32> -> vector<128x128xf32>
    %get3A_31 = arith.constant 2048 : index
    %get3A_32 = arith.constant 0 : index
    %get3A_33 = vector.load %arg7[%get3A_31, %get3A_32] : memref<16384x128xbf16, #tpu.memory_space<vmem>>, vector<1024x128xbf16>
    %dot_general3A_34 = arith.constant dense<0.000000e+00> : vector<128x128xf32>
    %dot_general3A_35 = tpu.matmul %convert_element_type3A_21, %get3A_33, %dot_general3A_34 {dimension_numbers = #tpu.dot_dimension_numbers<[1], [0], [0], [1], [0, 0, 1, 1], [], []>, transpose_lhs_hint = false} : vector<128x1024xbf16>, vector<1024x128xbf16>, vector<128x128xf32> -> vector<128x128xf32>
    %get3A_36 = arith.constant 3072 : index
    %get3A_37 = arith.constant 0 : index
    %get3A_38 = vector.load %arg7[%get3A_36, %get3A_37] : memref<16384x128xbf16, #tpu.memory_space<vmem>>, vector<1024x128xbf16>
    %dot_general3A_39 = arith.constant dense<0.000000e+00> : vector<128x128xf32>
    %dot_general3A_40 = tpu.matmul %convert_element_type3A_21, %get3A_38, %dot_general3A_39 {dimension_numbers = #tpu.dot_dimension_numbers<[1], [0], [0], [1], [0, 0, 1, 1], [], []>, transpose_lhs_hint = false} : vector<128x1024xbf16>, vector<1024x128xbf16>, vector<128x128xf32> -> vector<128x128xf32>
    %get3A_41 = arith.constant 4096 : index
    %get3A_42 = arith.constant 0 : index
    %get3A_43 = vector.load %arg7[%get3A_41, %get3A_42] : memref<16384x128xbf16, #tpu.memory_space<vmem>>, vector<1024x128xbf16>
    %dot_general3A_44 = arith.constant dense<0.000000e+00> : vector<128x128xf32>
    %dot_general3A_45 = tpu.matmul %convert_element_type3A_21, %get3A_43, %dot_general3A_44 {dimension_numbers = #tpu.dot_dimension_numbers<[1], [0], [0], [1], [0, 0, 1, 1], [], []>, transpose_lhs_hint = false} : vector<128x1024xbf16>, vector<1024x128xbf16>, vector<128x128xf32> -> vector<128x128xf32>
    %get3A_46 = arith.constant 5120 : index
    %get3A_47 = arith.constant 0 : index
    %get3A_48 = vector.load %arg7[%get3A_46, %get3A_47] : memref<16384x128xbf16, #tpu.memory_space<vmem>>, vector<1024x128xbf16>
    %dot_general3A_49 = arith.constant dense<0.000000e+00> : vector<128x128xf32>
    %dot_general3A_50 = tpu.matmul %convert_element_type3A_21, %get3A_48, %dot_general3A_49 {dimension_numbers = #tpu.dot_dimension_numbers<[1], [0], [0], [1], [0, 0, 1, 1], [], []>, transpose_lhs_hint = false} : vector<128x1024xbf16>, vector<1024x128xbf16>, vector<128x128xf32> -> vector<128x128xf32>
    %get3A_51 = arith.constant 6144 : index
    %get3A_52 = arith.constant 0 : index
    %get3A_53 = vector.load %arg7[%get3A_51, %get3A_52] : memref<16384x128xbf16, #tpu.memory_space<vmem>>, vector<1024x128xbf16>
    %dot_general3A_54 = arith.constant dense<0.000000e+00> : vector<128x128xf32>
    %dot_general3A_55 = tpu.matmul %convert_element_type3A_21, %get3A_53, %dot_general3A_54 {dimension_numbers = #tpu.dot_dimension_numbers<[1], [0], [0], [1], [0, 0, 1, 1], [], []>, transpose_lhs_hint = false} : vector<128x1024xbf16>, vector<1024x128xbf16>, vector<128x128xf32> -> vector<128x128xf32>
    %get3A_56 = arith.constant 7168 : index
    %get3A_57 = arith.constant 0 : index
    %get3A_58 = vector.load %arg7[%get3A_56, %get3A_57] : memref<16384x128xbf16, #tpu.memory_space<vmem>>, vector<1024x128xbf16>
    %dot_general3A_59 = arith.constant dense<0.000000e+00> : vector<128x128xf32>
    %dot_general3A_60 = tpu.matmul %convert_element_type3A_21, %get3A_58, %dot_general3A_59 {dimension_numbers = #tpu.dot_dimension_numbers<[1], [0], [0], [1], [0, 0, 1, 1], [], []>, transpose_lhs_hint = false} : vector<128x1024xbf16>, vector<1024x128xbf16>, vector<128x128xf32> -> vector<128x128xf32>
    %get3A_61 = arith.constant 8192 : index
    %get3A_62 = arith.constant 0 : index
    %get3A_63 = vector.load %arg7[%get3A_61, %get3A_62] : memref<16384x128xbf16, #tpu.memory_space<vmem>>, vector<1024x128xbf16>
    %dot_general3A_64 = arith.constant dense<0.000000e+00> : vector<128x128xf32>
    %dot_general3A_65 = tpu.matmul %convert_element_type3A_21, %get3A_63, %dot_general3A_64 {dimension_numbers = #tpu.dot_dimension_numbers<[1], [0], [0], [1], [0, 0, 1, 1], [], []>, transpose_lhs_hint = false} : vector<128x1024xbf16>, vector<1024x128xbf16>, vector<128x128xf32> -> vector<128x128xf32>
    %get3A_66 = arith.constant 9216 : index
    %get3A_67 = arith.constant 0 : index
    %get3A_68 = vector.load %arg7[%get3A_66, %get3A_67] : memref<16384x128xbf16, #tpu.memory_space<vmem>>, vector<1024x128xbf16>
    %dot_general3A_69 = arith.constant dense<0.000000e+00> : vector<128x128xf32>
    %dot_general3A_70 = tpu.matmul %convert_element_type3A_21, %get3A_68, %dot_general3A_69 {dimension_numbers = #tpu.dot_dimension_numbers<[1], [0], [0], [1], [0, 0, 1, 1], [], []>, transpose_lhs_hint = false} : vector<128x1024xbf16>, vector<1024x128xbf16>, vector<128x128xf32> -> vector<128x128xf32>
    %get3A_71 = arith.constant 10240 : index
    %get3A_72 = arith.constant 0 : index
    %get3A_73 = vector.load %arg7[%get3A_71, %get3A_72] : memref<16384x128xbf16, #tpu.memory_space<vmem>>, vector<1024x128xbf16>
    %dot_general3A_74 = arith.constant dense<0.000000e+00> : vector<128x128xf32>
    %dot_general3A_75 = tpu.matmul %convert_element_type3A_21, %get3A_73, %dot_general3A_74 {dimension_numbers = #tpu.dot_dimension_numbers<[1], [0], [0], [1], [0, 0, 1, 1], [], []>, transpose_lhs_hint = false} : vector<128x1024xbf16>, vector<1024x128xbf16>, vector<128x128xf32> -> vector<128x128xf32>
    %get3A_76 = arith.constant 11264 : index
    %get3A_77 = arith.constant 0 : index
    %get3A_78 = vector.load %arg7[%get3A_76, %get3A_77] : memref<16384x128xbf16, #tpu.memory_space<vmem>>, vector<1024x128xbf16>
    %dot_general3A_79 = arith.constant dense<0.000000e+00> : vector<128x128xf32>
    %dot_general3A_80 = tpu.matmul %convert_element_type3A_21, %get3A_78, %dot_general3A_79 {dimension_numbers = #tpu.dot_dimension_numbers<[1], [0], [0], [1], [0, 0, 1, 1], [], []>, transpose_lhs_hint = false} : vector<128x1024xbf16>, vector<1024x128xbf16>, vector<128x128xf32> -> vector<128x128xf32>
    %get3A_81 = arith.constant 12288 : index
    %get3A_82 = arith.constant 0 : index
    %get3A_83 = vector.load %arg7[%get3A_81, %get3A_82] : memref<16384x128xbf16, #tpu.memory_space<vmem>>, vector<1024x128xbf16>
    %dot_general3A_84 = arith.constant dense<0.000000e+00> : vector<128x128xf32>
    %dot_general3A_85 = tpu.matmul %convert_element_type3A_21, %get3A_83, %dot_general3A_84 {dimension_numbers = #tpu.dot_dimension_numbers<[1], [0], [0], [1], [0, 0, 1, 1], [], []>, transpose_lhs_hint = false} : vector<128x1024xbf16>, vector<1024x128xbf16>, vector<128x128xf32> -> vector<128x128xf32>
    %get3A_86 = arith.constant 13312 : index
    %get3A_87 = arith.constant 0 : index
    %get3A_88 = vector.load %arg7[%get3A_86, %get3A_87] : memref<16384x128xbf16, #tpu.memory_space<vmem>>, vector<1024x128xbf16>
    %dot_general3A_89 = arith.constant dense<0.000000e+00> : vector<128x128xf32>
    %dot_general3A_90 = tpu.matmul %convert_element_type3A_21, %get3A_88, %dot_general3A_89 {dimension_numbers = #tpu.dot_dimension_numbers<[1], [0], [0], [1], [0, 0, 1, 1], [], []>, transpose_lhs_hint = false} : vector<128x1024xbf16>, vector<1024x128xbf16>, vector<128x128xf32> -> vector<128x128xf32>
    %get3A_91 = arith.constant 14336 : index
    %get3A_92 = arith.constant 0 : index
    %get3A_93 = vector.load %arg7[%get3A_91, %get3A_92] : memref<16384x128xbf16, #tpu.memory_space<vmem>>, vector<1024x128xbf16>
    %dot_general3A_94 = arith.constant dense<0.000000e+00> : vector<128x128xf32>
    %dot_general3A_95 = tpu.matmul %convert_element_type3A_21, %get3A_93, %dot_general3A_94 {dimension_numbers = #tpu.dot_dimension_numbers<[1], [0], [0], [1], [0, 0, 1, 1], [], []>, transpose_lhs_hint = false} : vector<128x1024xbf16>, vector<1024x128xbf16>, vector<128x128xf32> -> vector<128x128xf32>
    %get3A_96 = arith.constant 15360 : index
    %get3A_97 = arith.constant 0 : index
    %get3A_98 = vector.load %arg7[%get3A_96, %get3A_97] : memref<16384x128xbf16, #tpu.memory_space<vmem>>, vector<1024x128xbf16>
    %dot_general3A_99 = arith.constant dense<0.000000e+00> : vector<128x128xf32>
    %dot_general3A_100 = tpu.matmul %convert_element_type3A_21, %get3A_98, %dot_general3A_99 {dimension_numbers = #tpu.dot_dimension_numbers<[1], [0], [0], [1], [0, 0, 1, 1], [], []>, transpose_lhs_hint = false} : vector<128x1024xbf16>, vector<1024x128xbf16>, vector<128x128xf32> -> vector<128x128xf32>
    %concatenate3A_101 = tpu.concatenate %dot_general3A_25, %dot_general3A_30, %dot_general3A_35, %dot_general3A_40, %dot_general3A_45, %dot_general3A_50, %dot_general3A_55, %dot_general3A_60, %dot_general3A_65, %dot_general3A_70, %dot_general3A_75, %dot_general3A_80, %dot_general3A_85, %dot_general3A_90, %dot_general3A_95, %dot_general3A_100 in 0 : vector<128x128xf32>, vector<128x128xf32>, vector<128x128xf32>, vector<128x128xf32>, vector<128x128xf32>, vector<128x128xf32>, vector<128x128xf32>, vector<128x128xf32>, vector<128x128xf32>, vector<128x128xf32>, vector<128x128xf32>, vector<128x128xf32>, vector<128x128xf32>, vector<128x128xf32>, vector<128x128xf32>, vector<128x128xf32> -> vector<2048x128xf32>
    %convert_element_type3A_102 = arith.truncf %concatenate3A_101 : vector<2048x128xf32> to vector<2048x128xbf16>
    %get3A_103 = arith.constant 0 : index
    %get3A_104 = arith.constant 0 : index
    %get3A_105 = arith.constant 0 : index
    %get3A_106 = vector.load %arg2[%get3A_103, %get3A_104, %get3A_105] : memref<4x2048x128xf32, #tpu.memory_space<vmem>>, vector<1x2048x128xf32>
    %get3A_107 = vector.shape_cast %get3A_106 : vector<1x2048x128xf32> to vector<2048x128xf32>
    %convert_element_type3A_108 = arith.truncf %get3A_107 : vector<2048x128xf32> to vector<2048x128xbf16>
    %slice3A = vector.extract_strided_slice %convert_element_type3A_102 {offsets = [0, 0], sizes = [8, 128], strides = [1, 1]} : vector<2048x128xbf16> to vector<8x128xbf16>
    %slice3A_109 = vector.extract_strided_slice %convert_element_type3A_102 {offsets = [128, 0], sizes = [8, 128], strides = [1, 1]} : vector<2048x128xbf16> to vector<8x128xbf16>
    %slice3A_110 = vector.extract_strided_slice %convert_element_type3A_102 {offsets = [256, 0], sizes = [8, 128], strides = [1, 1]} : vector<2048x128xbf16> to vector<8x128xbf16>
    %slice3A_111 = vector.extract_strided_slice %convert_element_type3A_102 {offsets = [384, 0], sizes = [8, 128], strides = [1, 1]} : vector<2048x128xbf16> to vector<8x128xbf16>
    %slice3A_112 = vector.extract_strided_slice %convert_element_type3A_102 {offsets = [512, 0], sizes = [8, 128], strides = [1, 1]} : vector<2048x128xbf16> to vector<8x128xbf16>
    %slice3A_113 = vector.extract_strided_slice %convert_element_type3A_102 {offsets = [640, 0], sizes = [8, 128], strides = [1, 1]} : vector<2048x128xbf16> to vector<8x128xbf16>
    %slice3A_114 = vector.extract_strided_slice %convert_element_type3A_102 {offsets = [768, 0], sizes = [8, 128], strides = [1, 1]} : vector<2048x128xbf16> to vector<8x128xbf16>
    %slice3A_115 = vector.extract_strided_slice %convert_element_type3A_102 {offsets = [896, 0], sizes = [8, 128], strides = [1, 1]} : vector<2048x128xbf16> to vector<8x128xbf16>
    %slice3A_116 = vector.extract_strided_slice %convert_element_type3A_102 {offsets = [1024, 0], sizes = [8, 128], strides = [1, 1]} : vector<2048x128xbf16> to vector<8x128xbf16>
    %slice3A_117 = vector.extract_strided_slice %convert_element_type3A_102 {offsets = [1152, 0], sizes = [8, 128], strides = [1, 1]} : vector<2048x128xbf16> to vector<8x128xbf16>
    %slice3A_118 = vector.extract_strided_slice %convert_element_type3A_102 {offsets = [1280, 0], sizes = [8, 128], strides = [1, 1]} : vector<2048x128xbf16> to vector<8x128xbf16>
    %slice3A_119 = vector.extract_strided_slice %convert_element_type3A_102 {offsets = [1408, 0], sizes = [8, 128], strides = [1, 1]} : vector<2048x128xbf16> to vector<8x128xbf16>
    %slice3A_120 = vector.extract_strided_slice %convert_element_type3A_102 {offsets = [1536, 0], sizes = [8, 128], strides = [1, 1]} : vector<2048x128xbf16> to vector<8x128xbf16>
    %slice3A_121 = vector.extract_strided_slice %convert_element_type3A_102 {offsets = [1664, 0], sizes = [8, 128], strides = [1, 1]} : vector<2048x128xbf16> to vector<8x128xbf16>
    %slice3A_122 = vector.extract_strided_slice %convert_element_type3A_102 {offsets = [1792, 0], sizes = [8, 128], strides = [1, 1]} : vector<2048x128xbf16> to vector<8x128xbf16>
    %slice3A_123 = vector.extract_strided_slice %convert_element_type3A_102 {offsets = [1920, 0], sizes = [8, 128], strides = [1, 1]} : vector<2048x128xbf16> to vector<8x128xbf16>
    %concatenate3A_124 = tpu.concatenate %slice3A, %slice3A_109, %slice3A_110, %slice3A_111, %slice3A_112, %slice3A_113, %slice3A_114, %slice3A_115, %slice3A_116, %slice3A_117, %slice3A_118, %slice3A_119, %slice3A_120, %slice3A_121, %slice3A_122, %slice3A_123 in 0 : vector<8x128xbf16>, vector<8x128xbf16>, vector<8x128xbf16>, vector<8x128xbf16>, vector<8x128xbf16>, vector<8x128xbf16>, vector<8x128xbf16>, vector<8x128xbf16>, vector<8x128xbf16>, vector<8x128xbf16>, vector<8x128xbf16>, vector<8x128xbf16>, vector<8x128xbf16>, vector<8x128xbf16>, vector<8x128xbf16>, vector<8x128xbf16> -> vector<128x128xbf16>
    %slice3A_125 = vector.extract_strided_slice %convert_element_type3A_108 {offsets = [0, 0], sizes = [512, 128], strides = [1, 1]} : vector<2048x128xbf16> to vector<512x128xbf16>
    %dot_general3A_126 = arith.constant dense<0.000000e+00> : vector<128x512xf32>
    %dot_general3A_127 = tpu.matmul %concatenate3A_124, %slice3A_125, %dot_general3A_126 {dimension_numbers = #tpu.dot_dimension_numbers<[1], [1], [0], [0], [0, 0, 1, 0], [], []>, transpose_lhs_hint = false} : vector<128x128xbf16>, vector<512x128xbf16>, vector<128x512xf32> -> vector<128x512xf32>
    %mul3A = arith.constant 1.250000e-01 : f32
    %mul3A_128 = vector.broadcast %mul3A : f32 to vector<128x512xf32>
    %mul3A_129 = arith.mulf %dot_general3A_127, %mul3A_128 : vector<128x512xf32>
    %exp3A = math.exp %mul3A_129 : vector<128x512xf32>
    %convert_element_type3A_130 = arith.truncf %exp3A : vector<128x512xf32> to vector<128x512xbf16>
    %get3A_131 = arith.constant 0 : index
    %get3A_132 = arith.constant 0 : index
    %get3A_133 = vector.load %arg9[%get3A_131, %get3A_132] : memref<128x512xbf16, #tpu.memory_space<vmem>>, vector<128x512xbf16>
    %mul3A_134 = arith.mulf %convert_element_type3A_130, %get3A_133 : vector<128x512xbf16>
    %broadcast_in_dim3A = arith.constant 1.000000e+00 : bf16
    %broadcast_in_dim3A_135 = vector.broadcast %broadcast_in_dim3A : bf16 to vector<512x128xbf16>
    %concatenate3A_136 = tpu.concatenate %slice3A_125, %broadcast_in_dim3A_135 in 1 : vector<512x128xbf16>, vector<512x128xbf16> -> vector<512x256xbf16>
    %dot_general3A_137 = arith.constant dense<0.000000e+00> : vector<128x256xf32>
    %dot_general3A_138 = tpu.matmul %mul3A_134, %concatenate3A_136, %dot_general3A_137 {dimension_numbers = #tpu.dot_dimension_numbers<[1], [0], [0], [1], [0, 0, 1, 1], [], []>, transpose_lhs_hint = false} : vector<128x512xbf16>, vector<512x256xbf16>, vector<128x256xf32> -> vector<128x256xf32>
    %slice3A_139 = vector.extract_strided_slice %dot_general3A_138 {offsets = [0, 0], sizes = [128, 128], strides = [1, 1]} : vector<128x256xf32> to vector<128x128xf32>
    %slice3A_140 = vector.extract_strided_slice %dot_general3A_138 {offsets = [0, 128], sizes = [128, 1], strides = [1, 1]} : vector<128x256xf32> to vector<128x1xf32>
    %div3A = vector.broadcast %slice3A_140 : vector<128x1xf32> to vector<128x128xf32>
    %div3A_141 = arith.divf %slice3A_139, %div3A : vector<128x128xf32>
    %convert_element_type3A_142 = arith.truncf %div3A_141 : vector<128x128xf32> to vector<128x128xbf16>
    %slice3A_143 = vector.extract_strided_slice %convert_element_type3A_102 {offsets = [8, 0], sizes = [8, 128], strides = [1, 1]} : vector<2048x128xbf16> to vector<8x128xbf16>
    %slice3A_144 = vector.extract_strided_slice %convert_element_type3A_102 {offsets = [136, 0], sizes = [8, 128], strides = [1, 1]} : vector<2048x128xbf16> to vector<8x128xbf16>
    %slice3A_145 = vector.extract_strided_slice %convert_element_type3A_102 {offsets = [264, 0], sizes = [8, 128], strides = [1, 1]} : vector<2048x128xbf16> to vector<8x128xbf16>
    %slice3A_146 = vector.extract_strided_slice %convert_element_type3A_102 {offsets = [392, 0], sizes = [8, 128], strides = [1, 1]} : vector<2048x128xbf16> to vector<8x128xbf16>
    %slice3A_147 = vector.extract_strided_slice %convert_element_type3A_102 {offsets = [520, 0], sizes = [8, 128], strides = [1, 1]} : vector<2048x128xbf16> to vector<8x128xbf16>
    %slice3A_148 = vector.extract_strided_slice %convert_element_type3A_102 {offsets = [648, 0], sizes = [8, 128], strides = [1, 1]} : vector<2048x128xbf16> to vector<8x128xbf16>
    %slice3A_149 = vector.extract_strided_slice %convert_element_type3A_102 {offsets = [776, 0], sizes = [8, 128], strides = [1, 1]} : vector<2048x128xbf16> to vector<8x128xbf16>
    %slice3A_150 = vector.extract_strided_slice %convert_element_type3A_102 {offsets = [904, 0], sizes = [8, 128], strides = [1, 1]} : vector<2048x128xbf16> to vector<8x128xbf16>
    %slice3A_151 = vector.extract_strided_slice %convert_element_type3A_102 {offsets = [1032, 0], sizes = [8, 128], strides = [1, 1]} : vector<2048x128xbf16> to vector<8x128xbf16>
    %slice3A_152 = vector.extract_strided_slice %convert_element_type3A_102 {offsets = [1160, 0], sizes = [8, 128], strides = [1, 1]} : vector<2048x128xbf16> to vector<8x128xbf16>
    %slice3A_153 = vector.extract_strided_slice %convert_element_type3A_102 {offsets = [1288, 0], sizes = [8, 128], strides = [1, 1]} : vector<2048x128xbf16> to vector<8x128xbf16>
    %slice3A_154 = vector.extract_strided_slice %convert_element_type3A_102 {offsets = [1416, 0], sizes = [8, 128], strides = [1, 1]} : vector<2048x128xbf16> to vector<8x128xbf16>
    %slice3A_155 = vector.extract_strided_slice %convert_element_type3A_102 {offsets = [1544, 0], sizes = [8, 128], strides = [1, 1]} : vector<2048x128xbf16> to vector<8x128xbf16>
    %slice3A_156 = vector.extract_strided_slice %convert_element_type3A_102 {offsets = [1672, 0], sizes = [8, 128], strides = [1, 1]} : vector<2048x128xbf16> to vector<8x128xbf16>
    %slice3A_157 = vector.extract_strided_slice %convert_element_type3A_102 {offsets = [1800, 0], sizes = [8, 128], strides = [1, 1]} : vector<2048x128xbf16> to vector<8x128xbf16>
    %slice3A_158 = vector.extract_strided_slice %convert_element_type3A_102 {offsets = [1928, 0], sizes = [8, 128], strides = [1, 1]} : vector<2048x128xbf16> to vector<8x128xbf16>
    %concatenate3A_159 = tpu.concatenate %slice3A_143, %slice3A_144, %slice3A_145, %slice3A_146, %slice3A_147, %slice3A_148, %slice3A_149, %slice3A_150, %slice3A_151, %slice3A_152, %slice3A_153, %slice3A_154, %slice3A_155, %slice3A_156, %slice3A_157, %slice3A_158 in 0 : vector<8x128xbf16>, vector<8x128xbf16>, vector<8x128xbf16>, vector<8x128xbf16>, vector<8x128xbf16>, vector<8x128xbf16>, vector<8x128xbf16>, vector<8x128xbf16>, vector<8x128xbf16>, vector<8x128xbf16>, vector<8x128xbf16>, vector<8x128xbf16>, vector<8x128xbf16>, vector<8x128xbf16>, vector<8x128xbf16>, vector<8x128xbf16> -> vector<128x128xbf16>
    %slice3A_160 = vector.extract_strided_slice %convert_element_type3A_108 {offsets = [512, 0], sizes = [512, 128], strides = [1, 1]} : vector<2048x128xbf16> to vector<512x128xbf16>
    %dot_general3A_161 = arith.constant dense<0.000000e+00> : vector<128x512xf32>
    %dot_general3A_162 = tpu.matmul %concatenate3A_159, %slice3A_160, %dot_general3A_161 {dimension_numbers = #tpu.dot_dimension_numbers<[1], [1], [0], [0], [0, 0, 1, 0], [], []>, transpose_lhs_hint = false} : vector<128x128xbf16>, vector<512x128xbf16>, vector<128x512xf32> -> vector<128x512xf32>
    %mul3A_163 = arith.constant 1.250000e-01 : f32
    %mul3A_164 = vector.broadcast %mul3A_163 : f32 to vector<128x512xf32>
    %mul3A_165 = arith.mulf %dot_general3A_162, %mul3A_164 : vector<128x512xf32>
    %exp3A_166 = math.exp %mul3A_165 : vector<128x512xf32>
    %convert_element_type3A_167 = arith.truncf %exp3A_166 : vector<128x512xf32> to vector<128x512xbf16>
    %get3A_168 = arith.constant 0 : index
    %get3A_169 = arith.constant 0 : index
    %get3A_170 = vector.load %arg9[%get3A_168, %get3A_169] : memref<128x512xbf16, #tpu.memory_space<vmem>>, vector<128x512xbf16>
    %mul3A_171 = arith.mulf %convert_element_type3A_167, %get3A_170 : vector<128x512xbf16>
    %broadcast_in_dim3A_172 = arith.constant 1.000000e+00 : bf16
    %broadcast_in_dim3A_173 = vector.broadcast %broadcast_in_dim3A_172 : bf16 to vector<512x128xbf16>
    %concatenate3A_174 = tpu.concatenate %slice3A_160, %broadcast_in_dim3A_173 in 1 : vector<512x128xbf16>, vector<512x128xbf16> -> vector<512x256xbf16>
    %dot_general3A_175 = arith.constant dense<0.000000e+00> : vector<128x256xf32>
    %dot_general3A_176 = tpu.matmul %mul3A_171, %concatenate3A_174, %dot_general3A_175 {dimension_numbers = #tpu.dot_dimension_numbers<[1], [0], [0], [1], [0, 0, 1, 1], [], []>, transpose_lhs_hint = false} : vector<128x512xbf16>, vector<512x256xbf16>, vector<128x256xf32> -> vector<128x256xf32>
    %slice3A_177 = vector.extract_strided_slice %dot_general3A_176 {offsets = [0, 0], sizes = [128, 128], strides = [1, 1]} : vector<128x256xf32> to vector<128x128xf32>
    %slice3A_178 = vector.extract_strided_slice %dot_general3A_176 {offsets = [0, 128], sizes = [128, 1], strides = [1, 1]} : vector<128x256xf32> to vector<128x1xf32>
    %div3A_179 = vector.broadcast %slice3A_178 : vector<128x1xf32> to vector<128x128xf32>
    %div3A_180 = arith.divf %slice3A_177, %div3A_179 : vector<128x128xf32>
    %convert_element_type3A_181 = arith.truncf %div3A_180 : vector<128x128xf32> to vector<128x128xbf16>
    %slice3A_182 = vector.extract_strided_slice %convert_element_type3A_102 {offsets = [16, 0], sizes = [8, 128], strides = [1, 1]} : vector<2048x128xbf16> to vector<8x128xbf16>
    %slice3A_183 = vector.extract_strided_slice %convert_element_type3A_102 {offsets = [144, 0], sizes = [8, 128], strides = [1, 1]} : vector<2048x128xbf16> to vector<8x128xbf16>
    %slice3A_184 = vector.extract_strided_slice %convert_element_type3A_102 {offsets = [272, 0], sizes = [8, 128], strides = [1, 1]} : vector<2048x128xbf16> to vector<8x128xbf16>
    %slice3A_185 = vector.extract_strided_slice %convert_element_type3A_102 {offsets = [400, 0], sizes = [8, 128], strides = [1, 1]} : vector<2048x128xbf16> to vector<8x128xbf16>
    %slice3A_186 = vector.extract_strided_slice %convert_element_type3A_102 {offsets = [528, 0], sizes = [8, 128], strides = [1, 1]} : vector<2048x128xbf16> to vector<8x128xbf16>
    %slice3A_187 = vector.extract_strided_slice %convert_element_type3A_102 {offsets = [656, 0], sizes = [8, 128], strides = [1, 1]} : vector<2048x128xbf16> to vector<8x128xbf16>
    %slice3A_188 = vector.extract_strided_slice %convert_element_type3A_102 {offsets = [784, 0], sizes = [8, 128], strides = [1, 1]} : vector<2048x128xbf16> to vector<8x128xbf16>
    %slice3A_189 = vector.extract_strided_slice %convert_element_type3A_102 {offsets = [912, 0], sizes = [8, 128], strides = [1, 1]} : vector<2048x128xbf16> to vector<8x128xbf16>
    %slice3A_190 = vector.extract_strided_slice %convert_element_type3A_102 {offsets = [1040, 0], sizes = [8, 128], strides = [1, 1]} : vector<2048x128xbf16> to vector<8x128xbf16>
    %slice3A_191 = vector.extract_strided_slice %convert_element_type3A_102 {offsets = [1168, 0], sizes = [8, 128], strides = [1, 1]} : vector<2048x128xbf16> to vector<8x128xbf16>
    %slice3A_192 = vector.extract_strided_slice %convert_element_type3A_102 {offsets = [1296, 0], sizes = [8, 128], strides = [1, 1]} : vector<2048x128xbf16> to vector<8x128xbf16>
    %slice3A_193 = vector.extract_strided_slice %convert_element_type3A_102 {offsets = [1424, 0], sizes = [8, 128], strides = [1, 1]} : vector<2048x128xbf16> to vector<8x128xbf16>
    %slice3A_194 = vector.extract_strided_slice %convert_element_type3A_102 {offsets = [1552, 0], sizes = [8, 128], strides = [1, 1]} : vector<2048x128xbf16> to vector<8x128xbf16>
    %slice3A_195 = vector.extract_strided_slice %convert_element_type3A_102 {offsets = [1680, 0], sizes = [8, 128], strides = [1, 1]} : vector<2048x128xbf16> to vector<8x128xbf16>
    %slice3A_196 = vector.extract_strided_slice %convert_element_type3A_102 {offsets = [1808, 0], sizes = [8, 128], strides = [1, 1]} : vector<2048x128xbf16> to vector<8x128xbf16>
    %slice3A_197 = vector.extract_strided_slice %convert_element_type3A_102 {offsets = [1936, 0], sizes = [8, 128], strides = [1, 1]} : vector<2048x128xbf16> to vector<8x128xbf16>
    %concatenate3A_198 = tpu.concatenate %slice3A_182, %slice3A_183, %slice3A_184, %slice3A_185, %slice3A_186, %slice3A_187, %slice3A_188, %slice3A_189, %slice3A_190, %slice3A_191, %slice3A_192, %slice3A_193, %slice3A_194, %slice3A_195, %slice3A_196, %slice3A_197 in 0 : vector<8x128xbf16>, vector<8x128xbf16>, vector<8x128xbf16>, vector<8x128xbf16>, vector<8x128xbf16>, vector<8x128xbf16>, vector<8x128xbf16>, vector<8x128xbf16>, vector<8x128xbf16>, vector<8x128xbf16>, vector<8x128xbf16>, vector<8x128xbf16>, vector<8x128xbf16>, vector<8x128xbf16>, vector<8x128xbf16>, vector<8x128xbf16> -> vector<128x128xbf16>
    %slice3A_199 = vector.extract_strided_slice %convert_element_type3A_108 {offsets = [1024, 0], sizes = [512, 128], strides = [1, 1]} : vector<2048x128xbf16> to vector<512x128xbf16>
    %dot_general3A_200 = arith.constant dense<0.000000e+00> : vector<128x512xf32>
    %dot_general3A_201 = tpu.matmul %concatenate3A_198, %slice3A_199, %dot_general3A_200 {dimension_numbers = #tpu.dot_dimension_numbers<[1], [1], [0], [0], [0, 0, 1, 0], [], []>, transpose_lhs_hint = false} : vector<128x128xbf16>, vector<512x128xbf16>, vector<128x512xf32> -> vector<128x512xf32>
    %mul3A_202 = arith.constant 1.250000e-01 : f32
    %mul3A_203 = vector.broadcast %mul3A_202 : f32 to vector<128x512xf32>
    %mul3A_204 = arith.mulf %dot_general3A_201, %mul3A_203 : vector<128x512xf32>
    %exp3A_205 = math.exp %mul3A_204 : vector<128x512xf32>
    %convert_element_type3A_206 = arith.truncf %exp3A_205 : vector<128x512xf32> to vector<128x512xbf16>
    %get3A_207 = arith.constant 0 : index
    %get3A_208 = arith.constant 0 : index
    %get3A_209 = vector.load %arg9[%get3A_207, %get3A_208] : memref<128x512xbf16, #tpu.memory_space<vmem>>, vector<128x512xbf16>
    %mul3A_210 = arith.mulf %convert_element_type3A_206, %get3A_209 : vector<128x512xbf16>
    %broadcast_in_dim3A_211 = arith.constant 1.000000e+00 : bf16
    %broadcast_in_dim3A_212 = vector.broadcast %broadcast_in_dim3A_211 : bf16 to vector<512x128xbf16>
    %concatenate3A_213 = tpu.concatenate %slice3A_199, %broadcast_in_dim3A_212 in 1 : vector<512x128xbf16>, vector<512x128xbf16> -> vector<512x256xbf16>
    %dot_general3A_214 = arith.constant dense<0.000000e+00> : vector<128x256xf32>
    %dot_general3A_215 = tpu.matmul %mul3A_210, %concatenate3A_213, %dot_general3A_214 {dimension_numbers = #tpu.dot_dimension_numbers<[1], [0], [0], [1], [0, 0, 1, 1], [], []>, transpose_lhs_hint = false} : vector<128x512xbf16>, vector<512x256xbf16>, vector<128x256xf32> -> vector<128x256xf32>
    %slice3A_216 = vector.extract_strided_slice %dot_general3A_215 {offsets = [0, 0], sizes = [128, 128], strides = [1, 1]} : vector<128x256xf32> to vector<128x128xf32>
    %slice3A_217 = vector.extract_strided_slice %dot_general3A_215 {offsets = [0, 128], sizes = [128, 1], strides = [1, 1]} : vector<128x256xf32> to vector<128x1xf32>
    %div3A_218 = vector.broadcast %slice3A_217 : vector<128x1xf32> to vector<128x128xf32>
    %div3A_219 = arith.divf %slice3A_216, %div3A_218 : vector<128x128xf32>
    %convert_element_type3A_220 = arith.truncf %div3A_219 : vector<128x128xf32> to vector<128x128xbf16>
    %slice3A_221 = vector.extract_strided_slice %convert_element_type3A_102 {offsets = [24, 0], sizes = [8, 128], strides = [1, 1]} : vector<2048x128xbf16> to vector<8x128xbf16>
    %slice3A_222 = vector.extract_strided_slice %convert_element_type3A_102 {offsets = [152, 0], sizes = [8, 128], strides = [1, 1]} : vector<2048x128xbf16> to vector<8x128xbf16>
    %slice3A_223 = vector.extract_strided_slice %convert_element_type3A_102 {offsets = [280, 0], sizes = [8, 128], strides = [1, 1]} : vector<2048x128xbf16> to vector<8x128xbf16>
    %slice3A_224 = vector.extract_strided_slice %convert_element_type3A_102 {offsets = [408, 0], sizes = [8, 128], strides = [1, 1]} : vector<2048x128xbf16> to vector<8x128xbf16>
    %slice3A_225 = vector.extract_strided_slice %convert_element_type3A_102 {offsets = [536, 0], sizes = [8, 128], strides = [1, 1]} : vector<2048x128xbf16> to vector<8x128xbf16>
    %slice3A_226 = vector.extract_strided_slice %convert_element_type3A_102 {offsets = [664, 0], sizes = [8, 128], strides = [1, 1]} : vector<2048x128xbf16> to vector<8x128xbf16>
    %slice3A_227 = vector.extract_strided_slice %convert_element_type3A_102 {offsets = [792, 0], sizes = [8, 128], strides = [1, 1]} : vector<2048x128xbf16> to vector<8x128xbf16>
    %slice3A_228 = vector.extract_strided_slice %convert_element_type3A_102 {offsets = [920, 0], sizes = [8, 128], strides = [1, 1]} : vector<2048x128xbf16> to vector<8x128xbf16>
    %slice3A_229 = vector.extract_strided_slice %convert_element_type3A_102 {offsets = [1048, 0], sizes = [8, 128], strides = [1, 1]} : vector<2048x128xbf16> to vector<8x128xbf16>
    %slice3A_230 = vector.extract_strided_slice %convert_element_type3A_102 {offsets = [1176, 0], sizes = [8, 128], strides = [1, 1]} : vector<2048x128xbf16> to vector<8x128xbf16>
    %slice3A_231 = vector.extract_strided_slice %convert_element_type3A_102 {offsets = [1304, 0], sizes = [8, 128], strides = [1, 1]} : vector<2048x128xbf16> to vector<8x128xbf16>
    %slice3A_232 = vector.extract_strided_slice %convert_element_type3A_102 {offsets = [1432, 0], sizes = [8, 128], strides = [1, 1]} : vector<2048x128xbf16> to vector<8x128xbf16>
    %slice3A_233 = vector.extract_strided_slice %convert_element_type3A_102 {offsets = [1560, 0], sizes = [8, 128], strides = [1, 1]} : vector<2048x128xbf16> to vector<8x128xbf16>
    %slice3A_234 = vector.extract_strided_slice %convert_element_type3A_102 {offsets = [1688, 0], sizes = [8, 128], strides = [1, 1]} : vector<2048x128xbf16> to vector<8x128xbf16>
    %slice3A_235 = vector.extract_strided_slice %convert_element_type3A_102 {offsets = [1816, 0], sizes = [8, 128], strides = [1, 1]} : vector<2048x128xbf16> to vector<8x128xbf16>
    %slice3A_236 = vector.extract_strided_slice %convert_element_type3A_102 {offsets = [1944, 0], sizes = [8, 128], strides = [1, 1]} : vector<2048x128xbf16> to vector<8x128xbf16>
    %concatenate3A_237 = tpu.concatenate %slice3A_221, %slice3A_222, %slice3A_223, %slice3A_224, %slice3A_225, %slice3A_226, %slice3A_227, %slice3A_228, %slice3A_229, %slice3A_230, %slice3A_231, %slice3A_232, %slice3A_233, %slice3A_234, %slice3A_235, %slice3A_236 in 0 : vector<8x128xbf16>, vector<8x128xbf16>, vector<8x128xbf16>, vector<8x128xbf16>, vector<8x128xbf16>, vector<8x128xbf16>, vector<8x128xbf16>, vector<8x128xbf16>, vector<8x128xbf16>, vector<8x128xbf16>, vector<8x128xbf16>, vector<8x128xbf16>, vector<8x128xbf16>, vector<8x128xbf16>, vector<8x128xbf16>, vector<8x128xbf16> -> vector<128x128xbf16>
    %slice3A_238 = vector.extract_strided_slice %convert_element_type3A_108 {offsets = [1536, 0], sizes = [512, 128], strides = [1, 1]} : vector<2048x128xbf16> to vector<512x128xbf16>
    %dot_general3A_239 = arith.constant dense<0.000000e+00> : vector<128x512xf32>
    %dot_general3A_240 = tpu.matmul %concatenate3A_237, %slice3A_238, %dot_general3A_239 {dimension_numbers = #tpu.dot_dimension_numbers<[1], [1], [0], [0], [0, 0, 1, 0], [], []>, transpose_lhs_hint = false} : vector<128x128xbf16>, vector<512x128xbf16>, vector<128x512xf32> -> vector<128x512xf32>
    %mul3A_241 = arith.constant 1.250000e-01 : f32
    %mul3A_242 = vector.broadcast %mul3A_241 : f32 to vector<128x512xf32>
    %mul3A_243 = arith.mulf %dot_general3A_240, %mul3A_242 : vector<128x512xf32>
    %exp3A_244 = math.exp %mul3A_243 : vector<128x512xf32>
    %convert_element_type3A_245 = arith.truncf %exp3A_244 : vector<128x512xf32> to vector<128x512xbf16>
    %get3A_246 = arith.constant 0 : index
    %get3A_247 = arith.constant 0 : index
    %get3A_248 = vector.load %arg9[%get3A_246, %get3A_247] : memref<128x512xbf16, #tpu.memory_space<vmem>>, vector<128x512xbf16>
    %mul3A_249 = arith.mulf %convert_element_type3A_245, %get3A_248 : vector<128x512xbf16>
    %broadcast_in_dim3A_250 = arith.constant 1.000000e+00 : bf16
    %broadcast_in_dim3A_251 = vector.broadcast %broadcast_in_dim3A_250 : bf16 to vector<512x128xbf16>
    %concatenate3A_252 = tpu.concatenate %slice3A_238, %broadcast_in_dim3A_251 in 1 : vector<512x128xbf16>, vector<512x128xbf16> -> vector<512x256xbf16>
    %dot_general3A_253 = arith.constant dense<0.000000e+00> : vector<128x256xf32>
    %dot_general3A_254 = tpu.matmul %mul3A_249, %concatenate3A_252, %dot_general3A_253 {dimension_numbers = #tpu.dot_dimension_numbers<[1], [0], [0], [1], [0, 0, 1, 1], [], []>, transpose_lhs_hint = false} : vector<128x512xbf16>, vector<512x256xbf16>, vector<128x256xf32> -> vector<128x256xf32>
    %slice3A_255 = vector.extract_strided_slice %dot_general3A_254 {offsets = [0, 0], sizes = [128, 128], strides = [1, 1]} : vector<128x256xf32> to vector<128x128xf32>
    %slice3A_256 = vector.extract_strided_slice %dot_general3A_254 {offsets = [0, 128], sizes = [128, 1], strides = [1, 1]} : vector<128x256xf32> to vector<128x1xf32>
    %div3A_257 = vector.broadcast %slice3A_256 : vector<128x1xf32> to vector<128x128xf32>
    %div3A_258 = arith.divf %slice3A_255, %div3A_257 : vector<128x128xf32>
    %convert_element_type3A_259 = arith.truncf %div3A_258 : vector<128x128xf32> to vector<128x128xbf16>
    %get3A_260 = arith.constant 1 : index
    %get3A_261 = arith.constant 0 : index
    %get3A_262 = arith.constant 0 : index
    %get3A_263 = vector.load %arg2[%get3A_260, %get3A_261, %get3A_262] : memref<4x2048x128xf32, #tpu.memory_space<vmem>>, vector<1x2048x128xf32>
    %get3A_264 = vector.shape_cast %get3A_263 : vector<1x2048x128xf32> to vector<2048x128xf32>
    %convert_element_type3A_265 = arith.truncf %get3A_264 : vector<2048x128xf32> to vector<2048x128xbf16>
    %slice3A_266 = vector.extract_strided_slice %convert_element_type3A_102 {offsets = [32, 0], sizes = [8, 128], strides = [1, 1]} : vector<2048x128xbf16> to vector<8x128xbf16>
    %slice3A_267 = vector.extract_strided_slice %convert_element_type3A_102 {offsets = [160, 0], sizes = [8, 128], strides = [1, 1]} : vector<2048x128xbf16> to vector<8x128xbf16>
    %slice3A_268 = vector.extract_strided_slice %convert_element_type3A_102 {offsets = [288, 0], sizes = [8, 128], strides = [1, 1]} : vector<2048x128xbf16> to vector<8x128xbf16>
    %slice3A_269 = vector.extract_strided_slice %convert_element_type3A_102 {offsets = [416, 0], sizes = [8, 128], strides = [1, 1]} : vector<2048x128xbf16> to vector<8x128xbf16>
    %slice3A_270 = vector.extract_strided_slice %convert_element_type3A_102 {offsets = [544, 0], sizes = [8, 128], strides = [1, 1]} : vector<2048x128xbf16> to vector<8x128xbf16>
    %slice3A_271 = vector.extract_strided_slice %convert_element_type3A_102 {offsets = [672, 0], sizes = [8, 128], strides = [1, 1]} : vector<2048x128xbf16> to vector<8x128xbf16>
    %slice3A_272 = vector.extract_strided_slice %convert_element_type3A_102 {offsets = [800, 0], sizes = [8, 128], strides = [1, 1]} : vector<2048x128xbf16> to vector<8x128xbf16>
    %slice3A_273 = vector.extract_strided_slice %convert_element_type3A_102 {offsets = [928, 0], sizes = [8, 128], strides = [1, 1]} : vector<2048x128xbf16> to vector<8x128xbf16>
    %slice3A_274 = vector.extract_strided_slice %convert_element_type3A_102 {offsets = [1056, 0], sizes = [8, 128], strides = [1, 1]} : vector<2048x128xbf16> to vector<8x128xbf16>
    %slice3A_275 = vector.extract_strided_slice %convert_element_type3A_102 {offsets = [1184, 0], sizes = [8, 128], strides = [1, 1]} : vector<2048x128xbf16> to vector<8x128xbf16>
    %slice3A_276 = vector.extract_strided_slice %convert_element_type3A_102 {offsets = [1312, 0], sizes = [8, 128], strides = [1, 1]} : vector<2048x128xbf16> to vector<8x128xbf16>
    %slice3A_277 = vector.extract_strided_slice %convert_element_type3A_102 {offsets = [1440, 0], sizes = [8, 128], strides = [1, 1]} : vector<2048x128xbf16> to vector<8x128xbf16>
    %slice3A_278 = vector.extract_strided_slice %convert_element_type3A_102 {offsets = [1568, 0], sizes = [8, 128], strides = [1, 1]} : vector<2048x128xbf16> to vector<8x128xbf16>
    %slice3A_279 = vector.extract_strided_slice %convert_element_type3A_102 {offsets = [1696, 0], sizes = [8, 128], strides = [1, 1]} : vector<2048x128xbf16> to vector<8x128xbf16>
    %slice3A_280 = vector.extract_strided_slice %convert_element_type3A_102 {offsets = [1824, 0], sizes = [8, 128], strides = [1, 1]} : vector<2048x128xbf16> to vector<8x128xbf16>
    %slice3A_281 = vector.extract_strided_slice %convert_element_type3A_102 {offsets = [1952, 0], sizes = [8, 128], strides = [1, 1]} : vector<2048x128xbf16> to vector<8x128xbf16>
    %concatenate3A_282 = tpu.concatenate %slice3A_266, %slice3A_267, %slice3A_268, %slice3A_269, %slice3A_270, %slice3A_271, %slice3A_272, %slice3A_273, %slice3A_274, %slice3A_275, %slice3A_276, %slice3A_277, %slice3A_278, %slice3A_279, %slice3A_280, %slice3A_281 in 0 : vector<8x128xbf16>, vector<8x128xbf16>, vector<8x128xbf16>, vector<8x128xbf16>, vector<8x128xbf16>, vector<8x128xbf16>, vector<8x128xbf16>, vector<8x128xbf16>, vector<8x128xbf16>, vector<8x128xbf16>, vector<8x128xbf16>, vector<8x128xbf16>, vector<8x128xbf16>, vector<8x128xbf16>, vector<8x128xbf16>, vector<8x128xbf16> -> vector<128x128xbf16>
    %slice3A_283 = vector.extract_strided_slice %convert_element_type3A_265 {offsets = [0, 0], sizes = [512, 128], strides = [1, 1]} : vector<2048x128xbf16> to vector<512x128xbf16>
    %dot_general3A_284 = arith.constant dense<0.000000e+00> : vector<128x512xf32>
    %dot_general3A_285 = tpu.matmul %concatenate3A_282, %slice3A_283, %dot_general3A_284 {dimension_numbers = #tpu.dot_dimension_numbers<[1], [1], [0], [0], [0, 0, 1, 0], [], []>, transpose_lhs_hint = false} : vector<128x128xbf16>, vector<512x128xbf16>, vector<128x512xf32> -> vector<128x512xf32>
    %mul3A_286 = arith.constant 1.250000e-01 : f32
    %mul3A_287 = vector.broadcast %mul3A_286 : f32 to vector<128x512xf32>
    %mul3A_288 = arith.mulf %dot_general3A_285, %mul3A_287 : vector<128x512xf32>
    %exp3A_289 = math.exp %mul3A_288 : vector<128x512xf32>
    %convert_element_type3A_290 = arith.truncf %exp3A_289 : vector<128x512xf32> to vector<128x512xbf16>
    %get3A_291 = arith.constant 0 : index
    %get3A_292 = arith.constant 0 : index
    %get3A_293 = vector.load %arg9[%get3A_291, %get3A_292] : memref<128x512xbf16, #tpu.memory_space<vmem>>, vector<128x512xbf16>
    %mul3A_294 = arith.mulf %convert_element_type3A_290, %get3A_293 : vector<128x512xbf16>
    %broadcast_in_dim3A_295 = arith.constant 1.000000e+00 : bf16
    %broadcast_in_dim3A_296 = vector.broadcast %broadcast_in_dim3A_295 : bf16 to vector<512x128xbf16>
    %concatenate3A_297 = tpu.concatenate %slice3A_283, %broadcast_in_dim3A_296 in 1 : vector<512x128xbf16>, vector<512x128xbf16> -> vector<512x256xbf16>
    %dot_general3A_298 = arith.constant dense<0.000000e+00> : vector<128x256xf32>
    %dot_general3A_299 = tpu.matmul %mul3A_294, %concatenate3A_297, %dot_general3A_298 {dimension_numbers = #tpu.dot_dimension_numbers<[1], [0], [0], [1], [0, 0, 1, 1], [], []>, transpose_lhs_hint = false} : vector<128x512xbf16>, vector<512x256xbf16>, vector<128x256xf32> -> vector<128x256xf32>
    %slice3A_300 = vector.extract_strided_slice %dot_general3A_299 {offsets = [0, 0], sizes = [128, 128], strides = [1, 1]} : vector<128x256xf32> to vector<128x128xf32>
    %slice3A_301 = vector.extract_strided_slice %dot_general3A_299 {offsets = [0, 128], sizes = [128, 1], strides = [1, 1]} : vector<128x256xf32> to vector<128x1xf32>
    %div3A_302 = vector.broadcast %slice3A_301 : vector<128x1xf32> to vector<128x128xf32>
    %div3A_303 = arith.divf %slice3A_300, %div3A_302 : vector<128x128xf32>
    %convert_element_type3A_304 = arith.truncf %div3A_303 : vector<128x128xf32> to vector<128x128xbf16>
    %slice3A_305 = vector.extract_strided_slice %convert_element_type3A_102 {offsets = [40, 0], sizes = [8, 128], strides = [1, 1]} : vector<2048x128xbf16> to vector<8x128xbf16>
    %slice3A_306 = vector.extract_strided_slice %convert_element_type3A_102 {offsets = [168, 0], sizes = [8, 128], strides = [1, 1]} : vector<2048x128xbf16> to vector<8x128xbf16>
    %slice3A_307 = vector.extract_strided_slice %convert_element_type3A_102 {offsets = [296, 0], sizes = [8, 128], strides = [1, 1]} : vector<2048x128xbf16> to vector<8x128xbf16>
    %slice3A_308 = vector.extract_strided_slice %convert_element_type3A_102 {offsets = [424, 0], sizes = [8, 128], strides = [1, 1]} : vector<2048x128xbf16> to vector<8x128xbf16>
    %slice3A_309 = vector.extract_strided_slice %convert_element_type3A_102 {offsets = [552, 0], sizes = [8, 128], strides = [1, 1]} : vector<2048x128xbf16> to vector<8x128xbf16>
    %slice3A_310 = vector.extract_strided_slice %convert_element_type3A_102 {offsets = [680, 0], sizes = [8, 128], strides = [1, 1]} : vector<2048x128xbf16> to vector<8x128xbf16>
    %slice3A_311 = vector.extract_strided_slice %convert_element_type3A_102 {offsets = [808, 0], sizes = [8, 128], strides = [1, 1]} : vector<2048x128xbf16> to vector<8x128xbf16>
    %slice3A_312 = vector.extract_strided_slice %convert_element_type3A_102 {offsets = [936, 0], sizes = [8, 128], strides = [1, 1]} : vector<2048x128xbf16> to vector<8x128xbf16>
    %slice3A_313 = vector.extract_strided_slice %convert_element_type3A_102 {offsets = [1064, 0], sizes = [8, 128], strides = [1, 1]} : vector<2048x128xbf16> to vector<8x128xbf16>
    %slice3A_314 = vector.extract_strided_slice %convert_element_type3A_102 {offsets = [1192, 0], sizes = [8, 128], strides = [1, 1]} : vector<2048x128xbf16> to vector<8x128xbf16>
    %slice3A_315 = vector.extract_strided_slice %convert_element_type3A_102 {offsets = [1320, 0], sizes = [8, 128], strides = [1, 1]} : vector<2048x128xbf16> to vector<8x128xbf16>
    %slice3A_316 = vector.extract_strided_slice %convert_element_type3A_102 {offsets = [1448, 0], sizes = [8, 128], strides = [1, 1]} : vector<2048x128xbf16> to vector<8x128xbf16>
    %slice3A_317 = vector.extract_strided_slice %convert_element_type3A_102 {offsets = [1576, 0], sizes = [8, 128], strides = [1, 1]} : vector<2048x128xbf16> to vector<8x128xbf16>
    %slice3A_318 = vector.extract_strided_slice %convert_element_type3A_102 {offsets = [1704, 0], sizes = [8, 128], strides = [1, 1]} : vector<2048x128xbf16> to vector<8x128xbf16>
    %slice3A_319 = vector.extract_strided_slice %convert_element_type3A_102 {offsets = [1832, 0], sizes = [8, 128], strides = [1, 1]} : vector<2048x128xbf16> to vector<8x128xbf16>
    %slice3A_320 = vector.extract_strided_slice %convert_element_type3A_102 {offsets = [1960, 0], sizes = [8, 128], strides = [1, 1]} : vector<2048x128xbf16> to vector<8x128xbf16>
    %concatenate3A_321 = tpu.concatenate %slice3A_305, %slice3A_306, %slice3A_307, %slice3A_308, %slice3A_309, %slice3A_310, %slice3A_311, %slice3A_312, %slice3A_313, %slice3A_314, %slice3A_315, %slice3A_316, %slice3A_317, %slice3A_318, %slice3A_319, %slice3A_320 in 0 : vector<8x128xbf16>, vector<8x128xbf16>, vector<8x128xbf16>, vector<8x128xbf16>, vector<8x128xbf16>, vector<8x128xbf16>, vector<8x128xbf16>, vector<8x128xbf16>, vector<8x128xbf16>, vector<8x128xbf16>, vector<8x128xbf16>, vector<8x128xbf16>, vector<8x128xbf16>, vector<8x128xbf16>, vector<8x128xbf16>, vector<8x128xbf16> -> vector<128x128xbf16>
    %slice3A_322 = vector.extract_strided_slice %convert_element_type3A_265 {offsets = [512, 0], sizes = [512, 128], strides = [1, 1]} : vector<2048x128xbf16> to vector<512x128xbf16>
    %dot_general3A_323 = arith.constant dense<0.000000e+00> : vector<128x512xf32>
    %dot_general3A_324 = tpu.matmul %concatenate3A_321, %slice3A_322, %dot_general3A_323 {dimension_numbers = #tpu.dot_dimension_numbers<[1], [1], [0], [0], [0, 0, 1, 0], [], []>, transpose_lhs_hint = false} : vector<128x128xbf16>, vector<512x128xbf16>, vector<128x512xf32> -> vector<128x512xf32>
    %mul3A_325 = arith.constant 1.250000e-01 : f32
    %mul3A_326 = vector.broadcast %mul3A_325 : f32 to vector<128x512xf32>
    %mul3A_327 = arith.mulf %dot_general3A_324, %mul3A_326 : vector<128x512xf32>
    %exp3A_328 = math.exp %mul3A_327 : vector<128x512xf32>
    %convert_element_type3A_329 = arith.truncf %exp3A_328 : vector<128x512xf32> to vector<128x512xbf16>
    %get3A_330 = arith.constant 0 : index
    %get3A_331 = arith.constant 0 : index
    %get3A_332 = vector.load %arg9[%get3A_330, %get3A_331] : memref<128x512xbf16, #tpu.memory_space<vmem>>, vector<128x512xbf16>
    %mul3A_333 = arith.mulf %convert_element_type3A_329, %get3A_332 : vector<128x512xbf16>
    %broadcast_in_dim3A_334 = arith.constant 1.000000e+00 : bf16
    %broadcast_in_dim3A_335 = vector.broadcast %broadcast_in_dim3A_334 : bf16 to vector<512x128xbf16>
    %concatenate3A_336 = tpu.concatenate %slice3A_322, %broadcast_in_dim3A_335 in 1 : vector<512x128xbf16>, vector<512x128xbf16> -> vector<512x256xbf16>
    %dot_general3A_337 = arith.constant dense<0.000000e+00> : vector<128x256xf32>
    %dot_general3A_338 = tpu.matmul %mul3A_333, %concatenate3A_336, %dot_general3A_337 {dimension_numbers = #tpu.dot_dimension_numbers<[1], [0], [0], [1], [0, 0, 1, 1], [], []>, transpose_lhs_hint = false} : vector<128x512xbf16>, vector<512x256xbf16>, vector<128x256xf32> -> vector<128x256xf32>
    %slice3A_339 = vector.extract_strided_slice %dot_general3A_338 {offsets = [0, 0], sizes = [128, 128], strides = [1, 1]} : vector<128x256xf32> to vector<128x128xf32>
    %slice3A_340 = vector.extract_strided_slice %dot_general3A_338 {offsets = [0, 128], sizes = [128, 1], strides = [1, 1]} : vector<128x256xf32> to vector<128x1xf32>
    %div3A_341 = vector.broadcast %slice3A_340 : vector<128x1xf32> to vector<128x128xf32>
    %div3A_342 = arith.divf %slice3A_339, %div3A_341 : vector<128x128xf32>
    %convert_element_type3A_343 = arith.truncf %div3A_342 : vector<128x128xf32> to vector<128x128xbf16>
    %slice3A_344 = vector.extract_strided_slice %convert_element_type3A_102 {offsets = [48, 0], sizes = [8, 128], strides = [1, 1]} : vector<2048x128xbf16> to vector<8x128xbf16>
    %slice3A_345 = vector.extract_strided_slice %convert_element_type3A_102 {offsets = [176, 0], sizes = [8, 128], strides = [1, 1]} : vector<2048x128xbf16> to vector<8x128xbf16>
    %slice3A_346 = vector.extract_strided_slice %convert_element_type3A_102 {offsets = [304, 0], sizes = [8, 128], strides = [1, 1]} : vector<2048x128xbf16> to vector<8x128xbf16>
    %slice3A_347 = vector.extract_strided_slice %convert_element_type3A_102 {offsets = [432, 0], sizes = [8, 128], strides = [1, 1]} : vector<2048x128xbf16> to vector<8x128xbf16>
    %slice3A_348 = vector.extract_strided_slice %convert_element_type3A_102 {offsets = [560, 0], sizes = [8, 128], strides = [1, 1]} : vector<2048x128xbf16> to vector<8x128xbf16>
    %slice3A_349 = vector.extract_strided_slice %convert_element_type3A_102 {offsets = [688, 0], sizes = [8, 128], strides = [1, 1]} : vector<2048x128xbf16> to vector<8x128xbf16>
    %slice3A_350 = vector.extract_strided_slice %convert_element_type3A_102 {offsets = [816, 0], sizes = [8, 128], strides = [1, 1]} : vector<2048x128xbf16> to vector<8x128xbf16>
    %slice3A_351 = vector.extract_strided_slice %convert_element_type3A_102 {offsets = [944, 0], sizes = [8, 128], strides = [1, 1]} : vector<2048x128xbf16> to vector<8x128xbf16>
    %slice3A_352 = vector.extract_strided_slice %convert_element_type3A_102 {offsets = [1072, 0], sizes = [8, 128], strides = [1, 1]} : vector<2048x128xbf16> to vector<8x128xbf16>
    %slice3A_353 = vector.extract_strided_slice %convert_element_type3A_102 {offsets = [1200, 0], sizes = [8, 128], strides = [1, 1]} : vector<2048x128xbf16> to vector<8x128xbf16>
    %slice3A_354 = vector.extract_strided_slice %convert_element_type3A_102 {offsets = [1328, 0], sizes = [8, 128], strides = [1, 1]} : vector<2048x128xbf16> to vector<8x128xbf16>
    %slice3A_355 = vector.extract_strided_slice %convert_element_type3A_102 {offsets = [1456, 0], sizes = [8, 128], strides = [1, 1]} : vector<2048x128xbf16> to vector<8x128xbf16>
    %slice3A_356 = vector.extract_strided_slice %convert_element_type3A_102 {offsets = [1584, 0], sizes = [8, 128], strides = [1, 1]} : vector<2048x128xbf16> to vector<8x128xbf16>
    %slice3A_357 = vector.extract_strided_slice %convert_element_type3A_102 {offsets = [1712, 0], sizes = [8, 128], strides = [1, 1]} : vector<2048x128xbf16> to vector<8x128xbf16>
    %slice3A_358 = vector.extract_strided_slice %convert_element_type3A_102 {offsets = [1840, 0], sizes = [8, 128], strides = [1, 1]} : vector<2048x128xbf16> to vector<8x128xbf16>
    %slice3A_359 = vector.extract_strided_slice %convert_element_type3A_102 {offsets = [1968, 0], sizes = [8, 128], strides = [1, 1]} : vector<2048x128xbf16> to vector<8x128xbf16>
    %concatenate3A_360 = tpu.concatenate %slice3A_344, %slice3A_345, %slice3A_346, %slice3A_347, %slice3A_348, %slice3A_349, %slice3A_350, %slice3A_351, %slice3A_352, %slice3A_353, %slice3A_354, %slice3A_355, %slice3A_356, %slice3A_357, %slice3A_358, %slice3A_359 in 0 : vector<8x128xbf16>, vector<8x128xbf16>, vector<8x128xbf16>, vector<8x128xbf16>, vector<8x128xbf16>, vector<8x128xbf16>, vector<8x128xbf16>, vector<8x128xbf16>, vector<8x128xbf16>, vector<8x128xbf16>, vector<8x128xbf16>, vector<8x128xbf16>, vector<8x128xbf16>, vector<8x128xbf16>, vector<8x128xbf16>, vector<8x128xbf16> -> vector<128x128xbf16>
    %slice3A_361 = vector.extract_strided_slice %convert_element_type3A_265 {offsets = [1024, 0], sizes = [512, 128], strides = [1, 1]} : vector<2048x128xbf16> to vector<512x128xbf16>
    %dot_general3A_362 = arith.constant dense<0.000000e+00> : vector<128x512xf32>
    %dot_general3A_363 = tpu.matmul %concatenate3A_360, %slice3A_361, %dot_general3A_362 {dimension_numbers = #tpu.dot_dimension_numbers<[1], [1], [0], [0], [0, 0, 1, 0], [], []>, transpose_lhs_hint = false} : vector<128x128xbf16>, vector<512x128xbf16>, vector<128x512xf32> -> vector<128x512xf32>
    %mul3A_364 = arith.constant 1.250000e-01 : f32
    %mul3A_365 = vector.broadcast %mul3A_364 : f32 to vector<128x512xf32>
    %mul3A_366 = arith.mulf %dot_general3A_363, %mul3A_365 : vector<128x512xf32>
    %exp3A_367 = math.exp %mul3A_366 : vector<128x512xf32>
    %convert_element_type3A_368 = arith.truncf %exp3A_367 : vector<128x512xf32> to vector<128x512xbf16>
    %get3A_369 = arith.constant 0 : index
    %get3A_370 = arith.constant 0 : index
    %get3A_371 = vector.load %arg9[%get3A_369, %get3A_370] : memref<128x512xbf16, #tpu.memory_space<vmem>>, vector<128x512xbf16>
    %mul3A_372 = arith.mulf %convert_element_type3A_368, %get3A_371 : vector<128x512xbf16>
    %broadcast_in_dim3A_373 = arith.constant 1.000000e+00 : bf16
    %broadcast_in_dim3A_374 = vector.broadcast %broadcast_in_dim3A_373 : bf16 to vector<512x128xbf16>
    %concatenate3A_375 = tpu.concatenate %slice3A_361, %broadcast_in_dim3A_374 in 1 : vector<512x128xbf16>, vector<512x128xbf16> -> vector<512x256xbf16>
    %dot_general3A_376 = arith.constant dense<0.000000e+00> : vector<128x256xf32>
    %dot_general3A_377 = tpu.matmul %mul3A_372, %concatenate3A_375, %dot_general3A_376 {dimension_numbers = #tpu.dot_dimension_numbers<[1], [0], [0], [1], [0, 0, 1, 1], [], []>, transpose_lhs_hint = false} : vector<128x512xbf16>, vector<512x256xbf16>, vector<128x256xf32> -> vector<128x256xf32>
    %slice3A_378 = vector.extract_strided_slice %dot_general3A_377 {offsets = [0, 0], sizes = [128, 128], strides = [1, 1]} : vector<128x256xf32> to vector<128x128xf32>
    %slice3A_379 = vector.extract_strided_slice %dot_general3A_377 {offsets = [0, 128], sizes = [128, 1], strides = [1, 1]} : vector<128x256xf32> to vector<128x1xf32>
    %div3A_380 = vector.broadcast %slice3A_379 : vector<128x1xf32> to vector<128x128xf32>
    %div3A_381 = arith.divf %slice3A_378, %div3A_380 : vector<128x128xf32>
    %convert_element_type3A_382 = arith.truncf %div3A_381 : vector<128x128xf32> to vector<128x128xbf16>
    %slice3A_383 = vector.extract_strided_slice %convert_element_type3A_102 {offsets = [56, 0], sizes = [8, 128], strides = [1, 1]} : vector<2048x128xbf16> to vector<8x128xbf16>
    %slice3A_384 = vector.extract_strided_slice %convert_element_type3A_102 {offsets = [184, 0], sizes = [8, 128], strides = [1, 1]} : vector<2048x128xbf16> to vector<8x128xbf16>
    %slice3A_385 = vector.extract_strided_slice %convert_element_type3A_102 {offsets = [312, 0], sizes = [8, 128], strides = [1, 1]} : vector<2048x128xbf16> to vector<8x128xbf16>
    %slice3A_386 = vector.extract_strided_slice %convert_element_type3A_102 {offsets = [440, 0], sizes = [8, 128], strides = [1, 1]} : vector<2048x128xbf16> to vector<8x128xbf16>
    %slice3A_387 = vector.extract_strided_slice %convert_element_type3A_102 {offsets = [568, 0], sizes = [8, 128], strides = [1, 1]} : vector<2048x128xbf16> to vector<8x128xbf16>
    %slice3A_388 = vector.extract_strided_slice %convert_element_type3A_102 {offsets = [696, 0], sizes = [8, 128], strides = [1, 1]} : vector<2048x128xbf16> to vector<8x128xbf16>
    %slice3A_389 = vector.extract_strided_slice %convert_element_type3A_102 {offsets = [824, 0], sizes = [8, 128], strides = [1, 1]} : vector<2048x128xbf16> to vector<8x128xbf16>
    %slice3A_390 = vector.extract_strided_slice %convert_element_type3A_102 {offsets = [952, 0], sizes = [8, 128], strides = [1, 1]} : vector<2048x128xbf16> to vector<8x128xbf16>
    %slice3A_391 = vector.extract_strided_slice %convert_element_type3A_102 {offsets = [1080, 0], sizes = [8, 128], strides = [1, 1]} : vector<2048x128xbf16> to vector<8x128xbf16>
    %slice3A_392 = vector.extract_strided_slice %convert_element_type3A_102 {offsets = [1208, 0], sizes = [8, 128], strides = [1, 1]} : vector<2048x128xbf16> to vector<8x128xbf16>
    %slice3A_393 = vector.extract_strided_slice %convert_element_type3A_102 {offsets = [1336, 0], sizes = [8, 128], strides = [1, 1]} : vector<2048x128xbf16> to vector<8x128xbf16>
    %slice3A_394 = vector.extract_strided_slice %convert_element_type3A_102 {offsets = [1464, 0], sizes = [8, 128], strides = [1, 1]} : vector<2048x128xbf16> to vector<8x128xbf16>
    %slice3A_395 = vector.extract_strided_slice %convert_element_type3A_102 {offsets = [1592, 0], sizes = [8, 128], strides = [1, 1]} : vector<2048x128xbf16> to vector<8x128xbf16>
    %slice3A_396 = vector.extract_strided_slice %convert_element_type3A_102 {offsets = [1720, 0], sizes = [8, 128], strides = [1, 1]} : vector<2048x128xbf16> to vector<8x128xbf16>
    %slice3A_397 = vector.extract_strided_slice %convert_element_type3A_102 {offsets = [1848, 0], sizes = [8, 128], strides = [1, 1]} : vector<2048x128xbf16> to vector<8x128xbf16>
    %slice3A_398 = vector.extract_strided_slice %convert_element_type3A_102 {offsets = [1976, 0], sizes = [8, 128], strides = [1, 1]} : vector<2048x128xbf16> to vector<8x128xbf16>
    %concatenate3A_399 = tpu.concatenate %slice3A_383, %slice3A_384, %slice3A_385, %slice3A_386, %slice3A_387, %slice3A_388, %slice3A_389, %slice3A_390, %slice3A_391, %slice3A_392, %slice3A_393, %slice3A_394, %slice3A_395, %slice3A_396, %slice3A_397, %slice3A_398 in 0 : vector<8x128xbf16>, vector<8x128xbf16>, vector<8x128xbf16>, vector<8x128xbf16>, vector<8x128xbf16>, vector<8x128xbf16>, vector<8x128xbf16>, vector<8x128xbf16>, vector<8x128xbf16>, vector<8x128xbf16>, vector<8x128xbf16>, vector<8x128xbf16>, vector<8x128xbf16>, vector<8x128xbf16>, vector<8x128xbf16>, vector<8x128xbf16> -> vector<128x128xbf16>
    %slice3A_400 = vector.extract_strided_slice %convert_element_type3A_265 {offsets = [1536, 0], sizes = [512, 128], strides = [1, 1]} : vector<2048x128xbf16> to vector<512x128xbf16>
    %dot_general3A_401 = arith.constant dense<0.000000e+00> : vector<128x512xf32>
    %dot_general3A_402 = tpu.matmul %concatenate3A_399, %slice3A_400, %dot_general3A_401 {dimension_numbers = #tpu.dot_dimension_numbers<[1], [1], [0], [0], [0, 0, 1, 0], [], []>, transpose_lhs_hint = false} : vector<128x128xbf16>, vector<512x128xbf16>, vector<128x512xf32> -> vector<128x512xf32>
    %mul3A_403 = arith.constant 1.250000e-01 : f32
    %mul3A_404 = vector.broadcast %mul3A_403 : f32 to vector<128x512xf32>
    %mul3A_405 = arith.mulf %dot_general3A_402, %mul3A_404 : vector<128x512xf32>
    %exp3A_406 = math.exp %mul3A_405 : vector<128x512xf32>
    %convert_element_type3A_407 = arith.truncf %exp3A_406 : vector<128x512xf32> to vector<128x512xbf16>
    %get3A_408 = arith.constant 0 : index
    %get3A_409 = arith.constant 0 : index
    %get3A_410 = vector.load %arg9[%get3A_408, %get3A_409] : memref<128x512xbf16, #tpu.memory_space<vmem>>, vector<128x512xbf16>
    %mul3A_411 = arith.mulf %convert_element_type3A_407, %get3A_410 : vector<128x512xbf16>
    %broadcast_in_dim3A_412 = arith.constant 1.000000e+00 : bf16
    %broadcast_in_dim3A_413 = vector.broadcast %broadcast_in_dim3A_412 : bf16 to vector<512x128xbf16>
    %concatenate3A_414 = tpu.concatenate %slice3A_400, %broadcast_in_dim3A_413 in 1 : vector<512x128xbf16>, vector<512x128xbf16> -> vector<512x256xbf16>
    %dot_general3A_415 = arith.constant dense<0.000000e+00> : vector<128x256xf32>
    %dot_general3A_416 = tpu.matmul %mul3A_411, %concatenate3A_414, %dot_general3A_415 {dimension_numbers = #tpu.dot_dimension_numbers<[1], [0], [0], [1], [0, 0, 1, 1], [], []>, transpose_lhs_hint = false} : vector<128x512xbf16>, vector<512x256xbf16>, vector<128x256xf32> -> vector<128x256xf32>
    %slice3A_417 = vector.extract_strided_slice %dot_general3A_416 {offsets = [0, 0], sizes = [128, 128], strides = [1, 1]} : vector<128x256xf32> to vector<128x128xf32>
    %slice3A_418 = vector.extract_strided_slice %dot_general3A_416 {offsets = [0, 128], sizes = [128, 1], strides = [1, 1]} : vector<128x256xf32> to vector<128x1xf32>
    %div3A_419 = vector.broadcast %slice3A_418 : vector<128x1xf32> to vector<128x128xf32>
    %div3A_420 = arith.divf %slice3A_417, %div3A_419 : vector<128x128xf32>
    %convert_element_type3A_421 = arith.truncf %div3A_420 : vector<128x128xf32> to vector<128x128xbf16>
    %get3A_422 = arith.constant 2 : index
    %get3A_423 = arith.constant 0 : index
    %get3A_424 = arith.constant 0 : index
    %get3A_425 = vector.load %arg2[%get3A_422, %get3A_423, %get3A_424] : memref<4x2048x128xf32, #tpu.memory_space<vmem>>, vector<1x2048x128xf32>
    %get3A_426 = vector.shape_cast %get3A_425 : vector<1x2048x128xf32> to vector<2048x128xf32>
    %convert_element_type3A_427 = arith.truncf %get3A_426 : vector<2048x128xf32> to vector<2048x128xbf16>
    %slice3A_428 = vector.extract_strided_slice %convert_element_type3A_102 {offsets = [64, 0], sizes = [8, 128], strides = [1, 1]} : vector<2048x128xbf16> to vector<8x128xbf16>
    %slice3A_429 = vector.extract_strided_slice %convert_element_type3A_102 {offsets = [192, 0], sizes = [8, 128], strides = [1, 1]} : vector<2048x128xbf16> to vector<8x128xbf16>
    %slice3A_430 = vector.extract_strided_slice %convert_element_type3A_102 {offsets = [320, 0], sizes = [8, 128], strides = [1, 1]} : vector<2048x128xbf16> to vector<8x128xbf16>
    %slice3A_431 = vector.extract_strided_slice %convert_element_type3A_102 {offsets = [448, 0], sizes = [8, 128], strides = [1, 1]} : vector<2048x128xbf16> to vector<8x128xbf16>
    %slice3A_432 = vector.extract_strided_slice %convert_element_type3A_102 {offsets = [576, 0], sizes = [8, 128], strides = [1, 1]} : vector<2048x128xbf16> to vector<8x128xbf16>
    %slice3A_433 = vector.extract_strided_slice %convert_element_type3A_102 {offsets = [704, 0], sizes = [8, 128], strides = [1, 1]} : vector<2048x128xbf16> to vector<8x128xbf16>
    %slice3A_434 = vector.extract_strided_slice %convert_element_type3A_102 {offsets = [832, 0], sizes = [8, 128], strides = [1, 1]} : vector<2048x128xbf16> to vector<8x128xbf16>
    %slice3A_435 = vector.extract_strided_slice %convert_element_type3A_102 {offsets = [960, 0], sizes = [8, 128], strides = [1, 1]} : vector<2048x128xbf16> to vector<8x128xbf16>
    %slice3A_436 = vector.extract_strided_slice %convert_element_type3A_102 {offsets = [1088, 0], sizes = [8, 128], strides = [1, 1]} : vector<2048x128xbf16> to vector<8x128xbf16>
    %slice3A_437 = vector.extract_strided_slice %convert_element_type3A_102 {offsets = [1216, 0], sizes = [8, 128], strides = [1, 1]} : vector<2048x128xbf16> to vector<8x128xbf16>
    %slice3A_438 = vector.extract_strided_slice %convert_element_type3A_102 {offsets = [1344, 0], sizes = [8, 128], strides = [1, 1]} : vector<2048x128xbf16> to vector<8x128xbf16>
    %slice3A_439 = vector.extract_strided_slice %convert_element_type3A_102 {offsets = [1472, 0], sizes = [8, 128], strides = [1, 1]} : vector<2048x128xbf16> to vector<8x128xbf16>
    %slice3A_440 = vector.extract_strided_slice %convert_element_type3A_102 {offsets = [1600, 0], sizes = [8, 128], strides = [1, 1]} : vector<2048x128xbf16> to vector<8x128xbf16>
    %slice3A_441 = vector.extract_strided_slice %convert_element_type3A_102 {offsets = [1728, 0], sizes = [8, 128], strides = [1, 1]} : vector<2048x128xbf16> to vector<8x128xbf16>
    %slice3A_442 = vector.extract_strided_slice %convert_element_type3A_102 {offsets = [1856, 0], sizes = [8, 128], strides = [1, 1]} : vector<2048x128xbf16> to vector<8x128xbf16>
    %slice3A_443 = vector.extract_strided_slice %convert_element_type3A_102 {offsets = [1984, 0], sizes = [8, 128], strides = [1, 1]} : vector<2048x128xbf16> to vector<8x128xbf16>
    %concatenate3A_444 = tpu.concatenate %slice3A_428, %slice3A_429, %slice3A_430, %slice3A_431, %slice3A_432, %slice3A_433, %slice3A_434, %slice3A_435, %slice3A_436, %slice3A_437, %slice3A_438, %slice3A_439, %slice3A_440, %slice3A_441, %slice3A_442, %slice3A_443 in 0 : vector<8x128xbf16>, vector<8x128xbf16>, vector<8x128xbf16>, vector<8x128xbf16>, vector<8x128xbf16>, vector<8x128xbf16>, vector<8x128xbf16>, vector<8x128xbf16>, vector<8x128xbf16>, vector<8x128xbf16>, vector<8x128xbf16>, vector<8x128xbf16>, vector<8x128xbf16>, vector<8x128xbf16>, vector<8x128xbf16>, vector<8x128xbf16> -> vector<128x128xbf16>
    %slice3A_445 = vector.extract_strided_slice %convert_element_type3A_427 {offsets = [0, 0], sizes = [512, 128], strides = [1, 1]} : vector<2048x128xbf16> to vector<512x128xbf16>
    %dot_general3A_446 = arith.constant dense<0.000000e+00> : vector<128x512xf32>
    %dot_general3A_447 = tpu.matmul %concatenate3A_444, %slice3A_445, %dot_general3A_446 {dimension_numbers = #tpu.dot_dimension_numbers<[1], [1], [0], [0], [0, 0, 1, 0], [], []>, transpose_lhs_hint = false} : vector<128x128xbf16>, vector<512x128xbf16>, vector<128x512xf32> -> vector<128x512xf32>
    %mul3A_448 = arith.constant 1.250000e-01 : f32
    %mul3A_449 = vector.broadcast %mul3A_448 : f32 to vector<128x512xf32>
    %mul3A_450 = arith.mulf %dot_general3A_447, %mul3A_449 : vector<128x512xf32>
    %exp3A_451 = math.exp %mul3A_450 : vector<128x512xf32>
    %convert_element_type3A_452 = arith.truncf %exp3A_451 : vector<128x512xf32> to vector<128x512xbf16>
    %get3A_453 = arith.constant 0 : index
    %get3A_454 = arith.constant 0 : index
    %get3A_455 = vector.load %arg9[%get3A_453, %get3A_454] : memref<128x512xbf16, #tpu.memory_space<vmem>>, vector<128x512xbf16>
    %mul3A_456 = arith.mulf %convert_element_type3A_452, %get3A_455 : vector<128x512xbf16>
    %broadcast_in_dim3A_457 = arith.constant 1.000000e+00 : bf16
    %broadcast_in_dim3A_458 = vector.broadcast %broadcast_in_dim3A_457 : bf16 to vector<512x128xbf16>
    %concatenate3A_459 = tpu.concatenate %slice3A_445, %broadcast_in_dim3A_458 in 1 : vector<512x128xbf16>, vector<512x128xbf16> -> vector<512x256xbf16>
    %dot_general3A_460 = arith.constant dense<0.000000e+00> : vector<128x256xf32>
    %dot_general3A_461 = tpu.matmul %mul3A_456, %concatenate3A_459, %dot_general3A_460 {dimension_numbers = #tpu.dot_dimension_numbers<[1], [0], [0], [1], [0, 0, 1, 1], [], []>, transpose_lhs_hint = false} : vector<128x512xbf16>, vector<512x256xbf16>, vector<128x256xf32> -> vector<128x256xf32>
    %slice3A_462 = vector.extract_strided_slice %dot_general3A_461 {offsets = [0, 0], sizes = [128, 128], strides = [1, 1]} : vector<128x256xf32> to vector<128x128xf32>
    %slice3A_463 = vector.extract_strided_slice %dot_general3A_461 {offsets = [0, 128], sizes = [128, 1], strides = [1, 1]} : vector<128x256xf32> to vector<128x1xf32>
    %div3A_464 = vector.broadcast %slice3A_463 : vector<128x1xf32> to vector<128x128xf32>
    %div3A_465 = arith.divf %slice3A_462, %div3A_464 : vector<128x128xf32>
    %convert_element_type3A_466 = arith.truncf %div3A_465 : vector<128x128xf32> to vector<128x128xbf16>
    %slice3A_467 = vector.extract_strided_slice %convert_element_type3A_102 {offsets = [72, 0], sizes = [8, 128], strides = [1, 1]} : vector<2048x128xbf16> to vector<8x128xbf16>
    %slice3A_468 = vector.extract_strided_slice %convert_element_type3A_102 {offsets = [200, 0], sizes = [8, 128], strides = [1, 1]} : vector<2048x128xbf16> to vector<8x128xbf16>
    %slice3A_469 = vector.extract_strided_slice %convert_element_type3A_102 {offsets = [328, 0], sizes = [8, 128], strides = [1, 1]} : vector<2048x128xbf16> to vector<8x128xbf16>
    %slice3A_470 = vector.extract_strided_slice %convert_element_type3A_102 {offsets = [456, 0], sizes = [8, 128], strides = [1, 1]} : vector<2048x128xbf16> to vector<8x128xbf16>
    %slice3A_471 = vector.extract_strided_slice %convert_element_type3A_102 {offsets = [584, 0], sizes = [8, 128], strides = [1, 1]} : vector<2048x128xbf16> to vector<8x128xbf16>
    %slice3A_472 = vector.extract_strided_slice %convert_element_type3A_102 {offsets = [712, 0], sizes = [8, 128], strides = [1, 1]} : vector<2048x128xbf16> to vector<8x128xbf16>
    %slice3A_473 = vector.extract_strided_slice %convert_element_type3A_102 {offsets = [840, 0], sizes = [8, 128], strides = [1, 1]} : vector<2048x128xbf16> to vector<8x128xbf16>
    %slice3A_474 = vector.extract_strided_slice %convert_element_type3A_102 {offsets = [968, 0], sizes = [8, 128], strides = [1, 1]} : vector<2048x128xbf16> to vector<8x128xbf16>
    %slice3A_475 = vector.extract_strided_slice %convert_element_type3A_102 {offsets = [1096, 0], sizes = [8, 128], strides = [1, 1]} : vector<2048x128xbf16> to vector<8x128xbf16>
    %slice3A_476 = vector.extract_strided_slice %convert_element_type3A_102 {offsets = [1224, 0], sizes = [8, 128], strides = [1, 1]} : vector<2048x128xbf16> to vector<8x128xbf16>
    %slice3A_477 = vector.extract_strided_slice %convert_element_type3A_102 {offsets = [1352, 0], sizes = [8, 128], strides = [1, 1]} : vector<2048x128xbf16> to vector<8x128xbf16>
    %slice3A_478 = vector.extract_strided_slice %convert_element_type3A_102 {offsets = [1480, 0], sizes = [8, 128], strides = [1, 1]} : vector<2048x128xbf16> to vector<8x128xbf16>
    %slice3A_479 = vector.extract_strided_slice %convert_element_type3A_102 {offsets = [1608, 0], sizes = [8, 128], strides = [1, 1]} : vector<2048x128xbf16> to vector<8x128xbf16>
    %slice3A_480 = vector.extract_strided_slice %convert_element_type3A_102 {offsets = [1736, 0], sizes = [8, 128], strides = [1, 1]} : vector<2048x128xbf16> to vector<8x128xbf16>
    %slice3A_481 = vector.extract_strided_slice %convert_element_type3A_102 {offsets = [1864, 0], sizes = [8, 128], strides = [1, 1]} : vector<2048x128xbf16> to vector<8x128xbf16>
    %slice3A_482 = vector.extract_strided_slice %convert_element_type3A_102 {offsets = [1992, 0], sizes = [8, 128], strides = [1, 1]} : vector<2048x128xbf16> to vector<8x128xbf16>
    %concatenate3A_483 = tpu.concatenate %slice3A_467, %slice3A_468, %slice3A_469, %slice3A_470, %slice3A_471, %slice3A_472, %slice3A_473, %slice3A_474, %slice3A_475, %slice3A_476, %slice3A_477, %slice3A_478, %slice3A_479, %slice3A_480, %slice3A_481, %slice3A_482 in 0 : vector<8x128xbf16>, vector<8x128xbf16>, vector<8x128xbf16>, vector<8x128xbf16>, vector<8x128xbf16>, vector<8x128xbf16>, vector<8x128xbf16>, vector<8x128xbf16>, vector<8x128xbf16>, vector<8x128xbf16>, vector<8x128xbf16>, vector<8x128xbf16>, vector<8x128xbf16>, vector<8x128xbf16>, vector<8x128xbf16>, vector<8x128xbf16> -> vector<128x128xbf16>
    %slice3A_484 = vector.extract_strided_slice %convert_element_type3A_427 {offsets = [512, 0], sizes = [512, 128], strides = [1, 1]} : vector<2048x128xbf16> to vector<512x128xbf16>
    %dot_general3A_485 = arith.constant dense<0.000000e+00> : vector<128x512xf32>
    %dot_general3A_486 = tpu.matmul %concatenate3A_483, %slice3A_484, %dot_general3A_485 {dimension_numbers = #tpu.dot_dimension_numbers<[1], [1], [0], [0], [0, 0, 1, 0], [], []>, transpose_lhs_hint = false} : vector<128x128xbf16>, vector<512x128xbf16>, vector<128x512xf32> -> vector<128x512xf32>
    %mul3A_487 = arith.constant 1.250000e-01 : f32
    %mul3A_488 = vector.broadcast %mul3A_487 : f32 to vector<128x512xf32>
    %mul3A_489 = arith.mulf %dot_general3A_486, %mul3A_488 : vector<128x512xf32>
    %exp3A_490 = math.exp %mul3A_489 : vector<128x512xf32>
    %convert_element_type3A_491 = arith.truncf %exp3A_490 : vector<128x512xf32> to vector<128x512xbf16>
    %get3A_492 = arith.constant 0 : index
    %get3A_493 = arith.constant 0 : index
    %get3A_494 = vector.load %arg9[%get3A_492, %get3A_493] : memref<128x512xbf16, #tpu.memory_space<vmem>>, vector<128x512xbf16>
    %mul3A_495 = arith.mulf %convert_element_type3A_491, %get3A_494 : vector<128x512xbf16>
    %broadcast_in_dim3A_496 = arith.constant 1.000000e+00 : bf16
    %broadcast_in_dim3A_497 = vector.broadcast %broadcast_in_dim3A_496 : bf16 to vector<512x128xbf16>
    %concatenate3A_498 = tpu.concatenate %slice3A_484, %broadcast_in_dim3A_497 in 1 : vector<512x128xbf16>, vector<512x128xbf16> -> vector<512x256xbf16>
    %dot_general3A_499 = arith.constant dense<0.000000e+00> : vector<128x256xf32>
    %dot_general3A_500 = tpu.matmul %mul3A_495, %concatenate3A_498, %dot_general3A_499 {dimension_numbers = #tpu.dot_dimension_numbers<[1], [0], [0], [1], [0, 0, 1, 1], [], []>, transpose_lhs_hint = false} : vector<128x512xbf16>, vector<512x256xbf16>, vector<128x256xf32> -> vector<128x256xf32>
    %slice3A_501 = vector.extract_strided_slice %dot_general3A_500 {offsets = [0, 0], sizes = [128, 128], strides = [1, 1]} : vector<128x256xf32> to vector<128x128xf32>
    %slice3A_502 = vector.extract_strided_slice %dot_general3A_500 {offsets = [0, 128], sizes = [128, 1], strides = [1, 1]} : vector<128x256xf32> to vector<128x1xf32>
    %div3A_503 = vector.broadcast %slice3A_502 : vector<128x1xf32> to vector<128x128xf32>
    %div3A_504 = arith.divf %slice3A_501, %div3A_503 : vector<128x128xf32>
    %convert_element_type3A_505 = arith.truncf %div3A_504 : vector<128x128xf32> to vector<128x128xbf16>
    %slice3A_506 = vector.extract_strided_slice %convert_element_type3A_102 {offsets = [80, 0], sizes = [8, 128], strides = [1, 1]} : vector<2048x128xbf16> to vector<8x128xbf16>
    %slice3A_507 = vector.extract_strided_slice %convert_element_type3A_102 {offsets = [208, 0], sizes = [8, 128], strides = [1, 1]} : vector<2048x128xbf16> to vector<8x128xbf16>
    %slice3A_508 = vector.extract_strided_slice %convert_element_type3A_102 {offsets = [336, 0], sizes = [8, 128], strides = [1, 1]} : vector<2048x128xbf16> to vector<8x128xbf16>
    %slice3A_509 = vector.extract_strided_slice %convert_element_type3A_102 {offsets = [464, 0], sizes = [8, 128], strides = [1, 1]} : vector<2048x128xbf16> to vector<8x128xbf16>
    %slice3A_510 = vector.extract_strided_slice %convert_element_type3A_102 {offsets = [592, 0], sizes = [8, 128], strides = [1, 1]} : vector<2048x128xbf16> to vector<8x128xbf16>
    %slice3A_511 = vector.extract_strided_slice %convert_element_type3A_102 {offsets = [720, 0], sizes = [8, 128], strides = [1, 1]} : vector<2048x128xbf16> to vector<8x128xbf16>
    %slice3A_512 = vector.extract_strided_slice %convert_element_type3A_102 {offsets = [848, 0], sizes = [8, 128], strides = [1, 1]} : vector<2048x128xbf16> to vector<8x128xbf16>
    %slice3A_513 = vector.extract_strided_slice %convert_element_type3A_102 {offsets = [976, 0], sizes = [8, 128], strides = [1, 1]} : vector<2048x128xbf16> to vector<8x128xbf16>
    %slice3A_514 = vector.extract_strided_slice %convert_element_type3A_102 {offsets = [1104, 0], sizes = [8, 128], strides = [1, 1]} : vector<2048x128xbf16> to vector<8x128xbf16>
    %slice3A_515 = vector.extract_strided_slice %convert_element_type3A_102 {offsets = [1232, 0], sizes = [8, 128], strides = [1, 1]} : vector<2048x128xbf16> to vector<8x128xbf16>
    %slice3A_516 = vector.extract_strided_slice %convert_element_type3A_102 {offsets = [1360, 0], sizes = [8, 128], strides = [1, 1]} : vector<2048x128xbf16> to vector<8x128xbf16>
    %slice3A_517 = vector.extract_strided_slice %convert_element_type3A_102 {offsets = [1488, 0], sizes = [8, 128], strides = [1, 1]} : vector<2048x128xbf16> to vector<8x128xbf16>
    %slice3A_518 = vector.extract_strided_slice %convert_element_type3A_102 {offsets = [1616, 0], sizes = [8, 128], strides = [1, 1]} : vector<2048x128xbf16> to vector<8x128xbf16>
    %slice3A_519 = vector.extract_strided_slice %convert_element_type3A_102 {offsets = [1744, 0], sizes = [8, 128], strides = [1, 1]} : vector<2048x128xbf16> to vector<8x128xbf16>
    %slice3A_520 = vector.extract_strided_slice %convert_element_type3A_102 {offsets = [1872, 0], sizes = [8, 128], strides = [1, 1]} : vector<2048x128xbf16> to vector<8x128xbf16>
    %slice3A_521 = vector.extract_strided_slice %convert_element_type3A_102 {offsets = [2000, 0], sizes = [8, 128], strides = [1, 1]} : vector<2048x128xbf16> to vector<8x128xbf16>
    %concatenate3A_522 = tpu.concatenate %slice3A_506, %slice3A_507, %slice3A_508, %slice3A_509, %slice3A_510, %slice3A_511, %slice3A_512, %slice3A_513, %slice3A_514, %slice3A_515, %slice3A_516, %slice3A_517, %slice3A_518, %slice3A_519, %slice3A_520, %slice3A_521 in 0 : vector<8x128xbf16>, vector<8x128xbf16>, vector<8x128xbf16>, vector<8x128xbf16>, vector<8x128xbf16>, vector<8x128xbf16>, vector<8x128xbf16>, vector<8x128xbf16>, vector<8x128xbf16>, vector<8x128xbf16>, vector<8x128xbf16>, vector<8x128xbf16>, vector<8x128xbf16>, vector<8x128xbf16>, vector<8x128xbf16>, vector<8x128xbf16> -> vector<128x128xbf16>
    %slice3A_523 = vector.extract_strided_slice %convert_element_type3A_427 {offsets = [1024, 0], sizes = [512, 128], strides = [1, 1]} : vector<2048x128xbf16> to vector<512x128xbf16>
    %dot_general3A_524 = arith.constant dense<0.000000e+00> : vector<128x512xf32>
    %dot_general3A_525 = tpu.matmul %concatenate3A_522, %slice3A_523, %dot_general3A_524 {dimension_numbers = #tpu.dot_dimension_numbers<[1], [1], [0], [0], [0, 0, 1, 0], [], []>, transpose_lhs_hint = false} : vector<128x128xbf16>, vector<512x128xbf16>, vector<128x512xf32> -> vector<128x512xf32>
    %mul3A_526 = arith.constant 1.250000e-01 : f32
    %mul3A_527 = vector.broadcast %mul3A_526 : f32 to vector<128x512xf32>
    %mul3A_528 = arith.mulf %dot_general3A_525, %mul3A_527 : vector<128x512xf32>
    %exp3A_529 = math.exp %mul3A_528 : vector<128x512xf32>
    %convert_element_type3A_530 = arith.truncf %exp3A_529 : vector<128x512xf32> to vector<128x512xbf16>
    %get3A_531 = arith.constant 0 : index
    %get3A_532 = arith.constant 0 : index
    %get3A_533 = vector.load %arg9[%get3A_531, %get3A_532] : memref<128x512xbf16, #tpu.memory_space<vmem>>, vector<128x512xbf16>
    %mul3A_534 = arith.mulf %convert_element_type3A_530, %get3A_533 : vector<128x512xbf16>
    %broadcast_in_dim3A_535 = arith.constant 1.000000e+00 : bf16
    %broadcast_in_dim3A_536 = vector.broadcast %broadcast_in_dim3A_535 : bf16 to vector<512x128xbf16>
    %concatenate3A_537 = tpu.concatenate %slice3A_523, %broadcast_in_dim3A_536 in 1 : vector<512x128xbf16>, vector<512x128xbf16> -> vector<512x256xbf16>
    %dot_general3A_538 = arith.constant dense<0.000000e+00> : vector<128x256xf32>
    %dot_general3A_539 = tpu.matmul %mul3A_534, %concatenate3A_537, %dot_general3A_538 {dimension_numbers = #tpu.dot_dimension_numbers<[1], [0], [0], [1], [0, 0, 1, 1], [], []>, transpose_lhs_hint = false} : vector<128x512xbf16>, vector<512x256xbf16>, vector<128x256xf32> -> vector<128x256xf32>
    %slice3A_540 = vector.extract_strided_slice %dot_general3A_539 {offsets = [0, 0], sizes = [128, 128], strides = [1, 1]} : vector<128x256xf32> to vector<128x128xf32>
    %slice3A_541 = vector.extract_strided_slice %dot_general3A_539 {offsets = [0, 128], sizes = [128, 1], strides = [1, 1]} : vector<128x256xf32> to vector<128x1xf32>
    %div3A_542 = vector.broadcast %slice3A_541 : vector<128x1xf32> to vector<128x128xf32>
    %div3A_543 = arith.divf %slice3A_540, %div3A_542 : vector<128x128xf32>
    %convert_element_type3A_544 = arith.truncf %div3A_543 : vector<128x128xf32> to vector<128x128xbf16>
    %slice3A_545 = vector.extract_strided_slice %convert_element_type3A_102 {offsets = [88, 0], sizes = [8, 128], strides = [1, 1]} : vector<2048x128xbf16> to vector<8x128xbf16>
    %slice3A_546 = vector.extract_strided_slice %convert_element_type3A_102 {offsets = [216, 0], sizes = [8, 128], strides = [1, 1]} : vector<2048x128xbf16> to vector<8x128xbf16>
    %slice3A_547 = vector.extract_strided_slice %convert_element_type3A_102 {offsets = [344, 0], sizes = [8, 128], strides = [1, 1]} : vector<2048x128xbf16> to vector<8x128xbf16>
    %slice3A_548 = vector.extract_strided_slice %convert_element_type3A_102 {offsets = [472, 0], sizes = [8, 128], strides = [1, 1]} : vector<2048x128xbf16> to vector<8x128xbf16>
    %slice3A_549 = vector.extract_strided_slice %convert_element_type3A_102 {offsets = [600, 0], sizes = [8, 128], strides = [1, 1]} : vector<2048x128xbf16> to vector<8x128xbf16>
    %slice3A_550 = vector.extract_strided_slice %convert_element_type3A_102 {offsets = [728, 0], sizes = [8, 128], strides = [1, 1]} : vector<2048x128xbf16> to vector<8x128xbf16>
    %slice3A_551 = vector.extract_strided_slice %convert_element_type3A_102 {offsets = [856, 0], sizes = [8, 128], strides = [1, 1]} : vector<2048x128xbf16> to vector<8x128xbf16>
    %slice3A_552 = vector.extract_strided_slice %convert_element_type3A_102 {offsets = [984, 0], sizes = [8, 128], strides = [1, 1]} : vector<2048x128xbf16> to vector<8x128xbf16>
    %slice3A_553 = vector.extract_strided_slice %convert_element_type3A_102 {offsets = [1112, 0], sizes = [8, 128], strides = [1, 1]} : vector<2048x128xbf16> to vector<8x128xbf16>
    %slice3A_554 = vector.extract_strided_slice %convert_element_type3A_102 {offsets = [1240, 0], sizes = [8, 128], strides = [1, 1]} : vector<2048x128xbf16> to vector<8x128xbf16>
    %slice3A_555 = vector.extract_strided_slice %convert_element_type3A_102 {offsets = [1368, 0], sizes = [8, 128], strides = [1, 1]} : vector<2048x128xbf16> to vector<8x128xbf16>
    %slice3A_556 = vector.extract_strided_slice %convert_element_type3A_102 {offsets = [1496, 0], sizes = [8, 128], strides = [1, 1]} : vector<2048x128xbf16> to vector<8x128xbf16>
    %slice3A_557 = vector.extract_strided_slice %convert_element_type3A_102 {offsets = [1624, 0], sizes = [8, 128], strides = [1, 1]} : vector<2048x128xbf16> to vector<8x128xbf16>
    %slice3A_558 = vector.extract_strided_slice %convert_element_type3A_102 {offsets = [1752, 0], sizes = [8, 128], strides = [1, 1]} : vector<2048x128xbf16> to vector<8x128xbf16>
    %slice3A_559 = vector.extract_strided_slice %convert_element_type3A_102 {offsets = [1880, 0], sizes = [8, 128], strides = [1, 1]} : vector<2048x128xbf16> to vector<8x128xbf16>
    %slice3A_560 = vector.extract_strided_slice %convert_element_type3A_102 {offsets = [2008, 0], sizes = [8, 128], strides = [1, 1]} : vector<2048x128xbf16> to vector<8x128xbf16>
    %concatenate3A_561 = tpu.concatenate %slice3A_545, %slice3A_546, %slice3A_547, %slice3A_548, %slice3A_549, %slice3A_550, %slice3A_551, %slice3A_552, %slice3A_553, %slice3A_554, %slice3A_555, %slice3A_556, %slice3A_557, %slice3A_558, %slice3A_559, %slice3A_560 in 0 : vector<8x128xbf16>, vector<8x128xbf16>, vector<8x128xbf16>, vector<8x128xbf16>, vector<8x128xbf16>, vector<8x128xbf16>, vector<8x128xbf16>, vector<8x128xbf16>, vector<8x128xbf16>, vector<8x128xbf16>, vector<8x128xbf16>, vector<8x128xbf16>, vector<8x128xbf16>, vector<8x128xbf16>, vector<8x128xbf16>, vector<8x128xbf16> -> vector<128x128xbf16>
    %slice3A_562 = vector.extract_strided_slice %convert_element_type3A_427 {offsets = [1536, 0], sizes = [512, 128], strides = [1, 1]} : vector<2048x128xbf16> to vector<512x128xbf16>
    %dot_general3A_563 = arith.constant dense<0.000000e+00> : vector<128x512xf32>
    %dot_general3A_564 = tpu.matmul %concatenate3A_561, %slice3A_562, %dot_general3A_563 {dimension_numbers = #tpu.dot_dimension_numbers<[1], [1], [0], [0], [0, 0, 1, 0], [], []>, transpose_lhs_hint = false} : vector<128x128xbf16>, vector<512x128xbf16>, vector<128x512xf32> -> vector<128x512xf32>
    %mul3A_565 = arith.constant 1.250000e-01 : f32
    %mul3A_566 = vector.broadcast %mul3A_565 : f32 to vector<128x512xf32>
    %mul3A_567 = arith.mulf %dot_general3A_564, %mul3A_566 : vector<128x512xf32>
    %exp3A_568 = math.exp %mul3A_567 : vector<128x512xf32>
    %convert_element_type3A_569 = arith.truncf %exp3A_568 : vector<128x512xf32> to vector<128x512xbf16>
    %get3A_570 = arith.constant 0 : index
    %get3A_571 = arith.constant 0 : index
    %get3A_572 = vector.load %arg9[%get3A_570, %get3A_571] : memref<128x512xbf16, #tpu.memory_space<vmem>>, vector<128x512xbf16>
    %mul3A_573 = arith.mulf %convert_element_type3A_569, %get3A_572 : vector<128x512xbf16>
    %broadcast_in_dim3A_574 = arith.constant 1.000000e+00 : bf16
    %broadcast_in_dim3A_575 = vector.broadcast %broadcast_in_dim3A_574 : bf16 to vector<512x128xbf16>
    %concatenate3A_576 = tpu.concatenate %slice3A_562, %broadcast_in_dim3A_575 in 1 : vector<512x128xbf16>, vector<512x128xbf16> -> vector<512x256xbf16>
    %dot_general3A_577 = arith.constant dense<0.000000e+00> : vector<128x256xf32>
    %dot_general3A_578 = tpu.matmul %mul3A_573, %concatenate3A_576, %dot_general3A_577 {dimension_numbers = #tpu.dot_dimension_numbers<[1], [0], [0], [1], [0, 0, 1, 1], [], []>, transpose_lhs_hint = false} : vector<128x512xbf16>, vector<512x256xbf16>, vector<128x256xf32> -> vector<128x256xf32>
    %slice3A_579 = vector.extract_strided_slice %dot_general3A_578 {offsets = [0, 0], sizes = [128, 128], strides = [1, 1]} : vector<128x256xf32> to vector<128x128xf32>
    %slice3A_580 = vector.extract_strided_slice %dot_general3A_578 {offsets = [0, 128], sizes = [128, 1], strides = [1, 1]} : vector<128x256xf32> to vector<128x1xf32>
    %div3A_581 = vector.broadcast %slice3A_580 : vector<128x1xf32> to vector<128x128xf32>
    %div3A_582 = arith.divf %slice3A_579, %div3A_581 : vector<128x128xf32>
    %convert_element_type3A_583 = arith.truncf %div3A_582 : vector<128x128xf32> to vector<128x128xbf16>
    %get3A_584 = arith.constant 3 : index
    %get3A_585 = arith.constant 0 : index
    %get3A_586 = arith.constant 0 : index
    %get3A_587 = vector.load %arg2[%get3A_584, %get3A_585, %get3A_586] : memref<4x2048x128xf32, #tpu.memory_space<vmem>>, vector<1x2048x128xf32>
    %get3A_588 = vector.shape_cast %get3A_587 : vector<1x2048x128xf32> to vector<2048x128xf32>
    %convert_element_type3A_589 = arith.truncf %get3A_588 : vector<2048x128xf32> to vector<2048x128xbf16>
    %slice3A_590 = vector.extract_strided_slice %convert_element_type3A_102 {offsets = [96, 0], sizes = [8, 128], strides = [1, 1]} : vector<2048x128xbf16> to vector<8x128xbf16>
    %slice3A_591 = vector.extract_strided_slice %convert_element_type3A_102 {offsets = [224, 0], sizes = [8, 128], strides = [1, 1]} : vector<2048x128xbf16> to vector<8x128xbf16>
    %slice3A_592 = vector.extract_strided_slice %convert_element_type3A_102 {offsets = [352, 0], sizes = [8, 128], strides = [1, 1]} : vector<2048x128xbf16> to vector<8x128xbf16>
    %slice3A_593 = vector.extract_strided_slice %convert_element_type3A_102 {offsets = [480, 0], sizes = [8, 128], strides = [1, 1]} : vector<2048x128xbf16> to vector<8x128xbf16>
    %slice3A_594 = vector.extract_strided_slice %convert_element_type3A_102 {offsets = [608, 0], sizes = [8, 128], strides = [1, 1]} : vector<2048x128xbf16> to vector<8x128xbf16>
    %slice3A_595 = vector.extract_strided_slice %convert_element_type3A_102 {offsets = [736, 0], sizes = [8, 128], strides = [1, 1]} : vector<2048x128xbf16> to vector<8x128xbf16>
    %slice3A_596 = vector.extract_strided_slice %convert_element_type3A_102 {offsets = [864, 0], sizes = [8, 128], strides = [1, 1]} : vector<2048x128xbf16> to vector<8x128xbf16>
    %slice3A_597 = vector.extract_strided_slice %convert_element_type3A_102 {offsets = [992, 0], sizes = [8, 128], strides = [1, 1]} : vector<2048x128xbf16> to vector<8x128xbf16>
    %slice3A_598 = vector.extract_strided_slice %convert_element_type3A_102 {offsets = [1120, 0], sizes = [8, 128], strides = [1, 1]} : vector<2048x128xbf16> to vector<8x128xbf16>
    %slice3A_599 = vector.extract_strided_slice %convert_element_type3A_102 {offsets = [1248, 0], sizes = [8, 128], strides = [1, 1]} : vector<2048x128xbf16> to vector<8x128xbf16>
    %slice3A_600 = vector.extract_strided_slice %convert_element_type3A_102 {offsets = [1376, 0], sizes = [8, 128], strides = [1, 1]} : vector<2048x128xbf16> to vector<8x128xbf16>
    %slice3A_601 = vector.extract_strided_slice %convert_element_type3A_102 {offsets = [1504, 0], sizes = [8, 128], strides = [1, 1]} : vector<2048x128xbf16> to vector<8x128xbf16>
    %slice3A_602 = vector.extract_strided_slice %convert_element_type3A_102 {offsets = [1632, 0], sizes = [8, 128], strides = [1, 1]} : vector<2048x128xbf16> to vector<8x128xbf16>
    %slice3A_603 = vector.extract_strided_slice %convert_element_type3A_102 {offsets = [1760, 0], sizes = [8, 128], strides = [1, 1]} : vector<2048x128xbf16> to vector<8x128xbf16>
    %slice3A_604 = vector.extract_strided_slice %convert_element_type3A_102 {offsets = [1888, 0], sizes = [8, 128], strides = [1, 1]} : vector<2048x128xbf16> to vector<8x128xbf16>
    %slice3A_605 = vector.extract_strided_slice %convert_element_type3A_102 {offsets = [2016, 0], sizes = [8, 128], strides = [1, 1]} : vector<2048x128xbf16> to vector<8x128xbf16>
    %concatenate3A_606 = tpu.concatenate %slice3A_590, %slice3A_591, %slice3A_592, %slice3A_593, %slice3A_594, %slice3A_595, %slice3A_596, %slice3A_597, %slice3A_598, %slice3A_599, %slice3A_600, %slice3A_601, %slice3A_602, %slice3A_603, %slice3A_604, %slice3A_605 in 0 : vector<8x128xbf16>, vector<8x128xbf16>, vector<8x128xbf16>, vector<8x128xbf16>, vector<8x128xbf16>, vector<8x128xbf16>, vector<8x128xbf16>, vector<8x128xbf16>, vector<8x128xbf16>, vector<8x128xbf16>, vector<8x128xbf16>, vector<8x128xbf16>, vector<8x128xbf16>, vector<8x128xbf16>, vector<8x128xbf16>, vector<8x128xbf16> -> vector<128x128xbf16>
    %slice3A_607 = vector.extract_strided_slice %convert_element_type3A_589 {offsets = [0, 0], sizes = [512, 128], strides = [1, 1]} : vector<2048x128xbf16> to vector<512x128xbf16>
    %dot_general3A_608 = arith.constant dense<0.000000e+00> : vector<128x512xf32>
    %dot_general3A_609 = tpu.matmul %concatenate3A_606, %slice3A_607, %dot_general3A_608 {dimension_numbers = #tpu.dot_dimension_numbers<[1], [1], [0], [0], [0, 0, 1, 0], [], []>, transpose_lhs_hint = false} : vector<128x128xbf16>, vector<512x128xbf16>, vector<128x512xf32> -> vector<128x512xf32>
    %mul3A_610 = arith.constant 1.250000e-01 : f32
    %mul3A_611 = vector.broadcast %mul3A_610 : f32 to vector<128x512xf32>
    %mul3A_612 = arith.mulf %dot_general3A_609, %mul3A_611 : vector<128x512xf32>
    %exp3A_613 = math.exp %mul3A_612 : vector<128x512xf32>
    %convert_element_type3A_614 = arith.truncf %exp3A_613 : vector<128x512xf32> to vector<128x512xbf16>
    %get3A_615 = arith.constant 0 : index
    %get3A_616 = arith.constant 0 : index
    %get3A_617 = vector.load %arg9[%get3A_615, %get3A_616] : memref<128x512xbf16, #tpu.memory_space<vmem>>, vector<128x512xbf16>
    %mul3A_618 = arith.mulf %convert_element_type3A_614, %get3A_617 : vector<128x512xbf16>
    %broadcast_in_dim3A_619 = arith.constant 1.000000e+00 : bf16
    %broadcast_in_dim3A_620 = vector.broadcast %broadcast_in_dim3A_619 : bf16 to vector<512x128xbf16>
    %concatenate3A_621 = tpu.concatenate %slice3A_607, %broadcast_in_dim3A_620 in 1 : vector<512x128xbf16>, vector<512x128xbf16> -> vector<512x256xbf16>
    %dot_general3A_622 = arith.constant dense<0.000000e+00> : vector<128x256xf32>
    %dot_general3A_623 = tpu.matmul %mul3A_618, %concatenate3A_621, %dot_general3A_622 {dimension_numbers = #tpu.dot_dimension_numbers<[1], [0], [0], [1], [0, 0, 1, 1], [], []>, transpose_lhs_hint = false} : vector<128x512xbf16>, vector<512x256xbf16>, vector<128x256xf32> -> vector<128x256xf32>
    %slice3A_624 = vector.extract_strided_slice %dot_general3A_623 {offsets = [0, 0], sizes = [128, 128], strides = [1, 1]} : vector<128x256xf32> to vector<128x128xf32>
    %slice3A_625 = vector.extract_strided_slice %dot_general3A_623 {offsets = [0, 128], sizes = [128, 1], strides = [1, 1]} : vector<128x256xf32> to vector<128x1xf32>
    %div3A_626 = vector.broadcast %slice3A_625 : vector<128x1xf32> to vector<128x128xf32>
    %div3A_627 = arith.divf %slice3A_624, %div3A_626 : vector<128x128xf32>
    %convert_element_type3A_628 = arith.truncf %div3A_627 : vector<128x128xf32> to vector<128x128xbf16>
    %slice3A_629 = vector.extract_strided_slice %convert_element_type3A_102 {offsets = [104, 0], sizes = [8, 128], strides = [1, 1]} : vector<2048x128xbf16> to vector<8x128xbf16>
    %slice3A_630 = vector.extract_strided_slice %convert_element_type3A_102 {offsets = [232, 0], sizes = [8, 128], strides = [1, 1]} : vector<2048x128xbf16> to vector<8x128xbf16>
    %slice3A_631 = vector.extract_strided_slice %convert_element_type3A_102 {offsets = [360, 0], sizes = [8, 128], strides = [1, 1]} : vector<2048x128xbf16> to vector<8x128xbf16>
    %slice3A_632 = vector.extract_strided_slice %convert_element_type3A_102 {offsets = [488, 0], sizes = [8, 128], strides = [1, 1]} : vector<2048x128xbf16> to vector<8x128xbf16>
    %slice3A_633 = vector.extract_strided_slice %convert_element_type3A_102 {offsets = [616, 0], sizes = [8, 128], strides = [1, 1]} : vector<2048x128xbf16> to vector<8x128xbf16>
    %slice3A_634 = vector.extract_strided_slice %convert_element_type3A_102 {offsets = [744, 0], sizes = [8, 128], strides = [1, 1]} : vector<2048x128xbf16> to vector<8x128xbf16>
    %slice3A_635 = vector.extract_strided_slice %convert_element_type3A_102 {offsets = [872, 0], sizes = [8, 128], strides = [1, 1]} : vector<2048x128xbf16> to vector<8x128xbf16>
    %slice3A_636 = vector.extract_strided_slice %convert_element_type3A_102 {offsets = [1000, 0], sizes = [8, 128], strides = [1, 1]} : vector<2048x128xbf16> to vector<8x128xbf16>
    %slice3A_637 = vector.extract_strided_slice %convert_element_type3A_102 {offsets = [1128, 0], sizes = [8, 128], strides = [1, 1]} : vector<2048x128xbf16> to vector<8x128xbf16>
    %slice3A_638 = vector.extract_strided_slice %convert_element_type3A_102 {offsets = [1256, 0], sizes = [8, 128], strides = [1, 1]} : vector<2048x128xbf16> to vector<8x128xbf16>
    %slice3A_639 = vector.extract_strided_slice %convert_element_type3A_102 {offsets = [1384, 0], sizes = [8, 128], strides = [1, 1]} : vector<2048x128xbf16> to vector<8x128xbf16>
    %slice3A_640 = vector.extract_strided_slice %convert_element_type3A_102 {offsets = [1512, 0], sizes = [8, 128], strides = [1, 1]} : vector<2048x128xbf16> to vector<8x128xbf16>
    %slice3A_641 = vector.extract_strided_slice %convert_element_type3A_102 {offsets = [1640, 0], sizes = [8, 128], strides = [1, 1]} : vector<2048x128xbf16> to vector<8x128xbf16>
    %slice3A_642 = vector.extract_strided_slice %convert_element_type3A_102 {offsets = [1768, 0], sizes = [8, 128], strides = [1, 1]} : vector<2048x128xbf16> to vector<8x128xbf16>
    %slice3A_643 = vector.extract_strided_slice %convert_element_type3A_102 {offsets = [1896, 0], sizes = [8, 128], strides = [1, 1]} : vector<2048x128xbf16> to vector<8x128xbf16>
    %slice3A_644 = vector.extract_strided_slice %convert_element_type3A_102 {offsets = [2024, 0], sizes = [8, 128], strides = [1, 1]} : vector<2048x128xbf16> to vector<8x128xbf16>
    %concatenate3A_645 = tpu.concatenate %slice3A_629, %slice3A_630, %slice3A_631, %slice3A_632, %slice3A_633, %slice3A_634, %slice3A_635, %slice3A_636, %slice3A_637, %slice3A_638, %slice3A_639, %slice3A_640, %slice3A_641, %slice3A_642, %slice3A_643, %slice3A_644 in 0 : vector<8x128xbf16>, vector<8x128xbf16>, vector<8x128xbf16>, vector<8x128xbf16>, vector<8x128xbf16>, vector<8x128xbf16>, vector<8x128xbf16>, vector<8x128xbf16>, vector<8x128xbf16>, vector<8x128xbf16>, vector<8x128xbf16>, vector<8x128xbf16>, vector<8x128xbf16>, vector<8x128xbf16>, vector<8x128xbf16>, vector<8x128xbf16> -> vector<128x128xbf16>
    %slice3A_646 = vector.extract_strided_slice %convert_element_type3A_589 {offsets = [512, 0], sizes = [512, 128], strides = [1, 1]} : vector<2048x128xbf16> to vector<512x128xbf16>
    %dot_general3A_647 = arith.constant dense<0.000000e+00> : vector<128x512xf32>
    %dot_general3A_648 = tpu.matmul %concatenate3A_645, %slice3A_646, %dot_general3A_647 {dimension_numbers = #tpu.dot_dimension_numbers<[1], [1], [0], [0], [0, 0, 1, 0], [], []>, transpose_lhs_hint = false} : vector<128x128xbf16>, vector<512x128xbf16>, vector<128x512xf32> -> vector<128x512xf32>
    %mul3A_649 = arith.constant 1.250000e-01 : f32
    %mul3A_650 = vector.broadcast %mul3A_649 : f32 to vector<128x512xf32>
    %mul3A_651 = arith.mulf %dot_general3A_648, %mul3A_650 : vector<128x512xf32>
    %exp3A_652 = math.exp %mul3A_651 : vector<128x512xf32>
    %convert_element_type3A_653 = arith.truncf %exp3A_652 : vector<128x512xf32> to vector<128x512xbf16>
    %get3A_654 = arith.constant 0 : index
    %get3A_655 = arith.constant 0 : index
    %get3A_656 = vector.load %arg9[%get3A_654, %get3A_655] : memref<128x512xbf16, #tpu.memory_space<vmem>>, vector<128x512xbf16>
    %mul3A_657 = arith.mulf %convert_element_type3A_653, %get3A_656 : vector<128x512xbf16>
    %broadcast_in_dim3A_658 = arith.constant 1.000000e+00 : bf16
    %broadcast_in_dim3A_659 = vector.broadcast %broadcast_in_dim3A_658 : bf16 to vector<512x128xbf16>
    %concatenate3A_660 = tpu.concatenate %slice3A_646, %broadcast_in_dim3A_659 in 1 : vector<512x128xbf16>, vector<512x128xbf16> -> vector<512x256xbf16>
    %dot_general3A_661 = arith.constant dense<0.000000e+00> : vector<128x256xf32>
    %dot_general3A_662 = tpu.matmul %mul3A_657, %concatenate3A_660, %dot_general3A_661 {dimension_numbers = #tpu.dot_dimension_numbers<[1], [0], [0], [1], [0, 0, 1, 1], [], []>, transpose_lhs_hint = false} : vector<128x512xbf16>, vector<512x256xbf16>, vector<128x256xf32> -> vector<128x256xf32>
    %slice3A_663 = vector.extract_strided_slice %dot_general3A_662 {offsets = [0, 0], sizes = [128, 128], strides = [1, 1]} : vector<128x256xf32> to vector<128x128xf32>
    %slice3A_664 = vector.extract_strided_slice %dot_general3A_662 {offsets = [0, 128], sizes = [128, 1], strides = [1, 1]} : vector<128x256xf32> to vector<128x1xf32>
    %div3A_665 = vector.broadcast %slice3A_664 : vector<128x1xf32> to vector<128x128xf32>
    %div3A_666 = arith.divf %slice3A_663, %div3A_665 : vector<128x128xf32>
    %convert_element_type3A_667 = arith.truncf %div3A_666 : vector<128x128xf32> to vector<128x128xbf16>
    %slice3A_668 = vector.extract_strided_slice %convert_element_type3A_102 {offsets = [112, 0], sizes = [8, 128], strides = [1, 1]} : vector<2048x128xbf16> to vector<8x128xbf16>
    %slice3A_669 = vector.extract_strided_slice %convert_element_type3A_102 {offsets = [240, 0], sizes = [8, 128], strides = [1, 1]} : vector<2048x128xbf16> to vector<8x128xbf16>
    %slice3A_670 = vector.extract_strided_slice %convert_element_type3A_102 {offsets = [368, 0], sizes = [8, 128], strides = [1, 1]} : vector<2048x128xbf16> to vector<8x128xbf16>
    %slice3A_671 = vector.extract_strided_slice %convert_element_type3A_102 {offsets = [496, 0], sizes = [8, 128], strides = [1, 1]} : vector<2048x128xbf16> to vector<8x128xbf16>
    %slice3A_672 = vector.extract_strided_slice %convert_element_type3A_102 {offsets = [624, 0], sizes = [8, 128], strides = [1, 1]} : vector<2048x128xbf16> to vector<8x128xbf16>
    %slice3A_673 = vector.extract_strided_slice %convert_element_type3A_102 {offsets = [752, 0], sizes = [8, 128], strides = [1, 1]} : vector<2048x128xbf16> to vector<8x128xbf16>
    %slice3A_674 = vector.extract_strided_slice %convert_element_type3A_102 {offsets = [880, 0], sizes = [8, 128], strides = [1, 1]} : vector<2048x128xbf16> to vector<8x128xbf16>
    %slice3A_675 = vector.extract_strided_slice %convert_element_type3A_102 {offsets = [1008, 0], sizes = [8, 128], strides = [1, 1]} : vector<2048x128xbf16> to vector<8x128xbf16>
    %slice3A_676 = vector.extract_strided_slice %convert_element_type3A_102 {offsets = [1136, 0], sizes = [8, 128], strides = [1, 1]} : vector<2048x128xbf16> to vector<8x128xbf16>
    %slice3A_677 = vector.extract_strided_slice %convert_element_type3A_102 {offsets = [1264, 0], sizes = [8, 128], strides = [1, 1]} : vector<2048x128xbf16> to vector<8x128xbf16>
    %slice3A_678 = vector.extract_strided_slice %convert_element_type3A_102 {offsets = [1392, 0], sizes = [8, 128], strides = [1, 1]} : vector<2048x128xbf16> to vector<8x128xbf16>
    %slice3A_679 = vector.extract_strided_slice %convert_element_type3A_102 {offsets = [1520, 0], sizes = [8, 128], strides = [1, 1]} : vector<2048x128xbf16> to vector<8x128xbf16>
    %slice3A_680 = vector.extract_strided_slice %convert_element_type3A_102 {offsets = [1648, 0], sizes = [8, 128], strides = [1, 1]} : vector<2048x128xbf16> to vector<8x128xbf16>
    %slice3A_681 = vector.extract_strided_slice %convert_element_type3A_102 {offsets = [1776, 0], sizes = [8, 128], strides = [1, 1]} : vector<2048x128xbf16> to vector<8x128xbf16>
    %slice3A_682 = vector.extract_strided_slice %convert_element_type3A_102 {offsets = [1904, 0], sizes = [8, 128], strides = [1, 1]} : vector<2048x128xbf16> to vector<8x128xbf16>
    %slice3A_683 = vector.extract_strided_slice %convert_element_type3A_102 {offsets = [2032, 0], sizes = [8, 128], strides = [1, 1]} : vector<2048x128xbf16> to vector<8x128xbf16>
    %concatenate3A_684 = tpu.concatenate %slice3A_668, %slice3A_669, %slice3A_670, %slice3A_671, %slice3A_672, %slice3A_673, %slice3A_674, %slice3A_675, %slice3A_676, %slice3A_677, %slice3A_678, %slice3A_679, %slice3A_680, %slice3A_681, %slice3A_682, %slice3A_683 in 0 : vector<8x128xbf16>, vector<8x128xbf16>, vector<8x128xbf16>, vector<8x128xbf16>, vector<8x128xbf16>, vector<8x128xbf16>, vector<8x128xbf16>, vector<8x128xbf16>, vector<8x128xbf16>, vector<8x128xbf16>, vector<8x128xbf16>, vector<8x128xbf16>, vector<8x128xbf16>, vector<8x128xbf16>, vector<8x128xbf16>, vector<8x128xbf16> -> vector<128x128xbf16>
    %slice3A_685 = vector.extract_strided_slice %convert_element_type3A_589 {offsets = [1024, 0], sizes = [512, 128], strides = [1, 1]} : vector<2048x128xbf16> to vector<512x128xbf16>
    %dot_general3A_686 = arith.constant dense<0.000000e+00> : vector<128x512xf32>
    %dot_general3A_687 = tpu.matmul %concatenate3A_684, %slice3A_685, %dot_general3A_686 {dimension_numbers = #tpu.dot_dimension_numbers<[1], [1], [0], [0], [0, 0, 1, 0], [], []>, transpose_lhs_hint = false} : vector<128x128xbf16>, vector<512x128xbf16>, vector<128x512xf32> -> vector<128x512xf32>
    %mul3A_688 = arith.constant 1.250000e-01 : f32
    %mul3A_689 = vector.broadcast %mul3A_688 : f32 to vector<128x512xf32>
    %mul3A_690 = arith.mulf %dot_general3A_687, %mul3A_689 : vector<128x512xf32>
    %exp3A_691 = math.exp %mul3A_690 : vector<128x512xf32>
    %convert_element_type3A_692 = arith.truncf %exp3A_691 : vector<128x512xf32> to vector<128x512xbf16>
    %get3A_693 = arith.constant 0 : index
    %get3A_694 = arith.constant 0 : index
    %get3A_695 = vector.load %arg9[%get3A_693, %get3A_694] : memref<128x512xbf16, #tpu.memory_space<vmem>>, vector<128x512xbf16>
    %mul3A_696 = arith.mulf %convert_element_type3A_692, %get3A_695 : vector<128x512xbf16>
    %broadcast_in_dim3A_697 = arith.constant 1.000000e+00 : bf16
    %broadcast_in_dim3A_698 = vector.broadcast %broadcast_in_dim3A_697 : bf16 to vector<512x128xbf16>
    %concatenate3A_699 = tpu.concatenate %slice3A_685, %broadcast_in_dim3A_698 in 1 : vector<512x128xbf16>, vector<512x128xbf16> -> vector<512x256xbf16>
    %dot_general3A_700 = arith.constant dense<0.000000e+00> : vector<128x256xf32>
    %dot_general3A_701 = tpu.matmul %mul3A_696, %concatenate3A_699, %dot_general3A_700 {dimension_numbers = #tpu.dot_dimension_numbers<[1], [0], [0], [1], [0, 0, 1, 1], [], []>, transpose_lhs_hint = false} : vector<128x512xbf16>, vector<512x256xbf16>, vector<128x256xf32> -> vector<128x256xf32>
    %slice3A_702 = vector.extract_strided_slice %dot_general3A_701 {offsets = [0, 0], sizes = [128, 128], strides = [1, 1]} : vector<128x256xf32> to vector<128x128xf32>
    %slice3A_703 = vector.extract_strided_slice %dot_general3A_701 {offsets = [0, 128], sizes = [128, 1], strides = [1, 1]} : vector<128x256xf32> to vector<128x1xf32>
    %div3A_704 = vector.broadcast %slice3A_703 : vector<128x1xf32> to vector<128x128xf32>
    %div3A_705 = arith.divf %slice3A_702, %div3A_704 : vector<128x128xf32>
    %convert_element_type3A_706 = arith.truncf %div3A_705 : vector<128x128xf32> to vector<128x128xbf16>
    %slice3A_707 = vector.extract_strided_slice %convert_element_type3A_102 {offsets = [120, 0], sizes = [8, 128], strides = [1, 1]} : vector<2048x128xbf16> to vector<8x128xbf16>
    %slice3A_708 = vector.extract_strided_slice %convert_element_type3A_102 {offsets = [248, 0], sizes = [8, 128], strides = [1, 1]} : vector<2048x128xbf16> to vector<8x128xbf16>
    %slice3A_709 = vector.extract_strided_slice %convert_element_type3A_102 {offsets = [376, 0], sizes = [8, 128], strides = [1, 1]} : vector<2048x128xbf16> to vector<8x128xbf16>
    %slice3A_710 = vector.extract_strided_slice %convert_element_type3A_102 {offsets = [504, 0], sizes = [8, 128], strides = [1, 1]} : vector<2048x128xbf16> to vector<8x128xbf16>
    %slice3A_711 = vector.extract_strided_slice %convert_element_type3A_102 {offsets = [632, 0], sizes = [8, 128], strides = [1, 1]} : vector<2048x128xbf16> to vector<8x128xbf16>
    %slice3A_712 = vector.extract_strided_slice %convert_element_type3A_102 {offsets = [760, 0], sizes = [8, 128], strides = [1, 1]} : vector<2048x128xbf16> to vector<8x128xbf16>
    %slice3A_713 = vector.extract_strided_slice %convert_element_type3A_102 {offsets = [888, 0], sizes = [8, 128], strides = [1, 1]} : vector<2048x128xbf16> to vector<8x128xbf16>
    %slice3A_714 = vector.extract_strided_slice %convert_element_type3A_102 {offsets = [1016, 0], sizes = [8, 128], strides = [1, 1]} : vector<2048x128xbf16> to vector<8x128xbf16>
    %slice3A_715 = vector.extract_strided_slice %convert_element_type3A_102 {offsets = [1144, 0], sizes = [8, 128], strides = [1, 1]} : vector<2048x128xbf16> to vector<8x128xbf16>
    %slice3A_716 = vector.extract_strided_slice %convert_element_type3A_102 {offsets = [1272, 0], sizes = [8, 128], strides = [1, 1]} : vector<2048x128xbf16> to vector<8x128xbf16>
    %slice3A_717 = vector.extract_strided_slice %convert_element_type3A_102 {offsets = [1400, 0], sizes = [8, 128], strides = [1, 1]} : vector<2048x128xbf16> to vector<8x128xbf16>
    %slice3A_718 = vector.extract_strided_slice %convert_element_type3A_102 {offsets = [1528, 0], sizes = [8, 128], strides = [1, 1]} : vector<2048x128xbf16> to vector<8x128xbf16>
    %slice3A_719 = vector.extract_strided_slice %convert_element_type3A_102 {offsets = [1656, 0], sizes = [8, 128], strides = [1, 1]} : vector<2048x128xbf16> to vector<8x128xbf16>
    %slice3A_720 = vector.extract_strided_slice %convert_element_type3A_102 {offsets = [1784, 0], sizes = [8, 128], strides = [1, 1]} : vector<2048x128xbf16> to vector<8x128xbf16>
    %slice3A_721 = vector.extract_strided_slice %convert_element_type3A_102 {offsets = [1912, 0], sizes = [8, 128], strides = [1, 1]} : vector<2048x128xbf16> to vector<8x128xbf16>
    %slice3A_722 = vector.extract_strided_slice %convert_element_type3A_102 {offsets = [2040, 0], sizes = [8, 128], strides = [1, 1]} : vector<2048x128xbf16> to vector<8x128xbf16>
    %concatenate3A_723 = tpu.concatenate %slice3A_707, %slice3A_708, %slice3A_709, %slice3A_710, %slice3A_711, %slice3A_712, %slice3A_713, %slice3A_714, %slice3A_715, %slice3A_716, %slice3A_717, %slice3A_718, %slice3A_719, %slice3A_720, %slice3A_721, %slice3A_722 in 0 : vector<8x128xbf16>, vector<8x128xbf16>, vector<8x128xbf16>, vector<8x128xbf16>, vector<8x128xbf16>, vector<8x128xbf16>, vector<8x128xbf16>, vector<8x128xbf16>, vector<8x128xbf16>, vector<8x128xbf16>, vector<8x128xbf16>, vector<8x128xbf16>, vector<8x128xbf16>, vector<8x128xbf16>, vector<8x128xbf16>, vector<8x128xbf16> -> vector<128x128xbf16>
    %slice3A_724 = vector.extract_strided_slice %convert_element_type3A_589 {offsets = [1536, 0], sizes = [512, 128], strides = [1, 1]} : vector<2048x128xbf16> to vector<512x128xbf16>
    %dot_general3A_725 = arith.constant dense<0.000000e+00> : vector<128x512xf32>
    %dot_general3A_726 = tpu.matmul %concatenate3A_723, %slice3A_724, %dot_general3A_725 {dimension_numbers = #tpu.dot_dimension_numbers<[1], [1], [0], [0], [0, 0, 1, 0], [], []>, transpose_lhs_hint = false} : vector<128x128xbf16>, vector<512x128xbf16>, vector<128x512xf32> -> vector<128x512xf32>
    %mul3A_727 = arith.constant 1.250000e-01 : f32
    %mul3A_728 = vector.broadcast %mul3A_727 : f32 to vector<128x512xf32>
    %mul3A_729 = arith.mulf %dot_general3A_726, %mul3A_728 : vector<128x512xf32>
    %exp3A_730 = math.exp %mul3A_729 : vector<128x512xf32>
    %convert_element_type3A_731 = arith.truncf %exp3A_730 : vector<128x512xf32> to vector<128x512xbf16>
    %get3A_732 = arith.constant 0 : index
    %get3A_733 = arith.constant 0 : index
    %get3A_734 = vector.load %arg9[%get3A_732, %get3A_733] : memref<128x512xbf16, #tpu.memory_space<vmem>>, vector<128x512xbf16>
    %mul3A_735 = arith.mulf %convert_element_type3A_731, %get3A_734 : vector<128x512xbf16>
    %broadcast_in_dim3A_736 = arith.constant 1.000000e+00 : bf16
    %broadcast_in_dim3A_737 = vector.broadcast %broadcast_in_dim3A_736 : bf16 to vector<512x128xbf16>
    %concatenate3A_738 = tpu.concatenate %slice3A_724, %broadcast_in_dim3A_737 in 1 : vector<512x128xbf16>, vector<512x128xbf16> -> vector<512x256xbf16>
    %dot_general3A_739 = arith.constant dense<0.000000e+00> : vector<128x256xf32>
    %dot_general3A_740 = tpu.matmul %mul3A_735, %concatenate3A_738, %dot_general3A_739 {dimension_numbers = #tpu.dot_dimension_numbers<[1], [0], [0], [1], [0, 0, 1, 1], [], []>, transpose_lhs_hint = false} : vector<128x512xbf16>, vector<512x256xbf16>, vector<128x256xf32> -> vector<128x256xf32>
    %slice3A_741 = vector.extract_strided_slice %dot_general3A_740 {offsets = [0, 0], sizes = [128, 128], strides = [1, 1]} : vector<128x256xf32> to vector<128x128xf32>
    %slice3A_742 = vector.extract_strided_slice %dot_general3A_740 {offsets = [0, 128], sizes = [128, 1], strides = [1, 1]} : vector<128x256xf32> to vector<128x1xf32>
    %div3A_743 = vector.broadcast %slice3A_742 : vector<128x1xf32> to vector<128x128xf32>
    %div3A_744 = arith.divf %slice3A_741, %div3A_743 : vector<128x128xf32>
    %convert_element_type3A_745 = arith.truncf %div3A_744 : vector<128x128xf32> to vector<128x128xbf16>
    %broadcast_in_dim3A_746 = arith.constant 0.000000e+00 : f32
    %broadcast_in_dim3A_747 = vector.broadcast %broadcast_in_dim3A_746 : f32 to vector<128x1024xf32>
    %slice3A_748 = vector.extract_strided_slice %convert_element_type3A_142 {offsets = [0, 0], sizes = [8, 128], strides = [1, 1]} : vector<128x128xbf16> to vector<8x128xbf16>
    %slice3A_749 = vector.extract_strided_slice %convert_element_type3A_181 {offsets = [0, 0], sizes = [8, 128], strides = [1, 1]} : vector<128x128xbf16> to vector<8x128xbf16>
    %slice3A_750 = vector.extract_strided_slice %convert_element_type3A_220 {offsets = [0, 0], sizes = [8, 128], strides = [1, 1]} : vector<128x128xbf16> to vector<8x128xbf16>
    %slice3A_751 = vector.extract_strided_slice %convert_element_type3A_259 {offsets = [0, 0], sizes = [8, 128], strides = [1, 1]} : vector<128x128xbf16> to vector<8x128xbf16>
    %slice3A_752 = vector.extract_strided_slice %convert_element_type3A_304 {offsets = [0, 0], sizes = [8, 128], strides = [1, 1]} : vector<128x128xbf16> to vector<8x128xbf16>
    %slice3A_753 = vector.extract_strided_slice %convert_element_type3A_343 {offsets = [0, 0], sizes = [8, 128], strides = [1, 1]} : vector<128x128xbf16> to vector<8x128xbf16>
    %slice3A_754 = vector.extract_strided_slice %convert_element_type3A_382 {offsets = [0, 0], sizes = [8, 128], strides = [1, 1]} : vector<128x128xbf16> to vector<8x128xbf16>
    %slice3A_755 = vector.extract_strided_slice %convert_element_type3A_421 {offsets = [0, 0], sizes = [8, 128], strides = [1, 1]} : vector<128x128xbf16> to vector<8x128xbf16>
    %slice3A_756 = vector.extract_strided_slice %convert_element_type3A_466 {offsets = [0, 0], sizes = [8, 128], strides = [1, 1]} : vector<128x128xbf16> to vector<8x128xbf16>
    %slice3A_757 = vector.extract_strided_slice %convert_element_type3A_505 {offsets = [0, 0], sizes = [8, 128], strides = [1, 1]} : vector<128x128xbf16> to vector<8x128xbf16>
    %slice3A_758 = vector.extract_strided_slice %convert_element_type3A_544 {offsets = [0, 0], sizes = [8, 128], strides = [1, 1]} : vector<128x128xbf16> to vector<8x128xbf16>
    %slice3A_759 = vector.extract_strided_slice %convert_element_type3A_583 {offsets = [0, 0], sizes = [8, 128], strides = [1, 1]} : vector<128x128xbf16> to vector<8x128xbf16>
    %slice3A_760 = vector.extract_strided_slice %convert_element_type3A_628 {offsets = [0, 0], sizes = [8, 128], strides = [1, 1]} : vector<128x128xbf16> to vector<8x128xbf16>
    %slice3A_761 = vector.extract_strided_slice %convert_element_type3A_667 {offsets = [0, 0], sizes = [8, 128], strides = [1, 1]} : vector<128x128xbf16> to vector<8x128xbf16>
    %slice3A_762 = vector.extract_strided_slice %convert_element_type3A_706 {offsets = [0, 0], sizes = [8, 128], strides = [1, 1]} : vector<128x128xbf16> to vector<8x128xbf16>
    %slice3A_763 = vector.extract_strided_slice %convert_element_type3A_745 {offsets = [0, 0], sizes = [8, 128], strides = [1, 1]} : vector<128x128xbf16> to vector<8x128xbf16>
    %concatenate3A_764 = tpu.concatenate %slice3A_748, %slice3A_749, %slice3A_750, %slice3A_751, %slice3A_752, %slice3A_753, %slice3A_754, %slice3A_755, %slice3A_756, %slice3A_757, %slice3A_758, %slice3A_759, %slice3A_760, %slice3A_761, %slice3A_762, %slice3A_763 in 0 : vector<8x128xbf16>, vector<8x128xbf16>, vector<8x128xbf16>, vector<8x128xbf16>, vector<8x128xbf16>, vector<8x128xbf16>, vector<8x128xbf16>, vector<8x128xbf16>, vector<8x128xbf16>, vector<8x128xbf16>, vector<8x128xbf16>, vector<8x128xbf16>, vector<8x128xbf16>, vector<8x128xbf16>, vector<8x128xbf16>, vector<8x128xbf16> -> vector<128x128xbf16>
    %get3A_765 = arith.constant 0 : index
    %get3A_766 = arith.constant 0 : index
    %get3A_767 = vector.load %arg8[%get3A_765, %get3A_766] : memref<2048x1024xbf16, #tpu.memory_space<vmem>>, vector<128x1024xbf16>
    %dot_general3A_768 = arith.constant dense<0.000000e+00> : vector<128x1024xf32>
    %dot_general3A_769 = tpu.matmul %concatenate3A_764, %get3A_767, %dot_general3A_768 {dimension_numbers = #tpu.dot_dimension_numbers<[1], [0], [0], [1], [0, 0, 1, 1], [], []>, transpose_lhs_hint = false} : vector<128x128xbf16>, vector<128x1024xbf16>, vector<128x1024xf32> -> vector<128x1024xf32>
    %add3A = arith.addf %broadcast_in_dim3A_747, %dot_general3A_769 : vector<128x1024xf32>
    %slice3A_770 = vector.extract_strided_slice %convert_element_type3A_142 {offsets = [8, 0], sizes = [8, 128], strides = [1, 1]} : vector<128x128xbf16> to vector<8x128xbf16>
    %slice3A_771 = vector.extract_strided_slice %convert_element_type3A_181 {offsets = [8, 0], sizes = [8, 128], strides = [1, 1]} : vector<128x128xbf16> to vector<8x128xbf16>
    %slice3A_772 = vector.extract_strided_slice %convert_element_type3A_220 {offsets = [8, 0], sizes = [8, 128], strides = [1, 1]} : vector<128x128xbf16> to vector<8x128xbf16>
    %slice3A_773 = vector.extract_strided_slice %convert_element_type3A_259 {offsets = [8, 0], sizes = [8, 128], strides = [1, 1]} : vector<128x128xbf16> to vector<8x128xbf16>
    %slice3A_774 = vector.extract_strided_slice %convert_element_type3A_304 {offsets = [8, 0], sizes = [8, 128], strides = [1, 1]} : vector<128x128xbf16> to vector<8x128xbf16>
    %slice3A_775 = vector.extract_strided_slice %convert_element_type3A_343 {offsets = [8, 0], sizes = [8, 128], strides = [1, 1]} : vector<128x128xbf16> to vector<8x128xbf16>
    %slice3A_776 = vector.extract_strided_slice %convert_element_type3A_382 {offsets = [8, 0], sizes = [8, 128], strides = [1, 1]} : vector<128x128xbf16> to vector<8x128xbf16>
    %slice3A_777 = vector.extract_strided_slice %convert_element_type3A_421 {offsets = [8, 0], sizes = [8, 128], strides = [1, 1]} : vector<128x128xbf16> to vector<8x128xbf16>
    %slice3A_778 = vector.extract_strided_slice %convert_element_type3A_466 {offsets = [8, 0], sizes = [8, 128], strides = [1, 1]} : vector<128x128xbf16> to vector<8x128xbf16>
    %slice3A_779 = vector.extract_strided_slice %convert_element_type3A_505 {offsets = [8, 0], sizes = [8, 128], strides = [1, 1]} : vector<128x128xbf16> to vector<8x128xbf16>
    %slice3A_780 = vector.extract_strided_slice %convert_element_type3A_544 {offsets = [8, 0], sizes = [8, 128], strides = [1, 1]} : vector<128x128xbf16> to vector<8x128xbf16>
    %slice3A_781 = vector.extract_strided_slice %convert_element_type3A_583 {offsets = [8, 0], sizes = [8, 128], strides = [1, 1]} : vector<128x128xbf16> to vector<8x128xbf16>
    %slice3A_782 = vector.extract_strided_slice %convert_element_type3A_628 {offsets = [8, 0], sizes = [8, 128], strides = [1, 1]} : vector<128x128xbf16> to vector<8x128xbf16>
    %slice3A_783 = vector.extract_strided_slice %convert_element_type3A_667 {offsets = [8, 0], sizes = [8, 128], strides = [1, 1]} : vector<128x128xbf16> to vector<8x128xbf16>
    %slice3A_784 = vector.extract_strided_slice %convert_element_type3A_706 {offsets = [8, 0], sizes = [8, 128], strides = [1, 1]} : vector<128x128xbf16> to vector<8x128xbf16>
    %slice3A_785 = vector.extract_strided_slice %convert_element_type3A_745 {offsets = [8, 0], sizes = [8, 128], strides = [1, 1]} : vector<128x128xbf16> to vector<8x128xbf16>
    %concatenate3A_786 = tpu.concatenate %slice3A_770, %slice3A_771, %slice3A_772, %slice3A_773, %slice3A_774, %slice3A_775, %slice3A_776, %slice3A_777, %slice3A_778, %slice3A_779, %slice3A_780, %slice3A_781, %slice3A_782, %slice3A_783, %slice3A_784, %slice3A_785 in 0 : vector<8x128xbf16>, vector<8x128xbf16>, vector<8x128xbf16>, vector<8x128xbf16>, vector<8x128xbf16>, vector<8x128xbf16>, vector<8x128xbf16>, vector<8x128xbf16>, vector<8x128xbf16>, vector<8x128xbf16>, vector<8x128xbf16>, vector<8x128xbf16>, vector<8x128xbf16>, vector<8x128xbf16>, vector<8x128xbf16>, vector<8x128xbf16> -> vector<128x128xbf16>
    %get3A_787 = arith.constant 128 : index
    %get3A_788 = arith.constant 0 : index
    %get3A_789 = vector.load %arg8[%get3A_787, %get3A_788] : memref<2048x1024xbf16, #tpu.memory_space<vmem>>, vector<128x1024xbf16>
    %dot_general3A_790 = arith.constant dense<0.000000e+00> : vector<128x1024xf32>
    %dot_general3A_791 = tpu.matmul %concatenate3A_786, %get3A_789, %dot_general3A_790 {dimension_numbers = #tpu.dot_dimension_numbers<[1], [0], [0], [1], [0, 0, 1, 1], [], []>, transpose_lhs_hint = false} : vector<128x128xbf16>, vector<128x1024xbf16>, vector<128x1024xf32> -> vector<128x1024xf32>
    %add3A_792 = arith.addf %add3A, %dot_general3A_791 : vector<128x1024xf32>
    %slice3A_793 = vector.extract_strided_slice %convert_element_type3A_142 {offsets = [16, 0], sizes = [8, 128], strides = [1, 1]} : vector<128x128xbf16> to vector<8x128xbf16>
    %slice3A_794 = vector.extract_strided_slice %convert_element_type3A_181 {offsets = [16, 0], sizes = [8, 128], strides = [1, 1]} : vector<128x128xbf16> to vector<8x128xbf16>
    %slice3A_795 = vector.extract_strided_slice %convert_element_type3A_220 {offsets = [16, 0], sizes = [8, 128], strides = [1, 1]} : vector<128x128xbf16> to vector<8x128xbf16>
    %slice3A_796 = vector.extract_strided_slice %convert_element_type3A_259 {offsets = [16, 0], sizes = [8, 128], strides = [1, 1]} : vector<128x128xbf16> to vector<8x128xbf16>
    %slice3A_797 = vector.extract_strided_slice %convert_element_type3A_304 {offsets = [16, 0], sizes = [8, 128], strides = [1, 1]} : vector<128x128xbf16> to vector<8x128xbf16>
    %slice3A_798 = vector.extract_strided_slice %convert_element_type3A_343 {offsets = [16, 0], sizes = [8, 128], strides = [1, 1]} : vector<128x128xbf16> to vector<8x128xbf16>
    %slice3A_799 = vector.extract_strided_slice %convert_element_type3A_382 {offsets = [16, 0], sizes = [8, 128], strides = [1, 1]} : vector<128x128xbf16> to vector<8x128xbf16>
    %slice3A_800 = vector.extract_strided_slice %convert_element_type3A_421 {offsets = [16, 0], sizes = [8, 128], strides = [1, 1]} : vector<128x128xbf16> to vector<8x128xbf16>
    %slice3A_801 = vector.extract_strided_slice %convert_element_type3A_466 {offsets = [16, 0], sizes = [8, 128], strides = [1, 1]} : vector<128x128xbf16> to vector<8x128xbf16>
    %slice3A_802 = vector.extract_strided_slice %convert_element_type3A_505 {offsets = [16, 0], sizes = [8, 128], strides = [1, 1]} : vector<128x128xbf16> to vector<8x128xbf16>
    %slice3A_803 = vector.extract_strided_slice %convert_element_type3A_544 {offsets = [16, 0], sizes = [8, 128], strides = [1, 1]} : vector<128x128xbf16> to vector<8x128xbf16>
    %slice3A_804 = vector.extract_strided_slice %convert_element_type3A_583 {offsets = [16, 0], sizes = [8, 128], strides = [1, 1]} : vector<128x128xbf16> to vector<8x128xbf16>
    %slice3A_805 = vector.extract_strided_slice %convert_element_type3A_628 {offsets = [16, 0], sizes = [8, 128], strides = [1, 1]} : vector<128x128xbf16> to vector<8x128xbf16>
    %slice3A_806 = vector.extract_strided_slice %convert_element_type3A_667 {offsets = [16, 0], sizes = [8, 128], strides = [1, 1]} : vector<128x128xbf16> to vector<8x128xbf16>
    %slice3A_807 = vector.extract_strided_slice %convert_element_type3A_706 {offsets = [16, 0], sizes = [8, 128], strides = [1, 1]} : vector<128x128xbf16> to vector<8x128xbf16>
    %slice3A_808 = vector.extract_strided_slice %convert_element_type3A_745 {offsets = [16, 0], sizes = [8, 128], strides = [1, 1]} : vector<128x128xbf16> to vector<8x128xbf16>
    %concatenate3A_809 = tpu.concatenate %slice3A_793, %slice3A_794, %slice3A_795, %slice3A_796, %slice3A_797, %slice3A_798, %slice3A_799, %slice3A_800, %slice3A_801, %slice3A_802, %slice3A_803, %slice3A_804, %slice3A_805, %slice3A_806, %slice3A_807, %slice3A_808 in 0 : vector<8x128xbf16>, vector<8x128xbf16>, vector<8x128xbf16>, vector<8x128xbf16>, vector<8x128xbf16>, vector<8x128xbf16>, vector<8x128xbf16>, vector<8x128xbf16>, vector<8x128xbf16>, vector<8x128xbf16>, vector<8x128xbf16>, vector<8x128xbf16>, vector<8x128xbf16>, vector<8x128xbf16>, vector<8x128xbf16>, vector<8x128xbf16> -> vector<128x128xbf16>
    %get3A_810 = arith.constant 256 : index
    %get3A_811 = arith.constant 0 : index
    %get3A_812 = vector.load %arg8[%get3A_810, %get3A_811] : memref<2048x1024xbf16, #tpu.memory_space<vmem>>, vector<128x1024xbf16>
    %dot_general3A_813 = arith.constant dense<0.000000e+00> : vector<128x1024xf32>
    %dot_general3A_814 = tpu.matmul %concatenate3A_809, %get3A_812, %dot_general3A_813 {dimension_numbers = #tpu.dot_dimension_numbers<[1], [0], [0], [1], [0, 0, 1, 1], [], []>, transpose_lhs_hint = false} : vector<128x128xbf16>, vector<128x1024xbf16>, vector<128x1024xf32> -> vector<128x1024xf32>
    %add3A_815 = arith.addf %add3A_792, %dot_general3A_814 : vector<128x1024xf32>
    %slice3A_816 = vector.extract_strided_slice %convert_element_type3A_142 {offsets = [24, 0], sizes = [8, 128], strides = [1, 1]} : vector<128x128xbf16> to vector<8x128xbf16>
    %slice3A_817 = vector.extract_strided_slice %convert_element_type3A_181 {offsets = [24, 0], sizes = [8, 128], strides = [1, 1]} : vector<128x128xbf16> to vector<8x128xbf16>
    %slice3A_818 = vector.extract_strided_slice %convert_element_type3A_220 {offsets = [24, 0], sizes = [8, 128], strides = [1, 1]} : vector<128x128xbf16> to vector<8x128xbf16>
    %slice3A_819 = vector.extract_strided_slice %convert_element_type3A_259 {offsets = [24, 0], sizes = [8, 128], strides = [1, 1]} : vector<128x128xbf16> to vector<8x128xbf16>
    %slice3A_820 = vector.extract_strided_slice %convert_element_type3A_304 {offsets = [24, 0], sizes = [8, 128], strides = [1, 1]} : vector<128x128xbf16> to vector<8x128xbf16>
    %slice3A_821 = vector.extract_strided_slice %convert_element_type3A_343 {offsets = [24, 0], sizes = [8, 128], strides = [1, 1]} : vector<128x128xbf16> to vector<8x128xbf16>
    %slice3A_822 = vector.extract_strided_slice %convert_element_type3A_382 {offsets = [24, 0], sizes = [8, 128], strides = [1, 1]} : vector<128x128xbf16> to vector<8x128xbf16>
    %slice3A_823 = vector.extract_strided_slice %convert_element_type3A_421 {offsets = [24, 0], sizes = [8, 128], strides = [1, 1]} : vector<128x128xbf16> to vector<8x128xbf16>
    %slice3A_824 = vector.extract_strided_slice %convert_element_type3A_466 {offsets = [24, 0], sizes = [8, 128], strides = [1, 1]} : vector<128x128xbf16> to vector<8x128xbf16>
    %slice3A_825 = vector.extract_strided_slice %convert_element_type3A_505 {offsets = [24, 0], sizes = [8, 128], strides = [1, 1]} : vector<128x128xbf16> to vector<8x128xbf16>
    %slice3A_826 = vector.extract_strided_slice %convert_element_type3A_544 {offsets = [24, 0], sizes = [8, 128], strides = [1, 1]} : vector<128x128xbf16> to vector<8x128xbf16>
    %slice3A_827 = vector.extract_strided_slice %convert_element_type3A_583 {offsets = [24, 0], sizes = [8, 128], strides = [1, 1]} : vector<128x128xbf16> to vector<8x128xbf16>
    %slice3A_828 = vector.extract_strided_slice %convert_element_type3A_628 {offsets = [24, 0], sizes = [8, 128], strides = [1, 1]} : vector<128x128xbf16> to vector<8x128xbf16>
    %slice3A_829 = vector.extract_strided_slice %convert_element_type3A_667 {offsets = [24, 0], sizes = [8, 128], strides = [1, 1]} : vector<128x128xbf16> to vector<8x128xbf16>
    %slice3A_830 = vector.extract_strided_slice %convert_element_type3A_706 {offsets = [24, 0], sizes = [8, 128], strides = [1, 1]} : vector<128x128xbf16> to vector<8x128xbf16>
    %slice3A_831 = vector.extract_strided_slice %convert_element_type3A_745 {offsets = [24, 0], sizes = [8, 128], strides = [1, 1]} : vector<128x128xbf16> to vector<8x128xbf16>
    %concatenate3A_832 = tpu.concatenate %slice3A_816, %slice3A_817, %slice3A_818, %slice3A_819, %slice3A_820, %slice3A_821, %slice3A_822, %slice3A_823, %slice3A_824, %slice3A_825, %slice3A_826, %slice3A_827, %slice3A_828, %slice3A_829, %slice3A_830, %slice3A_831 in 0 : vector<8x128xbf16>, vector<8x128xbf16>, vector<8x128xbf16>, vector<8x128xbf16>, vector<8x128xbf16>, vector<8x128xbf16>, vector<8x128xbf16>, vector<8x128xbf16>, vector<8x128xbf16>, vector<8x128xbf16>, vector<8x128xbf16>, vector<8x128xbf16>, vector<8x128xbf16>, vector<8x128xbf16>, vector<8x128xbf16>, vector<8x128xbf16> -> vector<128x128xbf16>
    %get3A_833 = arith.constant 384 : index
    %get3A_834 = arith.constant 0 : index
    %get3A_835 = vector.load %arg8[%get3A_833, %get3A_834] : memref<2048x1024xbf16, #tpu.memory_space<vmem>>, vector<128x1024xbf16>
    %dot_general3A_836 = arith.constant dense<0.000000e+00> : vector<128x1024xf32>
    %dot_general3A_837 = tpu.matmul %concatenate3A_832, %get3A_835, %dot_general3A_836 {dimension_numbers = #tpu.dot_dimension_numbers<[1], [0], [0], [1], [0, 0, 1, 1], [], []>, transpose_lhs_hint = false} : vector<128x128xbf16>, vector<128x1024xbf16>, vector<128x1024xf32> -> vector<128x1024xf32>
    %add3A_838 = arith.addf %add3A_815, %dot_general3A_837 : vector<128x1024xf32>
    %slice3A_839 = vector.extract_strided_slice %convert_element_type3A_142 {offsets = [32, 0], sizes = [8, 128], strides = [1, 1]} : vector<128x128xbf16> to vector<8x128xbf16>
    %slice3A_840 = vector.extract_strided_slice %convert_element_type3A_181 {offsets = [32, 0], sizes = [8, 128], strides = [1, 1]} : vector<128x128xbf16> to vector<8x128xbf16>
    %slice3A_841 = vector.extract_strided_slice %convert_element_type3A_220 {offsets = [32, 0], sizes = [8, 128], strides = [1, 1]} : vector<128x128xbf16> to vector<8x128xbf16>
    %slice3A_842 = vector.extract_strided_slice %convert_element_type3A_259 {offsets = [32, 0], sizes = [8, 128], strides = [1, 1]} : vector<128x128xbf16> to vector<8x128xbf16>
    %slice3A_843 = vector.extract_strided_slice %convert_element_type3A_304 {offsets = [32, 0], sizes = [8, 128], strides = [1, 1]} : vector<128x128xbf16> to vector<8x128xbf16>
    %slice3A_844 = vector.extract_strided_slice %convert_element_type3A_343 {offsets = [32, 0], sizes = [8, 128], strides = [1, 1]} : vector<128x128xbf16> to vector<8x128xbf16>
    %slice3A_845 = vector.extract_strided_slice %convert_element_type3A_382 {offsets = [32, 0], sizes = [8, 128], strides = [1, 1]} : vector<128x128xbf16> to vector<8x128xbf16>
    %slice3A_846 = vector.extract_strided_slice %convert_element_type3A_421 {offsets = [32, 0], sizes = [8, 128], strides = [1, 1]} : vector<128x128xbf16> to vector<8x128xbf16>
    %slice3A_847 = vector.extract_strided_slice %convert_element_type3A_466 {offsets = [32, 0], sizes = [8, 128], strides = [1, 1]} : vector<128x128xbf16> to vector<8x128xbf16>
    %slice3A_848 = vector.extract_strided_slice %convert_element_type3A_505 {offsets = [32, 0], sizes = [8, 128], strides = [1, 1]} : vector<128x128xbf16> to vector<8x128xbf16>
    %slice3A_849 = vector.extract_strided_slice %convert_element_type3A_544 {offsets = [32, 0], sizes = [8, 128], strides = [1, 1]} : vector<128x128xbf16> to vector<8x128xbf16>
    %slice3A_850 = vector.extract_strided_slice %convert_element_type3A_583 {offsets = [32, 0], sizes = [8, 128], strides = [1, 1]} : vector<128x128xbf16> to vector<8x128xbf16>
    %slice3A_851 = vector.extract_strided_slice %convert_element_type3A_628 {offsets = [32, 0], sizes = [8, 128], strides = [1, 1]} : vector<128x128xbf16> to vector<8x128xbf16>
    %slice3A_852 = vector.extract_strided_slice %convert_element_type3A_667 {offsets = [32, 0], sizes = [8, 128], strides = [1, 1]} : vector<128x128xbf16> to vector<8x128xbf16>
    %slice3A_853 = vector.extract_strided_slice %convert_element_type3A_706 {offsets = [32, 0], sizes = [8, 128], strides = [1, 1]} : vector<128x128xbf16> to vector<8x128xbf16>
    %slice3A_854 = vector.extract_strided_slice %convert_element_type3A_745 {offsets = [32, 0], sizes = [8, 128], strides = [1, 1]} : vector<128x128xbf16> to vector<8x128xbf16>
    %concatenate3A_855 = tpu.concatenate %slice3A_839, %slice3A_840, %slice3A_841, %slice3A_842, %slice3A_843, %slice3A_844, %slice3A_845, %slice3A_846, %slice3A_847, %slice3A_848, %slice3A_849, %slice3A_850, %slice3A_851, %slice3A_852, %slice3A_853, %slice3A_854 in 0 : vector<8x128xbf16>, vector<8x128xbf16>, vector<8x128xbf16>, vector<8x128xbf16>, vector<8x128xbf16>, vector<8x128xbf16>, vector<8x128xbf16>, vector<8x128xbf16>, vector<8x128xbf16>, vector<8x128xbf16>, vector<8x128xbf16>, vector<8x128xbf16>, vector<8x128xbf16>, vector<8x128xbf16>, vector<8x128xbf16>, vector<8x128xbf16> -> vector<128x128xbf16>
    %get3A_856 = arith.constant 512 : index
    %get3A_857 = arith.constant 0 : index
    %get3A_858 = vector.load %arg8[%get3A_856, %get3A_857] : memref<2048x1024xbf16, #tpu.memory_space<vmem>>, vector<128x1024xbf16>
    %dot_general3A_859 = arith.constant dense<0.000000e+00> : vector<128x1024xf32>
    %dot_general3A_860 = tpu.matmul %concatenate3A_855, %get3A_858, %dot_general3A_859 {dimension_numbers = #tpu.dot_dimension_numbers<[1], [0], [0], [1], [0, 0, 1, 1], [], []>, transpose_lhs_hint = false} : vector<128x128xbf16>, vector<128x1024xbf16>, vector<128x1024xf32> -> vector<128x1024xf32>
    %add3A_861 = arith.addf %add3A_838, %dot_general3A_860 : vector<128x1024xf32>
    %slice3A_862 = vector.extract_strided_slice %convert_element_type3A_142 {offsets = [40, 0], sizes = [8, 128], strides = [1, 1]} : vector<128x128xbf16> to vector<8x128xbf16>
    %slice3A_863 = vector.extract_strided_slice %convert_element_type3A_181 {offsets = [40, 0], sizes = [8, 128], strides = [1, 1]} : vector<128x128xbf16> to vector<8x128xbf16>
    %slice3A_864 = vector.extract_strided_slice %convert_element_type3A_220 {offsets = [40, 0], sizes = [8, 128], strides = [1, 1]} : vector<128x128xbf16> to vector<8x128xbf16>
    %slice3A_865 = vector.extract_strided_slice %convert_element_type3A_259 {offsets = [40, 0], sizes = [8, 128], strides = [1, 1]} : vector<128x128xbf16> to vector<8x128xbf16>
    %slice3A_866 = vector.extract_strided_slice %convert_element_type3A_304 {offsets = [40, 0], sizes = [8, 128], strides = [1, 1]} : vector<128x128xbf16> to vector<8x128xbf16>
    %slice3A_867 = vector.extract_strided_slice %convert_element_type3A_343 {offsets = [40, 0], sizes = [8, 128], strides = [1, 1]} : vector<128x128xbf16> to vector<8x128xbf16>
    %slice3A_868 = vector.extract_strided_slice %convert_element_type3A_382 {offsets = [40, 0], sizes = [8, 128], strides = [1, 1]} : vector<128x128xbf16> to vector<8x128xbf16>
    %slice3A_869 = vector.extract_strided_slice %convert_element_type3A_421 {offsets = [40, 0], sizes = [8, 128], strides = [1, 1]} : vector<128x128xbf16> to vector<8x128xbf16>
    %slice3A_870 = vector.extract_strided_slice %convert_element_type3A_466 {offsets = [40, 0], sizes = [8, 128], strides = [1, 1]} : vector<128x128xbf16> to vector<8x128xbf16>
    %slice3A_871 = vector.extract_strided_slice %convert_element_type3A_505 {offsets = [40, 0], sizes = [8, 128], strides = [1, 1]} : vector<128x128xbf16> to vector<8x128xbf16>
    %slice3A_872 = vector.extract_strided_slice %convert_element_type3A_544 {offsets = [40, 0], sizes = [8, 128], strides = [1, 1]} : vector<128x128xbf16> to vector<8x128xbf16>
    %slice3A_873 = vector.extract_strided_slice %convert_element_type3A_583 {offsets = [40, 0], sizes = [8, 128], strides = [1, 1]} : vector<128x128xbf16> to vector<8x128xbf16>
    %slice3A_874 = vector.extract_strided_slice %convert_element_type3A_628 {offsets = [40, 0], sizes = [8, 128], strides = [1, 1]} : vector<128x128xbf16> to vector<8x128xbf16>
    %slice3A_875 = vector.extract_strided_slice %convert_element_type3A_667 {offsets = [40, 0], sizes = [8, 128], strides = [1, 1]} : vector<128x128xbf16> to vector<8x128xbf16>
    %slice3A_876 = vector.extract_strided_slice %convert_element_type3A_706 {offsets = [40, 0], sizes = [8, 128], strides = [1, 1]} : vector<128x128xbf16> to vector<8x128xbf16>
    %slice3A_877 = vector.extract_strided_slice %convert_element_type3A_745 {offsets = [40, 0], sizes = [8, 128], strides = [1, 1]} : vector<128x128xbf16> to vector<8x128xbf16>
    %concatenate3A_878 = tpu.concatenate %slice3A_862, %slice3A_863, %slice3A_864, %slice3A_865, %slice3A_866, %slice3A_867, %slice3A_868, %slice3A_869, %slice3A_870, %slice3A_871, %slice3A_872, %slice3A_873, %slice3A_874, %slice3A_875, %slice3A_876, %slice3A_877 in 0 : vector<8x128xbf16>, vector<8x128xbf16>, vector<8x128xbf16>, vector<8x128xbf16>, vector<8x128xbf16>, vector<8x128xbf16>, vector<8x128xbf16>, vector<8x128xbf16>, vector<8x128xbf16>, vector<8x128xbf16>, vector<8x128xbf16>, vector<8x128xbf16>, vector<8x128xbf16>, vector<8x128xbf16>, vector<8x128xbf16>, vector<8x128xbf16> -> vector<128x128xbf16>
    %get3A_879 = arith.constant 640 : index
    %get3A_880 = arith.constant 0 : index
    %get3A_881 = vector.load %arg8[%get3A_879, %get3A_880] : memref<2048x1024xbf16, #tpu.memory_space<vmem>>, vector<128x1024xbf16>
    %dot_general3A_882 = arith.constant dense<0.000000e+00> : vector<128x1024xf32>
    %dot_general3A_883 = tpu.matmul %concatenate3A_878, %get3A_881, %dot_general3A_882 {dimension_numbers = #tpu.dot_dimension_numbers<[1], [0], [0], [1], [0, 0, 1, 1], [], []>, transpose_lhs_hint = false} : vector<128x128xbf16>, vector<128x1024xbf16>, vector<128x1024xf32> -> vector<128x1024xf32>
    %add3A_884 = arith.addf %add3A_861, %dot_general3A_883 : vector<128x1024xf32>
    %slice3A_885 = vector.extract_strided_slice %convert_element_type3A_142 {offsets = [48, 0], sizes = [8, 128], strides = [1, 1]} : vector<128x128xbf16> to vector<8x128xbf16>
    %slice3A_886 = vector.extract_strided_slice %convert_element_type3A_181 {offsets = [48, 0], sizes = [8, 128], strides = [1, 1]} : vector<128x128xbf16> to vector<8x128xbf16>
    %slice3A_887 = vector.extract_strided_slice %convert_element_type3A_220 {offsets = [48, 0], sizes = [8, 128], strides = [1, 1]} : vector<128x128xbf16> to vector<8x128xbf16>
    %slice3A_888 = vector.extract_strided_slice %convert_element_type3A_259 {offsets = [48, 0], sizes = [8, 128], strides = [1, 1]} : vector<128x128xbf16> to vector<8x128xbf16>
    %slice3A_889 = vector.extract_strided_slice %convert_element_type3A_304 {offsets = [48, 0], sizes = [8, 128], strides = [1, 1]} : vector<128x128xbf16> to vector<8x128xbf16>
    %slice3A_890 = vector.extract_strided_slice %convert_element_type3A_343 {offsets = [48, 0], sizes = [8, 128], strides = [1, 1]} : vector<128x128xbf16> to vector<8x128xbf16>
    %slice3A_891 = vector.extract_strided_slice %convert_element_type3A_382 {offsets = [48, 0], sizes = [8, 128], strides = [1, 1]} : vector<128x128xbf16> to vector<8x128xbf16>
    %slice3A_892 = vector.extract_strided_slice %convert_element_type3A_421 {offsets = [48, 0], sizes = [8, 128], strides = [1, 1]} : vector<128x128xbf16> to vector<8x128xbf16>
    %slice3A_893 = vector.extract_strided_slice %convert_element_type3A_466 {offsets = [48, 0], sizes = [8, 128], strides = [1, 1]} : vector<128x128xbf16> to vector<8x128xbf16>
    %slice3A_894 = vector.extract_strided_slice %convert_element_type3A_505 {offsets = [48, 0], sizes = [8, 128], strides = [1, 1]} : vector<128x128xbf16> to vector<8x128xbf16>
    %slice3A_895 = vector.extract_strided_slice %convert_element_type3A_544 {offsets = [48, 0], sizes = [8, 128], strides = [1, 1]} : vector<128x128xbf16> to vector<8x128xbf16>
    %slice3A_896 = vector.extract_strided_slice %convert_element_type3A_583 {offsets = [48, 0], sizes = [8, 128], strides = [1, 1]} : vector<128x128xbf16> to vector<8x128xbf16>
    %slice3A_897 = vector.extract_strided_slice %convert_element_type3A_628 {offsets = [48, 0], sizes = [8, 128], strides = [1, 1]} : vector<128x128xbf16> to vector<8x128xbf16>
    %slice3A_898 = vector.extract_strided_slice %convert_element_type3A_667 {offsets = [48, 0], sizes = [8, 128], strides = [1, 1]} : vector<128x128xbf16> to vector<8x128xbf16>
    %slice3A_899 = vector.extract_strided_slice %convert_element_type3A_706 {offsets = [48, 0], sizes = [8, 128], strides = [1, 1]} : vector<128x128xbf16> to vector<8x128xbf16>
    %slice3A_900 = vector.extract_strided_slice %convert_element_type3A_745 {offsets = [48, 0], sizes = [8, 128], strides = [1, 1]} : vector<128x128xbf16> to vector<8x128xbf16>
    %concatenate3A_901 = tpu.concatenate %slice3A_885, %slice3A_886, %slice3A_887, %slice3A_888, %slice3A_889, %slice3A_890, %slice3A_891, %slice3A_892, %slice3A_893, %slice3A_894, %slice3A_895, %slice3A_896, %slice3A_897, %slice3A_898, %slice3A_899, %slice3A_900 in 0 : vector<8x128xbf16>, vector<8x128xbf16>, vector<8x128xbf16>, vector<8x128xbf16>, vector<8x128xbf16>, vector<8x128xbf16>, vector<8x128xbf16>, vector<8x128xbf16>, vector<8x128xbf16>, vector<8x128xbf16>, vector<8x128xbf16>, vector<8x128xbf16>, vector<8x128xbf16>, vector<8x128xbf16>, vector<8x128xbf16>, vector<8x128xbf16> -> vector<128x128xbf16>
    %get3A_902 = arith.constant 768 : index
    %get3A_903 = arith.constant 0 : index
    %get3A_904 = vector.load %arg8[%get3A_902, %get3A_903] : memref<2048x1024xbf16, #tpu.memory_space<vmem>>, vector<128x1024xbf16>
    %dot_general3A_905 = arith.constant dense<0.000000e+00> : vector<128x1024xf32>
    %dot_general3A_906 = tpu.matmul %concatenate3A_901, %get3A_904, %dot_general3A_905 {dimension_numbers = #tpu.dot_dimension_numbers<[1], [0], [0], [1], [0, 0, 1, 1], [], []>, transpose_lhs_hint = false} : vector<128x128xbf16>, vector<128x1024xbf16>, vector<128x1024xf32> -> vector<128x1024xf32>
    %add3A_907 = arith.addf %add3A_884, %dot_general3A_906 : vector<128x1024xf32>
    %slice3A_908 = vector.extract_strided_slice %convert_element_type3A_142 {offsets = [56, 0], sizes = [8, 128], strides = [1, 1]} : vector<128x128xbf16> to vector<8x128xbf16>
    %slice3A_909 = vector.extract_strided_slice %convert_element_type3A_181 {offsets = [56, 0], sizes = [8, 128], strides = [1, 1]} : vector<128x128xbf16> to vector<8x128xbf16>
    %slice3A_910 = vector.extract_strided_slice %convert_element_type3A_220 {offsets = [56, 0], sizes = [8, 128], strides = [1, 1]} : vector<128x128xbf16> to vector<8x128xbf16>
    %slice3A_911 = vector.extract_strided_slice %convert_element_type3A_259 {offsets = [56, 0], sizes = [8, 128], strides = [1, 1]} : vector<128x128xbf16> to vector<8x128xbf16>
    %slice3A_912 = vector.extract_strided_slice %convert_element_type3A_304 {offsets = [56, 0], sizes = [8, 128], strides = [1, 1]} : vector<128x128xbf16> to vector<8x128xbf16>
    %slice3A_913 = vector.extract_strided_slice %convert_element_type3A_343 {offsets = [56, 0], sizes = [8, 128], strides = [1, 1]} : vector<128x128xbf16> to vector<8x128xbf16>
    %slice3A_914 = vector.extract_strided_slice %convert_element_type3A_382 {offsets = [56, 0], sizes = [8, 128], strides = [1, 1]} : vector<128x128xbf16> to vector<8x128xbf16>
    %slice3A_915 = vector.extract_strided_slice %convert_element_type3A_421 {offsets = [56, 0], sizes = [8, 128], strides = [1, 1]} : vector<128x128xbf16> to vector<8x128xbf16>
    %slice3A_916 = vector.extract_strided_slice %convert_element_type3A_466 {offsets = [56, 0], sizes = [8, 128], strides = [1, 1]} : vector<128x128xbf16> to vector<8x128xbf16>
    %slice3A_917 = vector.extract_strided_slice %convert_element_type3A_505 {offsets = [56, 0], sizes = [8, 128], strides = [1, 1]} : vector<128x128xbf16> to vector<8x128xbf16>
    %slice3A_918 = vector.extract_strided_slice %convert_element_type3A_544 {offsets = [56, 0], sizes = [8, 128], strides = [1, 1]} : vector<128x128xbf16> to vector<8x128xbf16>
    %slice3A_919 = vector.extract_strided_slice %convert_element_type3A_583 {offsets = [56, 0], sizes = [8, 128], strides = [1, 1]} : vector<128x128xbf16> to vector<8x128xbf16>
    %slice3A_920 = vector.extract_strided_slice %convert_element_type3A_628 {offsets = [56, 0], sizes = [8, 128], strides = [1, 1]} : vector<128x128xbf16> to vector<8x128xbf16>
    %slice3A_921 = vector.extract_strided_slice %convert_element_type3A_667 {offsets = [56, 0], sizes = [8, 128], strides = [1, 1]} : vector<128x128xbf16> to vector<8x128xbf16>
    %slice3A_922 = vector.extract_strided_slice %convert_element_type3A_706 {offsets = [56, 0], sizes = [8, 128], strides = [1, 1]} : vector<128x128xbf16> to vector<8x128xbf16>
    %slice3A_923 = vector.extract_strided_slice %convert_element_type3A_745 {offsets = [56, 0], sizes = [8, 128], strides = [1, 1]} : vector<128x128xbf16> to vector<8x128xbf16>
    %concatenate3A_924 = tpu.concatenate %slice3A_908, %slice3A_909, %slice3A_910, %slice3A_911, %slice3A_912, %slice3A_913, %slice3A_914, %slice3A_915, %slice3A_916, %slice3A_917, %slice3A_918, %slice3A_919, %slice3A_920, %slice3A_921, %slice3A_922, %slice3A_923 in 0 : vector<8x128xbf16>, vector<8x128xbf16>, vector<8x128xbf16>, vector<8x128xbf16>, vector<8x128xbf16>, vector<8x128xbf16>, vector<8x128xbf16>, vector<8x128xbf16>, vector<8x128xbf16>, vector<8x128xbf16>, vector<8x128xbf16>, vector<8x128xbf16>, vector<8x128xbf16>, vector<8x128xbf16>, vector<8x128xbf16>, vector<8x128xbf16> -> vector<128x128xbf16>
    %get3A_925 = arith.constant 896 : index
    %get3A_926 = arith.constant 0 : index
    %get3A_927 = vector.load %arg8[%get3A_925, %get3A_926] : memref<2048x1024xbf16, #tpu.memory_space<vmem>>, vector<128x1024xbf16>
    %dot_general3A_928 = arith.constant dense<0.000000e+00> : vector<128x1024xf32>
    %dot_general3A_929 = tpu.matmul %concatenate3A_924, %get3A_927, %dot_general3A_928 {dimension_numbers = #tpu.dot_dimension_numbers<[1], [0], [0], [1], [0, 0, 1, 1], [], []>, transpose_lhs_hint = false} : vector<128x128xbf16>, vector<128x1024xbf16>, vector<128x1024xf32> -> vector<128x1024xf32>
    %add3A_930 = arith.addf %add3A_907, %dot_general3A_929 : vector<128x1024xf32>
    %slice3A_931 = vector.extract_strided_slice %convert_element_type3A_142 {offsets = [64, 0], sizes = [8, 128], strides = [1, 1]} : vector<128x128xbf16> to vector<8x128xbf16>
    %slice3A_932 = vector.extract_strided_slice %convert_element_type3A_181 {offsets = [64, 0], sizes = [8, 128], strides = [1, 1]} : vector<128x128xbf16> to vector<8x128xbf16>
    %slice3A_933 = vector.extract_strided_slice %convert_element_type3A_220 {offsets = [64, 0], sizes = [8, 128], strides = [1, 1]} : vector<128x128xbf16> to vector<8x128xbf16>
    %slice3A_934 = vector.extract_strided_slice %convert_element_type3A_259 {offsets = [64, 0], sizes = [8, 128], strides = [1, 1]} : vector<128x128xbf16> to vector<8x128xbf16>
    %slice3A_935 = vector.extract_strided_slice %convert_element_type3A_304 {offsets = [64, 0], sizes = [8, 128], strides = [1, 1]} : vector<128x128xbf16> to vector<8x128xbf16>
    %slice3A_936 = vector.extract_strided_slice %convert_element_type3A_343 {offsets = [64, 0], sizes = [8, 128], strides = [1, 1]} : vector<128x128xbf16> to vector<8x128xbf16>
    %slice3A_937 = vector.extract_strided_slice %convert_element_type3A_382 {offsets = [64, 0], sizes = [8, 128], strides = [1, 1]} : vector<128x128xbf16> to vector<8x128xbf16>
    %slice3A_938 = vector.extract_strided_slice %convert_element_type3A_421 {offsets = [64, 0], sizes = [8, 128], strides = [1, 1]} : vector<128x128xbf16> to vector<8x128xbf16>
    %slice3A_939 = vector.extract_strided_slice %convert_element_type3A_466 {offsets = [64, 0], sizes = [8, 128], strides = [1, 1]} : vector<128x128xbf16> to vector<8x128xbf16>
    %slice3A_940 = vector.extract_strided_slice %convert_element_type3A_505 {offsets = [64, 0], sizes = [8, 128], strides = [1, 1]} : vector<128x128xbf16> to vector<8x128xbf16>
    %slice3A_941 = vector.extract_strided_slice %convert_element_type3A_544 {offsets = [64, 0], sizes = [8, 128], strides = [1, 1]} : vector<128x128xbf16> to vector<8x128xbf16>
    %slice3A_942 = vector.extract_strided_slice %convert_element_type3A_583 {offsets = [64, 0], sizes = [8, 128], strides = [1, 1]} : vector<128x128xbf16> to vector<8x128xbf16>
    %slice3A_943 = vector.extract_strided_slice %convert_element_type3A_628 {offsets = [64, 0], sizes = [8, 128], strides = [1, 1]} : vector<128x128xbf16> to vector<8x128xbf16>
    %slice3A_944 = vector.extract_strided_slice %convert_element_type3A_667 {offsets = [64, 0], sizes = [8, 128], strides = [1, 1]} : vector<128x128xbf16> to vector<8x128xbf16>
    %slice3A_945 = vector.extract_strided_slice %convert_element_type3A_706 {offsets = [64, 0], sizes = [8, 128], strides = [1, 1]} : vector<128x128xbf16> to vector<8x128xbf16>
    %slice3A_946 = vector.extract_strided_slice %convert_element_type3A_745 {offsets = [64, 0], sizes = [8, 128], strides = [1, 1]} : vector<128x128xbf16> to vector<8x128xbf16>
    %concatenate3A_947 = tpu.concatenate %slice3A_931, %slice3A_932, %slice3A_933, %slice3A_934, %slice3A_935, %slice3A_936, %slice3A_937, %slice3A_938, %slice3A_939, %slice3A_940, %slice3A_941, %slice3A_942, %slice3A_943, %slice3A_944, %slice3A_945, %slice3A_946 in 0 : vector<8x128xbf16>, vector<8x128xbf16>, vector<8x128xbf16>, vector<8x128xbf16>, vector<8x128xbf16>, vector<8x128xbf16>, vector<8x128xbf16>, vector<8x128xbf16>, vector<8x128xbf16>, vector<8x128xbf16>, vector<8x128xbf16>, vector<8x128xbf16>, vector<8x128xbf16>, vector<8x128xbf16>, vector<8x128xbf16>, vector<8x128xbf16> -> vector<128x128xbf16>
    %get3A_948 = arith.constant 1024 : index
    %get3A_949 = arith.constant 0 : index
    %get3A_950 = vector.load %arg8[%get3A_948, %get3A_949] : memref<2048x1024xbf16, #tpu.memory_space<vmem>>, vector<128x1024xbf16>
    %dot_general3A_951 = arith.constant dense<0.000000e+00> : vector<128x1024xf32>
    %dot_general3A_952 = tpu.matmul %concatenate3A_947, %get3A_950, %dot_general3A_951 {dimension_numbers = #tpu.dot_dimension_numbers<[1], [0], [0], [1], [0, 0, 1, 1], [], []>, transpose_lhs_hint = false} : vector<128x128xbf16>, vector<128x1024xbf16>, vector<128x1024xf32> -> vector<128x1024xf32>
    %add3A_953 = arith.addf %add3A_930, %dot_general3A_952 : vector<128x1024xf32>
    %slice3A_954 = vector.extract_strided_slice %convert_element_type3A_142 {offsets = [72, 0], sizes = [8, 128], strides = [1, 1]} : vector<128x128xbf16> to vector<8x128xbf16>
    %slice3A_955 = vector.extract_strided_slice %convert_element_type3A_181 {offsets = [72, 0], sizes = [8, 128], strides = [1, 1]} : vector<128x128xbf16> to vector<8x128xbf16>
    %slice3A_956 = vector.extract_strided_slice %convert_element_type3A_220 {offsets = [72, 0], sizes = [8, 128], strides = [1, 1]} : vector<128x128xbf16> to vector<8x128xbf16>
    %slice3A_957 = vector.extract_strided_slice %convert_element_type3A_259 {offsets = [72, 0], sizes = [8, 128], strides = [1, 1]} : vector<128x128xbf16> to vector<8x128xbf16>
    %slice3A_958 = vector.extract_strided_slice %convert_element_type3A_304 {offsets = [72, 0], sizes = [8, 128], strides = [1, 1]} : vector<128x128xbf16> to vector<8x128xbf16>
    %slice3A_959 = vector.extract_strided_slice %convert_element_type3A_343 {offsets = [72, 0], sizes = [8, 128], strides = [1, 1]} : vector<128x128xbf16> to vector<8x128xbf16>
    %slice3A_960 = vector.extract_strided_slice %convert_element_type3A_382 {offsets = [72, 0], sizes = [8, 128], strides = [1, 1]} : vector<128x128xbf16> to vector<8x128xbf16>
    %slice3A_961 = vector.extract_strided_slice %convert_element_type3A_421 {offsets = [72, 0], sizes = [8, 128], strides = [1, 1]} : vector<128x128xbf16> to vector<8x128xbf16>
    %slice3A_962 = vector.extract_strided_slice %convert_element_type3A_466 {offsets = [72, 0], sizes = [8, 128], strides = [1, 1]} : vector<128x128xbf16> to vector<8x128xbf16>
    %slice3A_963 = vector.extract_strided_slice %convert_element_type3A_505 {offsets = [72, 0], sizes = [8, 128], strides = [1, 1]} : vector<128x128xbf16> to vector<8x128xbf16>
    %slice3A_964 = vector.extract_strided_slice %convert_element_type3A_544 {offsets = [72, 0], sizes = [8, 128], strides = [1, 1]} : vector<128x128xbf16> to vector<8x128xbf16>
    %slice3A_965 = vector.extract_strided_slice %convert_element_type3A_583 {offsets = [72, 0], sizes = [8, 128], strides = [1, 1]} : vector<128x128xbf16> to vector<8x128xbf16>
    %slice3A_966 = vector.extract_strided_slice %convert_element_type3A_628 {offsets = [72, 0], sizes = [8, 128], strides = [1, 1]} : vector<128x128xbf16> to vector<8x128xbf16>
    %slice3A_967 = vector.extract_strided_slice %convert_element_type3A_667 {offsets = [72, 0], sizes = [8, 128], strides = [1, 1]} : vector<128x128xbf16> to vector<8x128xbf16>
    %slice3A_968 = vector.extract_strided_slice %convert_element_type3A_706 {offsets = [72, 0], sizes = [8, 128], strides = [1, 1]} : vector<128x128xbf16> to vector<8x128xbf16>
    %slice3A_969 = vector.extract_strided_slice %convert_element_type3A_745 {offsets = [72, 0], sizes = [8, 128], strides = [1, 1]} : vector<128x128xbf16> to vector<8x128xbf16>
    %concatenate3A_970 = tpu.concatenate %slice3A_954, %slice3A_955, %slice3A_956, %slice3A_957, %slice3A_958, %slice3A_959, %slice3A_960, %slice3A_961, %slice3A_962, %slice3A_963, %slice3A_964, %slice3A_965, %slice3A_966, %slice3A_967, %slice3A_968, %slice3A_969 in 0 : vector<8x128xbf16>, vector<8x128xbf16>, vector<8x128xbf16>, vector<8x128xbf16>, vector<8x128xbf16>, vector<8x128xbf16>, vector<8x128xbf16>, vector<8x128xbf16>, vector<8x128xbf16>, vector<8x128xbf16>, vector<8x128xbf16>, vector<8x128xbf16>, vector<8x128xbf16>, vector<8x128xbf16>, vector<8x128xbf16>, vector<8x128xbf16> -> vector<128x128xbf16>
    %get3A_971 = arith.constant 1152 : index
    %get3A_972 = arith.constant 0 : index
    %get3A_973 = vector.load %arg8[%get3A_971, %get3A_972] : memref<2048x1024xbf16, #tpu.memory_space<vmem>>, vector<128x1024xbf16>
    %dot_general3A_974 = arith.constant dense<0.000000e+00> : vector<128x1024xf32>
    %dot_general3A_975 = tpu.matmul %concatenate3A_970, %get3A_973, %dot_general3A_974 {dimension_numbers = #tpu.dot_dimension_numbers<[1], [0], [0], [1], [0, 0, 1, 1], [], []>, transpose_lhs_hint = false} : vector<128x128xbf16>, vector<128x1024xbf16>, vector<128x1024xf32> -> vector<128x1024xf32>
    %add3A_976 = arith.addf %add3A_953, %dot_general3A_975 : vector<128x1024xf32>
    %slice3A_977 = vector.extract_strided_slice %convert_element_type3A_142 {offsets = [80, 0], sizes = [8, 128], strides = [1, 1]} : vector<128x128xbf16> to vector<8x128xbf16>
    %slice3A_978 = vector.extract_strided_slice %convert_element_type3A_181 {offsets = [80, 0], sizes = [8, 128], strides = [1, 1]} : vector<128x128xbf16> to vector<8x128xbf16>
    %slice3A_979 = vector.extract_strided_slice %convert_element_type3A_220 {offsets = [80, 0], sizes = [8, 128], strides = [1, 1]} : vector<128x128xbf16> to vector<8x128xbf16>
    %slice3A_980 = vector.extract_strided_slice %convert_element_type3A_259 {offsets = [80, 0], sizes = [8, 128], strides = [1, 1]} : vector<128x128xbf16> to vector<8x128xbf16>
    %slice3A_981 = vector.extract_strided_slice %convert_element_type3A_304 {offsets = [80, 0], sizes = [8, 128], strides = [1, 1]} : vector<128x128xbf16> to vector<8x128xbf16>
    %slice3A_982 = vector.extract_strided_slice %convert_element_type3A_343 {offsets = [80, 0], sizes = [8, 128], strides = [1, 1]} : vector<128x128xbf16> to vector<8x128xbf16>
    %slice3A_983 = vector.extract_strided_slice %convert_element_type3A_382 {offsets = [80, 0], sizes = [8, 128], strides = [1, 1]} : vector<128x128xbf16> to vector<8x128xbf16>
    %slice3A_984 = vector.extract_strided_slice %convert_element_type3A_421 {offsets = [80, 0], sizes = [8, 128], strides = [1, 1]} : vector<128x128xbf16> to vector<8x128xbf16>
    %slice3A_985 = vector.extract_strided_slice %convert_element_type3A_466 {offsets = [80, 0], sizes = [8, 128], strides = [1, 1]} : vector<128x128xbf16> to vector<8x128xbf16>
    %slice3A_986 = vector.extract_strided_slice %convert_element_type3A_505 {offsets = [80, 0], sizes = [8, 128], strides = [1, 1]} : vector<128x128xbf16> to vector<8x128xbf16>
    %slice3A_987 = vector.extract_strided_slice %convert_element_type3A_544 {offsets = [80, 0], sizes = [8, 128], strides = [1, 1]} : vector<128x128xbf16> to vector<8x128xbf16>
    %slice3A_988 = vector.extract_strided_slice %convert_element_type3A_583 {offsets = [80, 0], sizes = [8, 128], strides = [1, 1]} : vector<128x128xbf16> to vector<8x128xbf16>
    %slice3A_989 = vector.extract_strided_slice %convert_element_type3A_628 {offsets = [80, 0], sizes = [8, 128], strides = [1, 1]} : vector<128x128xbf16> to vector<8x128xbf16>
    %slice3A_990 = vector.extract_strided_slice %convert_element_type3A_667 {offsets = [80, 0], sizes = [8, 128], strides = [1, 1]} : vector<128x128xbf16> to vector<8x128xbf16>
    %slice3A_991 = vector.extract_strided_slice %convert_element_type3A_706 {offsets = [80, 0], sizes = [8, 128], strides = [1, 1]} : vector<128x128xbf16> to vector<8x128xbf16>
    %slice3A_992 = vector.extract_strided_slice %convert_element_type3A_745 {offsets = [80, 0], sizes = [8, 128], strides = [1, 1]} : vector<128x128xbf16> to vector<8x128xbf16>
    %concatenate3A_993 = tpu.concatenate %slice3A_977, %slice3A_978, %slice3A_979, %slice3A_980, %slice3A_981, %slice3A_982, %slice3A_983, %slice3A_984, %slice3A_985, %slice3A_986, %slice3A_987, %slice3A_988, %slice3A_989, %slice3A_990, %slice3A_991, %slice3A_992 in 0 : vector<8x128xbf16>, vector<8x128xbf16>, vector<8x128xbf16>, vector<8x128xbf16>, vector<8x128xbf16>, vector<8x128xbf16>, vector<8x128xbf16>, vector<8x128xbf16>, vector<8x128xbf16>, vector<8x128xbf16>, vector<8x128xbf16>, vector<8x128xbf16>, vector<8x128xbf16>, vector<8x128xbf16>, vector<8x128xbf16>, vector<8x128xbf16> -> vector<128x128xbf16>
    %get3A_994 = arith.constant 1280 : index
    %get3A_995 = arith.constant 0 : index
    %get3A_996 = vector.load %arg8[%get3A_994, %get3A_995] : memref<2048x1024xbf16, #tpu.memory_space<vmem>>, vector<128x1024xbf16>
    %dot_general3A_997 = arith.constant dense<0.000000e+00> : vector<128x1024xf32>
    %dot_general3A_998 = tpu.matmul %concatenate3A_993, %get3A_996, %dot_general3A_997 {dimension_numbers = #tpu.dot_dimension_numbers<[1], [0], [0], [1], [0, 0, 1, 1], [], []>, transpose_lhs_hint = false} : vector<128x128xbf16>, vector<128x1024xbf16>, vector<128x1024xf32> -> vector<128x1024xf32>
    %add3A_999 = arith.addf %add3A_976, %dot_general3A_998 : vector<128x1024xf32>
    %slice3A_1000 = vector.extract_strided_slice %convert_element_type3A_142 {offsets = [88, 0], sizes = [8, 128], strides = [1, 1]} : vector<128x128xbf16> to vector<8x128xbf16>
    %slice3A_1001 = vector.extract_strided_slice %convert_element_type3A_181 {offsets = [88, 0], sizes = [8, 128], strides = [1, 1]} : vector<128x128xbf16> to vector<8x128xbf16>
    %slice3A_1002 = vector.extract_strided_slice %convert_element_type3A_220 {offsets = [88, 0], sizes = [8, 128], strides = [1, 1]} : vector<128x128xbf16> to vector<8x128xbf16>
    %slice3A_1003 = vector.extract_strided_slice %convert_element_type3A_259 {offsets = [88, 0], sizes = [8, 128], strides = [1, 1]} : vector<128x128xbf16> to vector<8x128xbf16>
    %slice3A_1004 = vector.extract_strided_slice %convert_element_type3A_304 {offsets = [88, 0], sizes = [8, 128], strides = [1, 1]} : vector<128x128xbf16> to vector<8x128xbf16>
    %slice3A_1005 = vector.extract_strided_slice %convert_element_type3A_343 {offsets = [88, 0], sizes = [8, 128], strides = [1, 1]} : vector<128x128xbf16> to vector<8x128xbf16>
    %slice3A_1006 = vector.extract_strided_slice %convert_element_type3A_382 {offsets = [88, 0], sizes = [8, 128], strides = [1, 1]} : vector<128x128xbf16> to vector<8x128xbf16>
    %slice3A_1007 = vector.extract_strided_slice %convert_element_type3A_421 {offsets = [88, 0], sizes = [8, 128], strides = [1, 1]} : vector<128x128xbf16> to vector<8x128xbf16>
    %slice3A_1008 = vector.extract_strided_slice %convert_element_type3A_466 {offsets = [88, 0], sizes = [8, 128], strides = [1, 1]} : vector<128x128xbf16> to vector<8x128xbf16>
    %slice3A_1009 = vector.extract_strided_slice %convert_element_type3A_505 {offsets = [88, 0], sizes = [8, 128], strides = [1, 1]} : vector<128x128xbf16> to vector<8x128xbf16>
    %slice3A_1010 = vector.extract_strided_slice %convert_element_type3A_544 {offsets = [88, 0], sizes = [8, 128], strides = [1, 1]} : vector<128x128xbf16> to vector<8x128xbf16>
    %slice3A_1011 = vector.extract_strided_slice %convert_element_type3A_583 {offsets = [88, 0], sizes = [8, 128], strides = [1, 1]} : vector<128x128xbf16> to vector<8x128xbf16>
    %slice3A_1012 = vector.extract_strided_slice %convert_element_type3A_628 {offsets = [88, 0], sizes = [8, 128], strides = [1, 1]} : vector<128x128xbf16> to vector<8x128xbf16>
    %slice3A_1013 = vector.extract_strided_slice %convert_element_type3A_667 {offsets = [88, 0], sizes = [8, 128], strides = [1, 1]} : vector<128x128xbf16> to vector<8x128xbf16>
    %slice3A_1014 = vector.extract_strided_slice %convert_element_type3A_706 {offsets = [88, 0], sizes = [8, 128], strides = [1, 1]} : vector<128x128xbf16> to vector<8x128xbf16>
    %slice3A_1015 = vector.extract_strided_slice %convert_element_type3A_745 {offsets = [88, 0], sizes = [8, 128], strides = [1, 1]} : vector<128x128xbf16> to vector<8x128xbf16>
    %concatenate3A_1016 = tpu.concatenate %slice3A_1000, %slice3A_1001, %slice3A_1002, %slice3A_1003, %slice3A_1004, %slice3A_1005, %slice3A_1006, %slice3A_1007, %slice3A_1008, %slice3A_1009, %slice3A_1010, %slice3A_1011, %slice3A_1012, %slice3A_1013, %slice3A_1014, %slice3A_1015 in 0 : vector<8x128xbf16>, vector<8x128xbf16>, vector<8x128xbf16>, vector<8x128xbf16>, vector<8x128xbf16>, vector<8x128xbf16>, vector<8x128xbf16>, vector<8x128xbf16>, vector<8x128xbf16>, vector<8x128xbf16>, vector<8x128xbf16>, vector<8x128xbf16>, vector<8x128xbf16>, vector<8x128xbf16>, vector<8x128xbf16>, vector<8x128xbf16> -> vector<128x128xbf16>
    %get3A_1017 = arith.constant 1408 : index
    %get3A_1018 = arith.constant 0 : index
    %get3A_1019 = vector.load %arg8[%get3A_1017, %get3A_1018] : memref<2048x1024xbf16, #tpu.memory_space<vmem>>, vector<128x1024xbf16>
    %dot_general3A_1020 = arith.constant dense<0.000000e+00> : vector<128x1024xf32>
    %dot_general3A_1021 = tpu.matmul %concatenate3A_1016, %get3A_1019, %dot_general3A_1020 {dimension_numbers = #tpu.dot_dimension_numbers<[1], [0], [0], [1], [0, 0, 1, 1], [], []>, transpose_lhs_hint = false} : vector<128x128xbf16>, vector<128x1024xbf16>, vector<128x1024xf32> -> vector<128x1024xf32>
    %add3A_1022 = arith.addf %add3A_999, %dot_general3A_1021 : vector<128x1024xf32>
    %slice3A_1023 = vector.extract_strided_slice %convert_element_type3A_142 {offsets = [96, 0], sizes = [8, 128], strides = [1, 1]} : vector<128x128xbf16> to vector<8x128xbf16>
    %slice3A_1024 = vector.extract_strided_slice %convert_element_type3A_181 {offsets = [96, 0], sizes = [8, 128], strides = [1, 1]} : vector<128x128xbf16> to vector<8x128xbf16>
    %slice3A_1025 = vector.extract_strided_slice %convert_element_type3A_220 {offsets = [96, 0], sizes = [8, 128], strides = [1, 1]} : vector<128x128xbf16> to vector<8x128xbf16>
    %slice3A_1026 = vector.extract_strided_slice %convert_element_type3A_259 {offsets = [96, 0], sizes = [8, 128], strides = [1, 1]} : vector<128x128xbf16> to vector<8x128xbf16>
    %slice3A_1027 = vector.extract_strided_slice %convert_element_type3A_304 {offsets = [96, 0], sizes = [8, 128], strides = [1, 1]} : vector<128x128xbf16> to vector<8x128xbf16>
    %slice3A_1028 = vector.extract_strided_slice %convert_element_type3A_343 {offsets = [96, 0], sizes = [8, 128], strides = [1, 1]} : vector<128x128xbf16> to vector<8x128xbf16>
    %slice3A_1029 = vector.extract_strided_slice %convert_element_type3A_382 {offsets = [96, 0], sizes = [8, 128], strides = [1, 1]} : vector<128x128xbf16> to vector<8x128xbf16>
    %slice3A_1030 = vector.extract_strided_slice %convert_element_type3A_421 {offsets = [96, 0], sizes = [8, 128], strides = [1, 1]} : vector<128x128xbf16> to vector<8x128xbf16>
    %slice3A_1031 = vector.extract_strided_slice %convert_element_type3A_466 {offsets = [96, 0], sizes = [8, 128], strides = [1, 1]} : vector<128x128xbf16> to vector<8x128xbf16>
    %slice3A_1032 = vector.extract_strided_slice %convert_element_type3A_505 {offsets = [96, 0], sizes = [8, 128], strides = [1, 1]} : vector<128x128xbf16> to vector<8x128xbf16>
    %slice3A_1033 = vector.extract_strided_slice %convert_element_type3A_544 {offsets = [96, 0], sizes = [8, 128], strides = [1, 1]} : vector<128x128xbf16> to vector<8x128xbf16>
    %slice3A_1034 = vector.extract_strided_slice %convert_element_type3A_583 {offsets = [96, 0], sizes = [8, 128], strides = [1, 1]} : vector<128x128xbf16> to vector<8x128xbf16>
    %slice3A_1035 = vector.extract_strided_slice %convert_element_type3A_628 {offsets = [96, 0], sizes = [8, 128], strides = [1, 1]} : vector<128x128xbf16> to vector<8x128xbf16>
    %slice3A_1036 = vector.extract_strided_slice %convert_element_type3A_667 {offsets = [96, 0], sizes = [8, 128], strides = [1, 1]} : vector<128x128xbf16> to vector<8x128xbf16>
    %slice3A_1037 = vector.extract_strided_slice %convert_element_type3A_706 {offsets = [96, 0], sizes = [8, 128], strides = [1, 1]} : vector<128x128xbf16> to vector<8x128xbf16>
    %slice3A_1038 = vector.extract_strided_slice %convert_element_type3A_745 {offsets = [96, 0], sizes = [8, 128], strides = [1, 1]} : vector<128x128xbf16> to vector<8x128xbf16>
    %concatenate3A_1039 = tpu.concatenate %slice3A_1023, %slice3A_1024, %slice3A_1025, %slice3A_1026, %slice3A_1027, %slice3A_1028, %slice3A_1029, %slice3A_1030, %slice3A_1031, %slice3A_1032, %slice3A_1033, %slice3A_1034, %slice3A_1035, %slice3A_1036, %slice3A_1037, %slice3A_1038 in 0 : vector<8x128xbf16>, vector<8x128xbf16>, vector<8x128xbf16>, vector<8x128xbf16>, vector<8x128xbf16>, vector<8x128xbf16>, vector<8x128xbf16>, vector<8x128xbf16>, vector<8x128xbf16>, vector<8x128xbf16>, vector<8x128xbf16>, vector<8x128xbf16>, vector<8x128xbf16>, vector<8x128xbf16>, vector<8x128xbf16>, vector<8x128xbf16> -> vector<128x128xbf16>
    %get3A_1040 = arith.constant 1536 : index
    %get3A_1041 = arith.constant 0 : index
    %get3A_1042 = vector.load %arg8[%get3A_1040, %get3A_1041] : memref<2048x1024xbf16, #tpu.memory_space<vmem>>, vector<128x1024xbf16>
    %dot_general3A_1043 = arith.constant dense<0.000000e+00> : vector<128x1024xf32>
    %dot_general3A_1044 = tpu.matmul %concatenate3A_1039, %get3A_1042, %dot_general3A_1043 {dimension_numbers = #tpu.dot_dimension_numbers<[1], [0], [0], [1], [0, 0, 1, 1], [], []>, transpose_lhs_hint = false} : vector<128x128xbf16>, vector<128x1024xbf16>, vector<128x1024xf32> -> vector<128x1024xf32>
    %add3A_1045 = arith.addf %add3A_1022, %dot_general3A_1044 : vector<128x1024xf32>
    %slice3A_1046 = vector.extract_strided_slice %convert_element_type3A_142 {offsets = [104, 0], sizes = [8, 128], strides = [1, 1]} : vector<128x128xbf16> to vector<8x128xbf16>
    %slice3A_1047 = vector.extract_strided_slice %convert_element_type3A_181 {offsets = [104, 0], sizes = [8, 128], strides = [1, 1]} : vector<128x128xbf16> to vector<8x128xbf16>
    %slice3A_1048 = vector.extract_strided_slice %convert_element_type3A_220 {offsets = [104, 0], sizes = [8, 128], strides = [1, 1]} : vector<128x128xbf16> to vector<8x128xbf16>
    %slice3A_1049 = vector.extract_strided_slice %convert_element_type3A_259 {offsets = [104, 0], sizes = [8, 128], strides = [1, 1]} : vector<128x128xbf16> to vector<8x128xbf16>
    %slice3A_1050 = vector.extract_strided_slice %convert_element_type3A_304 {offsets = [104, 0], sizes = [8, 128], strides = [1, 1]} : vector<128x128xbf16> to vector<8x128xbf16>
    %slice3A_1051 = vector.extract_strided_slice %convert_element_type3A_343 {offsets = [104, 0], sizes = [8, 128], strides = [1, 1]} : vector<128x128xbf16> to vector<8x128xbf16>
    %slice3A_1052 = vector.extract_strided_slice %convert_element_type3A_382 {offsets = [104, 0], sizes = [8, 128], strides = [1, 1]} : vector<128x128xbf16> to vector<8x128xbf16>
    %slice3A_1053 = vector.extract_strided_slice %convert_element_type3A_421 {offsets = [104, 0], sizes = [8, 128], strides = [1, 1]} : vector<128x128xbf16> to vector<8x128xbf16>
    %slice3A_1054 = vector.extract_strided_slice %convert_element_type3A_466 {offsets = [104, 0], sizes = [8, 128], strides = [1, 1]} : vector<128x128xbf16> to vector<8x128xbf16>
    %slice3A_1055 = vector.extract_strided_slice %convert_element_type3A_505 {offsets = [104, 0], sizes = [8, 128], strides = [1, 1]} : vector<128x128xbf16> to vector<8x128xbf16>
    %slice3A_1056 = vector.extract_strided_slice %convert_element_type3A_544 {offsets = [104, 0], sizes = [8, 128], strides = [1, 1]} : vector<128x128xbf16> to vector<8x128xbf16>
    %slice3A_1057 = vector.extract_strided_slice %convert_element_type3A_583 {offsets = [104, 0], sizes = [8, 128], strides = [1, 1]} : vector<128x128xbf16> to vector<8x128xbf16>
    %slice3A_1058 = vector.extract_strided_slice %convert_element_type3A_628 {offsets = [104, 0], sizes = [8, 128], strides = [1, 1]} : vector<128x128xbf16> to vector<8x128xbf16>
    %slice3A_1059 = vector.extract_strided_slice %convert_element_type3A_667 {offsets = [104, 0], sizes = [8, 128], strides = [1, 1]} : vector<128x128xbf16> to vector<8x128xbf16>
    %slice3A_1060 = vector.extract_strided_slice %convert_element_type3A_706 {offsets = [104, 0], sizes = [8, 128], strides = [1, 1]} : vector<128x128xbf16> to vector<8x128xbf16>
    %slice3A_1061 = vector.extract_strided_slice %convert_element_type3A_745 {offsets = [104, 0], sizes = [8, 128], strides = [1, 1]} : vector<128x128xbf16> to vector<8x128xbf16>
    %concatenate3A_1062 = tpu.concatenate %slice3A_1046, %slice3A_1047, %slice3A_1048, %slice3A_1049, %slice3A_1050, %slice3A_1051, %slice3A_1052, %slice3A_1053, %slice3A_1054, %slice3A_1055, %slice3A_1056, %slice3A_1057, %slice3A_1058, %slice3A_1059, %slice3A_1060, %slice3A_1061 in 0 : vector<8x128xbf16>, vector<8x128xbf16>, vector<8x128xbf16>, vector<8x128xbf16>, vector<8x128xbf16>, vector<8x128xbf16>, vector<8x128xbf16>, vector<8x128xbf16>, vector<8x128xbf16>, vector<8x128xbf16>, vector<8x128xbf16>, vector<8x128xbf16>, vector<8x128xbf16>, vector<8x128xbf16>, vector<8x128xbf16>, vector<8x128xbf16> -> vector<128x128xbf16>
    %get3A_1063 = arith.constant 1664 : index
    %get3A_1064 = arith.constant 0 : index
    %get3A_1065 = vector.load %arg8[%get3A_1063, %get3A_1064] : memref<2048x1024xbf16, #tpu.memory_space<vmem>>, vector<128x1024xbf16>
    %dot_general3A_1066 = arith.constant dense<0.000000e+00> : vector<128x1024xf32>
    %dot_general3A_1067 = tpu.matmul %concatenate3A_1062, %get3A_1065, %dot_general3A_1066 {dimension_numbers = #tpu.dot_dimension_numbers<[1], [0], [0], [1], [0, 0, 1, 1], [], []>, transpose_lhs_hint = false} : vector<128x128xbf16>, vector<128x1024xbf16>, vector<128x1024xf32> -> vector<128x1024xf32>
    %add3A_1068 = arith.addf %add3A_1045, %dot_general3A_1067 : vector<128x1024xf32>
    %slice3A_1069 = vector.extract_strided_slice %convert_element_type3A_142 {offsets = [112, 0], sizes = [8, 128], strides = [1, 1]} : vector<128x128xbf16> to vector<8x128xbf16>
    %slice3A_1070 = vector.extract_strided_slice %convert_element_type3A_181 {offsets = [112, 0], sizes = [8, 128], strides = [1, 1]} : vector<128x128xbf16> to vector<8x128xbf16>
    %slice3A_1071 = vector.extract_strided_slice %convert_element_type3A_220 {offsets = [112, 0], sizes = [8, 128], strides = [1, 1]} : vector<128x128xbf16> to vector<8x128xbf16>
    %slice3A_1072 = vector.extract_strided_slice %convert_element_type3A_259 {offsets = [112, 0], sizes = [8, 128], strides = [1, 1]} : vector<128x128xbf16> to vector<8x128xbf16>
    %slice3A_1073 = vector.extract_strided_slice %convert_element_type3A_304 {offsets = [112, 0], sizes = [8, 128], strides = [1, 1]} : vector<128x128xbf16> to vector<8x128xbf16>
    %slice3A_1074 = vector.extract_strided_slice %convert_element_type3A_343 {offsets = [112, 0], sizes = [8, 128], strides = [1, 1]} : vector<128x128xbf16> to vector<8x128xbf16>
    %slice3A_1075 = vector.extract_strided_slice %convert_element_type3A_382 {offsets = [112, 0], sizes = [8, 128], strides = [1, 1]} : vector<128x128xbf16> to vector<8x128xbf16>
    %slice3A_1076 = vector.extract_strided_slice %convert_element_type3A_421 {offsets = [112, 0], sizes = [8, 128], strides = [1, 1]} : vector<128x128xbf16> to vector<8x128xbf16>
    %slice3A_1077 = vector.extract_strided_slice %convert_element_type3A_466 {offsets = [112, 0], sizes = [8, 128], strides = [1, 1]} : vector<128x128xbf16> to vector<8x128xbf16>
    %slice3A_1078 = vector.extract_strided_slice %convert_element_type3A_505 {offsets = [112, 0], sizes = [8, 128], strides = [1, 1]} : vector<128x128xbf16> to vector<8x128xbf16>
    %slice3A_1079 = vector.extract_strided_slice %convert_element_type3A_544 {offsets = [112, 0], sizes = [8, 128], strides = [1, 1]} : vector<128x128xbf16> to vector<8x128xbf16>
    %slice3A_1080 = vector.extract_strided_slice %convert_element_type3A_583 {offsets = [112, 0], sizes = [8, 128], strides = [1, 1]} : vector<128x128xbf16> to vector<8x128xbf16>
    %slice3A_1081 = vector.extract_strided_slice %convert_element_type3A_628 {offsets = [112, 0], sizes = [8, 128], strides = [1, 1]} : vector<128x128xbf16> to vector<8x128xbf16>
    %slice3A_1082 = vector.extract_strided_slice %convert_element_type3A_667 {offsets = [112, 0], sizes = [8, 128], strides = [1, 1]} : vector<128x128xbf16> to vector<8x128xbf16>
    %slice3A_1083 = vector.extract_strided_slice %convert_element_type3A_706 {offsets = [112, 0], sizes = [8, 128], strides = [1, 1]} : vector<128x128xbf16> to vector<8x128xbf16>
    %slice3A_1084 = vector.extract_strided_slice %convert_element_type3A_745 {offsets = [112, 0], sizes = [8, 128], strides = [1, 1]} : vector<128x128xbf16> to vector<8x128xbf16>
    %concatenate3A_1085 = tpu.concatenate %slice3A_1069, %slice3A_1070, %slice3A_1071, %slice3A_1072, %slice3A_1073, %slice3A_1074, %slice3A_1075, %slice3A_1076, %slice3A_1077, %slice3A_1078, %slice3A_1079, %slice3A_1080, %slice3A_1081, %slice3A_1082, %slice3A_1083, %slice3A_1084 in 0 : vector<8x128xbf16>, vector<8x128xbf16>, vector<8x128xbf16>, vector<8x128xbf16>, vector<8x128xbf16>, vector<8x128xbf16>, vector<8x128xbf16>, vector<8x128xbf16>, vector<8x128xbf16>, vector<8x128xbf16>, vector<8x128xbf16>, vector<8x128xbf16>, vector<8x128xbf16>, vector<8x128xbf16>, vector<8x128xbf16>, vector<8x128xbf16> -> vector<128x128xbf16>
    %get3A_1086 = arith.constant 1792 : index
    %get3A_1087 = arith.constant 0 : index
    %get3A_1088 = vector.load %arg8[%get3A_1086, %get3A_1087] : memref<2048x1024xbf16, #tpu.memory_space<vmem>>, vector<128x1024xbf16>
    %dot_general3A_1089 = arith.constant dense<0.000000e+00> : vector<128x1024xf32>
    %dot_general3A_1090 = tpu.matmul %concatenate3A_1085, %get3A_1088, %dot_general3A_1089 {dimension_numbers = #tpu.dot_dimension_numbers<[1], [0], [0], [1], [0, 0, 1, 1], [], []>, transpose_lhs_hint = false} : vector<128x128xbf16>, vector<128x1024xbf16>, vector<128x1024xf32> -> vector<128x1024xf32>
    %add3A_1091 = arith.addf %add3A_1068, %dot_general3A_1090 : vector<128x1024xf32>
    %slice3A_1092 = vector.extract_strided_slice %convert_element_type3A_142 {offsets = [120, 0], sizes = [8, 128], strides = [1, 1]} : vector<128x128xbf16> to vector<8x128xbf16>
    %slice3A_1093 = vector.extract_strided_slice %convert_element_type3A_181 {offsets = [120, 0], sizes = [8, 128], strides = [1, 1]} : vector<128x128xbf16> to vector<8x128xbf16>
    %slice3A_1094 = vector.extract_strided_slice %convert_element_type3A_220 {offsets = [120, 0], sizes = [8, 128], strides = [1, 1]} : vector<128x128xbf16> to vector<8x128xbf16>
    %slice3A_1095 = vector.extract_strided_slice %convert_element_type3A_259 {offsets = [120, 0], sizes = [8, 128], strides = [1, 1]} : vector<128x128xbf16> to vector<8x128xbf16>
    %slice3A_1096 = vector.extract_strided_slice %convert_element_type3A_304 {offsets = [120, 0], sizes = [8, 128], strides = [1, 1]} : vector<128x128xbf16> to vector<8x128xbf16>
    %slice3A_1097 = vector.extract_strided_slice %convert_element_type3A_343 {offsets = [120, 0], sizes = [8, 128], strides = [1, 1]} : vector<128x128xbf16> to vector<8x128xbf16>
    %slice3A_1098 = vector.extract_strided_slice %convert_element_type3A_382 {offsets = [120, 0], sizes = [8, 128], strides = [1, 1]} : vector<128x128xbf16> to vector<8x128xbf16>
    %slice3A_1099 = vector.extract_strided_slice %convert_element_type3A_421 {offsets = [120, 0], sizes = [8, 128], strides = [1, 1]} : vector<128x128xbf16> to vector<8x128xbf16>
    %slice3A_1100 = vector.extract_strided_slice %convert_element_type3A_466 {offsets = [120, 0], sizes = [8, 128], strides = [1, 1]} : vector<128x128xbf16> to vector<8x128xbf16>
    %slice3A_1101 = vector.extract_strided_slice %convert_element_type3A_505 {offsets = [120, 0], sizes = [8, 128], strides = [1, 1]} : vector<128x128xbf16> to vector<8x128xbf16>
    %slice3A_1102 = vector.extract_strided_slice %convert_element_type3A_544 {offsets = [120, 0], sizes = [8, 128], strides = [1, 1]} : vector<128x128xbf16> to vector<8x128xbf16>
    %slice3A_1103 = vector.extract_strided_slice %convert_element_type3A_583 {offsets = [120, 0], sizes = [8, 128], strides = [1, 1]} : vector<128x128xbf16> to vector<8x128xbf16>
    %slice3A_1104 = vector.extract_strided_slice %convert_element_type3A_628 {offsets = [120, 0], sizes = [8, 128], strides = [1, 1]} : vector<128x128xbf16> to vector<8x128xbf16>
    %slice3A_1105 = vector.extract_strided_slice %convert_element_type3A_667 {offsets = [120, 0], sizes = [8, 128], strides = [1, 1]} : vector<128x128xbf16> to vector<8x128xbf16>
    %slice3A_1106 = vector.extract_strided_slice %convert_element_type3A_706 {offsets = [120, 0], sizes = [8, 128], strides = [1, 1]} : vector<128x128xbf16> to vector<8x128xbf16>
    %slice3A_1107 = vector.extract_strided_slice %convert_element_type3A_745 {offsets = [120, 0], sizes = [8, 128], strides = [1, 1]} : vector<128x128xbf16> to vector<8x128xbf16>
    %concatenate3A_1108 = tpu.concatenate %slice3A_1092, %slice3A_1093, %slice3A_1094, %slice3A_1095, %slice3A_1096, %slice3A_1097, %slice3A_1098, %slice3A_1099, %slice3A_1100, %slice3A_1101, %slice3A_1102, %slice3A_1103, %slice3A_1104, %slice3A_1105, %slice3A_1106, %slice3A_1107 in 0 : vector<8x128xbf16>, vector<8x128xbf16>, vector<8x128xbf16>, vector<8x128xbf16>, vector<8x128xbf16>, vector<8x128xbf16>, vector<8x128xbf16>, vector<8x128xbf16>, vector<8x128xbf16>, vector<8x128xbf16>, vector<8x128xbf16>, vector<8x128xbf16>, vector<8x128xbf16>, vector<8x128xbf16>, vector<8x128xbf16>, vector<8x128xbf16> -> vector<128x128xbf16>
    %get3A_1109 = arith.constant 1920 : index
    %get3A_1110 = arith.constant 0 : index
    %get3A_1111 = vector.load %arg8[%get3A_1109, %get3A_1110] : memref<2048x1024xbf16, #tpu.memory_space<vmem>>, vector<128x1024xbf16>
    %dot_general3A_1112 = arith.constant dense<0.000000e+00> : vector<128x1024xf32>
    %dot_general3A_1113 = tpu.matmul %concatenate3A_1108, %get3A_1111, %dot_general3A_1112 {dimension_numbers = #tpu.dot_dimension_numbers<[1], [0], [0], [1], [0, 0, 1, 1], [], []>, transpose_lhs_hint = false} : vector<128x128xbf16>, vector<128x1024xbf16>, vector<128x1024xf32> -> vector<128x1024xf32>
    %add3A_1114 = arith.addf %add3A_1091, %dot_general3A_1113 : vector<128x1024xf32>
    %slice3A_1115 = vector.extract_strided_slice %add3A_1114 {offsets = [0, 0], sizes = [32, 1024], strides = [1, 1]} : vector<128x1024xf32> to vector<32x1024xf32>
    %swap3A = arith.constant 0 : index
    %swap3A_1116 = arith.constant 0 : index
    %swap3A_1117 = arith.constant 0 : index
    %swap3A_1118 = vector.load %arg6[%swap3A, %swap3A_1116, %swap3A_1117] : memref<4x32x1024xf32, #tpu.memory_space<vmem>>, vector<1x32x1024xf32>
    %swap3A_1119 = vector.shape_cast %swap3A_1118 : vector<1x32x1024xf32> to vector<32x1024xf32>
    %swap3A_1120 = vector.shape_cast %slice3A_1115 : vector<32x1024xf32> to vector<1x32x1024xf32>
    tpu.vector_store %arg6[%swap3A, %swap3A_1116, %swap3A_1117], %swap3A_1120 {strides = array<i32>} : memref<4x32x1024xf32, #tpu.memory_space<vmem>>, vector<1x32x1024xf32>,
    %slice3A_1121 = vector.extract_strided_slice %add3A_1114 {offsets = [32, 0], sizes = [32, 1024], strides = [1, 1]} : vector<128x1024xf32> to vector<32x1024xf32>
    %swap3A_1122 = arith.constant 1 : index
    %swap3A_1123 = arith.constant 0 : index
    %swap3A_1124 = arith.constant 0 : index
    %swap3A_1125 = vector.load %arg6[%swap3A_1122, %swap3A_1123, %swap3A_1124] : memref<4x32x1024xf32, #tpu.memory_space<vmem>>, vector<1x32x1024xf32>
    %swap3A_1126 = vector.shape_cast %swap3A_1125 : vector<1x32x1024xf32> to vector<32x1024xf32>
    %swap3A_1127 = vector.shape_cast %slice3A_1121 : vector<32x1024xf32> to vector<1x32x1024xf32>
    tpu.vector_store %arg6[%swap3A_1122, %swap3A_1123, %swap3A_1124], %swap3A_1127 {strides = array<i32>} : memref<4x32x1024xf32, #tpu.memory_space<vmem>>, vector<1x32x1024xf32>,
    %slice3A_1128 = vector.extract_strided_slice %add3A_1114 {offsets = [64, 0], sizes = [32, 1024], strides = [1, 1]} : vector<128x1024xf32> to vector<32x1024xf32>
    %swap3A_1129 = arith.constant 2 : index
    %swap3A_1130 = arith.constant 0 : index
    %swap3A_1131 = arith.constant 0 : index
    %swap3A_1132 = vector.load %arg6[%swap3A_1129, %swap3A_1130, %swap3A_1131] : memref<4x32x1024xf32, #tpu.memory_space<vmem>>, vector<1x32x1024xf32>
    %swap3A_1133 = vector.shape_cast %swap3A_1132 : vector<1x32x1024xf32> to vector<32x1024xf32>
    %swap3A_1134 = vector.shape_cast %slice3A_1128 : vector<32x1024xf32> to vector<1x32x1024xf32>
    tpu.vector_store %arg6[%swap3A_1129, %swap3A_1130, %swap3A_1131], %swap3A_1134 {strides = array<i32>} : memref<4x32x1024xf32, #tpu.memory_space<vmem>>, vector<1x32x1024xf32>,
    %slice3A_1135 = vector.extract_strided_slice %add3A_1114 {offsets = [96, 0], sizes = [32, 1024], strides = [1, 1]} : vector<128x1024xf32> to vector<32x1024xf32>
    %swap3A_1136 = arith.constant 3 : index
    %swap3A_1137 = arith.constant 0 : index
    %swap3A_1138 = arith.constant 0 : index
    %swap3A_1139 = vector.load %arg6[%swap3A_1136, %swap3A_1137, %swap3A_1138] : memref<4x32x1024xf32, #tpu.memory_space<vmem>>, vector<1x32x1024xf32>
    %swap3A_1140 = vector.shape_cast %swap3A_1139 : vector<1x32x1024xf32> to vector<32x1024xf32>
    %swap3A_1141 = vector.shape_cast %slice3A_1135 : vector<32x1024xf32> to vector<1x32x1024xf32>
    tpu.vector_store %arg6[%swap3A_1136, %swap3A_1137, %swap3A_1138], %swap3A_1141 {strides = array<i32>} : memref<4x32x1024xf32, #tpu.memory_space<vmem>>, vector<1x32x1024xf32>,
    return
  }
  func.func @transform_0(%arg0: i32) -> (i32, i32, i32) {
    %c0_i32 = arith.constant 0 : i32
    %c0_i32_0 = arith.constant 0 : i32
    %c0_i32_1 = arith.constant 0 : i32
    return %arg0, %c0_i32, %c0_i32_0 : i32, i32, i32
  }
  func.func @transform_1(%arg0: i32) -> (i32, i32, i32) {
    %c0_i32 = arith.constant 0 : i32
    %c0_i32_0 = arith.constant 0 : i32
    %c0_i32_1 = arith.constant 0 : i32
    return %arg0, %c0_i32, %c0_i32_0 : i32, i32, i32
  }
  func.func @transform_2(%arg0: i32) -> (i32, i32) {
    %c0_i32 = arith.constant 0 : i32
    %c0_i32_0 = arith.constant 0 : i32
    %c0_i32_1 = arith.constant 0 : i32
    return %c0_i32, %c0_i32_0 : i32, i32
  }
  func.func @transform_3(%arg0: i32) -> (i32, i32) {
    %c0_i32 = arith.constant 0 : i32
    %c0_i32_0 = arith.constant 0 : i32
    %c0_i32_1 = arith.constant 0 : i32
    return %c0_i32, %c0_i32_0 : i32, i32
  }
  func.func @transform_4(%arg0: i32) -> (i32, i32) {
    %c0_i32 = arith.constant 0 : i32
    %c0_i32_0 = arith.constant 0 : i32
    %c0_i32_1 = arith.constant 0 : i32
    return %c0_i32, %c0_i32_0 : i32, i32
  }
  func.func @transform_5(%arg0: i32) -> (i32, i32, i32) {
    %c0_i32 = arith.constant 0 : i32
    %c0_i32_0 = arith.constant 0 : i32
    %c0_i32_1 = arith.constant 0 : i32
    return %arg0, %c0_i32, %c0_i32_0 : i32, i32, i32
  }
}

</mosaic_0001>

<sc_bundles>
// kernel: kernel.5.cloned.1.call-start
scs
__scs_entry_jumppad:
0x0: {  	(pc) =	sbr.rel $0x88, $3  }
0x1: {  	(tag) =	ssettag $0x0;
	lr =	simm.s32 $0x1  }
0x2: {  	[smem:$0x3F9A] =	sst lr;
	_ =	strace $0xD0000000  }
0x3: {  	_ = 	snop  }
0x4: {  	_ = 	snop  }
0x5: {  	_ = 	snop  }
0x6: {  	_ = 	snop  }
0x7: {  	_ = 	snop  }
__scs_overlays_trampoline_lowered:
0x8: {  	[smem:$0x3FA9] =	sst s0  }
0x9: {  	[smem:$0x3FAA] =	sst s1  }
0xa: {  	[smem:$0x3FAB] =	sst s2  }
0xb: {  	[smem:$0x3FAC] =	sst s3  }
0xc: {  	[smem:$0x3FAD] =	sst s4  }
0xd: {  	[smem:$0x3FAE] =	sst s5  }
0xe: {  	[smem:$0x3FAF] =	sst s6  }
0xf: {  	[smem:$0x3FB0] =	sst s7  }
0x10: {  	[smem:$0x3FB1] =	sst s8  }
0x11: {  	[smem:$0x3FB2] =	sst s9;
	s0 =	simm.s32 @!p0 $0x0  }
0x12: {  	s1 =	sld [smem:$0x3F98];
	s0 =	simm.s32 @p0 $0x1  }
0x13: {  	[smem:$0x3FB3] =	sst s0;
	s0 =	simm.s32 @!p1 $0x0  }
0x14: {  	s2 =	sld [smem:$0x3F97];
	s0 =	simm.s32 @p1 $0x1  }
0x15: {  	[smem:$0x3FB4] =	sst s0;
	s0 =	simm.s32 @!p2 $0x0  }
0x16: {  	s3 =	sld [smem:$0x3FDB];
	s0 =	simm.s32 @p2 $0x1  }
0x17: {  	s4 =	simm.s32 $0x1BF5;
	[smem:$0x3FB6] =	sst s0  }
0x18: {  	s0 =	sld [smem:$0x3F99];
	_ =	swait.ge [sflag:s4], $0x0  }
0x19: {  	s7 =	sld [smem:$0x3F9A]  }
0x1a: {  	s8 =	sadd.s32 $0xFFFFE003, lr  }
0x1b: {  	s9 =	sadd.s32 $0xFFFFFEF7, lr;
	s5 =	simm.s32 $0xFFFFFFFF;
	p2 =	slt.u32 s8, $0xFFFFF086  }
0x1c: {  	p1 =	slt.u32 s9, $0xF7A;
	s5 =	simm.s32 @!p2 $0x0  }
0x1d: {  	s5 =	simm.s32 @p1 $0x1;
	p0 =	seq.s32 s7, s2  }
0x1e: {  	s7 =	smul.u32 @!p0 $0xF7A, s2;
	p2 =	seq.s32 @!p0 s5, $0x0  }
0x1f: {  	s9 =	smul.u32 $0xF7A, s1;
	s8 =	simm.s32 @!p0 $0x1BF5;
	p2 =	por !p2, p0  }
0x20: {  	[sflag:s8] =	ssyncset.s32 @!p0 $0xFFFFF086;
	s6 =	sadd.s32 @!p0 s3, s7;
	s7 =	simm.s32 @!p0 $0x108  }
0x21: {  	s3 =	sadd.s32 s3, s9;
	s6 =	sadd.s32 @!p0 $0x88, s6;
	s7 =	simm.s32 @p2 $0x1082  }
0x22: {  	[simem:s7], [sflag:s8] =	dma.local @!p0 [hbm:s6], $0xF7A  }
0x23: {  	s9 =	sor.u32 $0xD0000000, s2;
	s6 =	simm.s32 $0x108;
	_ =	swait.ge @!p0 [sflag:s8], $0x0  }
0x24: {  	s3 =	sadd.s32 $0x88, s3;
	s6 =	simm.s32 @!p1 $0x1082;
	[sflag:s4] =	ssyncset.s32 $0xFFFFF086  }
0x25: {  	[simem:s6], [sflag:s4] =	dma.local [hbm:s3], $0xF7A  }
0x26: {  	[smem:$0x3F9A] =	sst s1;
	(tag) =	ssettag s2;
	_ =	strace s9  }
0x27: {  	s1 =	sld [smem:$0x3FAA]  }
0x28: {  	s2 =	sld [smem:$0x3FAB]  }
0x29: {  	s4 =	sld [smem:$0x3FAD]  }
0x2a: {  	p0 =	seq.s32 s5, $0x0;
	s5 =	sld [smem:$0x3FAE]  }
0x2b: {  	s6 =	sld [smem:$0x3FAF]  }
0x2c: {  	s7 =	sld [smem:$0x3FB0]  }
0x2d: {  	s3 =	simm.s32 $0x108;
	s8 =	sld [smem:$0x3FB1]  }
0x2e: {  	s3 =	simm.s32 @!p0 $0x1082;
	s9 =	sld [smem:$0x3FB2]  }
0x2f: {  	lr =	sadd.s32 s0, s3;
	s0 =	sld [smem:$0x3FA9]  }
0x30: {  	s3 =	sld [smem:$0x3FAC]  }
0x31: {  	[smem:$0x3FB5] =	sst s10  }
0x32: {  	s10 =	sld [smem:$0x3FB3];
	_ =	sdelay $0x3  }
0x33: {  	p0 =	seq.s32 s10, $0x1;
	s10 =	sld [smem:$0x3FB5];
	_ =	sdelay $0x3  }
0x34: {  	[smem:$0x3FB5] =	sst s10  }
0x35: {  	s10 =	sld [smem:$0x3FB4];
	_ =	sdelay $0x3  }
0x36: {  	p1 =	seq.s32 s10, $0x1;
	s10 =	sld [smem:$0x3FB5];
	_ =	sdelay $0x3  }
0x37: {  	[smem:$0x3FB5] =	sst s10  }
0x38: {  	s10 =	sld [smem:$0x3FB6]  }
0x39: {  	_ = 	snop;
	(pc) =	sbr.ind lr, $3  }
0x3a: {  	_ = 	snop  }
0x3b: {  	_ = 	snop  }
0x3c: {  	p2 =	seq.s32 s10, $0x1;
	s10 =	sld [smem:$0x3FB5]  }
0x3d: {  	_ =	shalt  }
0x3e: {  	_ =	shalt  }
0x3f: {  	_ =	shalt  }
0x40: {  	_ =	shalt  }
0x41: {  	_ =	shalt  }
0x42: {  	_ =	shalt  }
0x43: {  	_ =	shalt  }
0x44: {  	_ =	shalt  }
0x45: {  	_ =	shalt  }
0x46: {  	_ =	shalt  }
0x47: {  	_ =	shalt  }
0x48: {  	_ =	shalt  }
0x49: {  	_ =	shalt  }
0x4a: {  	_ =	shalt  }
0x4b: {  	_ =	shalt  }
0x4c: {  	_ =	shalt  }
0x4d: {  	_ =	shalt  }
0x4e: {  	_ =	shalt  }
0x4f: {  	_ =	shalt  }
0x50: {  	_ =	shalt  }
0x51: {  	_ =	shalt  }
0x52: {  	_ =	shalt  }
0x53: {  	_ =	shalt  }
0x54: {  	_ =	shalt  }
0x55: {  	_ =	shalt  }
0x56: {  	_ =	shalt  }
0x57: {  	_ =	shalt  }
0x58: {  	_ =	shalt  }
0x59: {  	_ =	shalt  }
0x5a: {  	_ =	shalt  }
0x5b: {  	_ =	shalt  }
0x5c: {  	_ =	shalt  }
0x5d: {  	_ =	shalt  }
0x5e: {  	_ =	shalt  }
0x5f: {  	_ =	shalt  }
0x60: {  	_ =	shalt  }
0x61: {  	_ =	shalt  }
0x62: {  	_ =	shalt  }
0x63: {  	_ =	shalt  }
0x64: {  	_ =	shalt  }
0x65: {  	_ =	shalt  }
0x66: {  	_ =	shalt  }
0x67: {  	_ =	shalt  }
0x68: {  	_ =	shalt  }
0x69: {  	_ =	shalt  }
0x6a: {  	_ =	shalt  }
0x6b: {  	_ =	shalt  }
0x6c: {  	_ =	shalt  }
0x6d: {  	_ =	shalt  }
0x6e: {  	_ =	shalt  }
0x6f: {  	_ =	shalt  }
0x70: {  	_ =	shalt  }
0x71: {  	_ =	shalt  }
0x72: {  	_ =	shalt  }
0x73: {  	_ =	shalt  }
0x74: {  	_ =	shalt  }
0x75: {  	_ =	shalt  }
0x76: {  	_ =	shalt  }
0x77: {  	_ =	shalt  }
0x78: {  	_ =	shalt  }
0x79: {  	_ =	shalt  }
0x7a: {  	_ =	shalt  }
0x7b: {  	_ =	shalt  }
0x7c: {  	_ =	shalt  }
0x7d: {  	_ =	shalt  }
0x7e: {  	_ =	shalt  }
0x7f: {  	_ =	shalt  }
0x80: {  	_ =	shalt  }
0x81: {  	_ =	shalt  }
0x82: {  	_ =	shalt  }
0x83: {  	_ =	shalt  }
0x84: {  	_ =	shalt  }
0x85: {  	_ =	shalt  }
0x86: {  	_ =	shalt  }
0x87: {  	_ =	shalt  }
.Lfunc_end0:
.L_simem_size_0:
called_computation_lowered:
.L_overlay_start_0:
0x88: {  	s2 =	sld [smem:$0x3FD9]  }
0x89: {  	s3 =	sld [smem:$0x3FFE];
	_ =	sdelay $0x1  }
0x8a: {  	s1 =	srdreg.scid  }
0x8b: {  	s0 =	sand.u32 $0x1, s1  }
0x8c: {  	s17 =	sshll.u32 s0, $0xA;
	s2 =	sadd.s32 s3, s2  }
0x8d: {  	s2 =	sadd.s32 s2, s17  }
0x8e: {  	[smem:$0x3FC1] =	sst s2  }
0x8f: {  	_ = 	snop  }
0x90: {  	s2 =	sld [smem:$0x3FD0];
	(tm) =	ssettm $0x1  }
0x91: {  	s18 =	sld [smem:$0x3FFB];
	_ =	sdelay $0x3  }
0x92: {  	_ =	strace s18  }
0x93: {  	s3 =	sld [smem:$0x3FFC];
	_ =	sdelay $0x3  }
0x94: {  	_ =	strace s3  }
0x95: {  	s3 =	sld [smem:$0x3FFD];
	_ =	sdelay $0x3  }
0x96: {  	_ =	strace s3  }
0x97: {  	_ =	strace $0x8FFFFFFF  }
0x98: {  	s19 =	sld [smem:$0x3FDB];
	_ =	sdelay $0x1  }
0x99: {  	s4 =	simm.s32 $_scs_section_size  }
0x9a: {  	s5 =	simm.s32 $_size__tile_overlayer_lowered;
	s6 =	simm.s32 $_tile_overlayer_lowered  }
0x9b: {  	s22 =	simm.s32 $0x1BFF;
	s21 =	sshll.u32 s6, $0x1;
	s3 =	sadd.s32 s4, s19  }
0x9c: {  	s7 =	simm.s32 $0x0;
	s20 =	sshll.u32 s5, $0x1;
	s5 =	sadd.s32 s21, s3  }
0x9d: {  	[timem:s7], [sflag:s22] =	dma.local [hbm:s5], s20  }
0x9e: {  	_ =	swait.ge [sflag:s22], s20  }
0x9f: {  	s4 =	ssub.s32 $0x0, s20;
	[sflag:s22] =	ssyncset.done $0x0  }
0xa0: {  	[sflag:s22] =	ssyncadd.s32 s4;
	_ =	sdelay $0x1  }
0xa1: {  	s23 =	simm.s32 $0x1B8B  }
0xa2: {  	_ =	swait.ge [sflag:s23], $0x1  }
0xa3: {  	[sflag:s23] =	ssyncset.done $0x0  }
0xa4: {  	s25 =	simm.s32 $0x1B8E;
	s24 =	sld [smem:$0x3FFE];
	[sflag:s23] =	ssyncadd.s32 $0xFFFFFFFF  }
0xa5: {  	s26 =	simm.s32 $execute0_lowered;
	[smem:$0x3FD2] =	sst s25  }
0xa6: {  	s5 =	sshll.u32 s26, $0x1;
	_ =	strace $0x80000046;
	[dreg:$0x1] =	wrdreg $0xFFFFFFFF  }
0xa7: {  	s28 =	simm.s32 $_size_execute0_lowered;
	s3 =	sadd.s32 s3, s5;
	[dreg:$0x0] =	wrdreg $0x0  }
0xa8: {  	s5 =	sshll.u32 s28, $0x1;
	[dreg:$0x2] =	wrdreg s3  }
0xa9: {  	[dreg:$0x3] =	wrdreg s5  }
0xaa: {  	[dreg:$0x4] =	wrdreg $0xC0  }
0xab: {  	_ =	task [dreg:s7], $0x5FFFF  }
0xac: {  	[dreg:$0x1] =	wrdreg $0xFFFFFFFF  }
0xad: {  	[dreg:$0x0] =	wrdreg $0x60  }
0xae: {  	[dreg:$0x2] =	wrdreg s24  }
0xaf: {  	[dreg:$0x3] =	wrdreg s2  }
0xb0: {  	[dreg:$0x4] =	wrdreg $0x9  }
0xb1: {  	_ =	task.clear_ibuf [dreg:s7], $0x5FFFF;
	_ =	strace $0x90000046  }
0xb2: {  	s29 =	simm.s32 $0x9;
	_ =	strace $0x80000048  }
0xb3: {  	_ =	swait.ge [sflag:s29], $0x1  }
0xb4: {  	[sflag:s29] =	ssyncadd.s32 $0xFFFFFFFF  }
0xb5: {  	_ =	strace $0x90000048  }
0xb6: {  	_ =	sfence  }
0xb7: {  	s30 =	sld [smem:$0x0];
	_ =	sdelay $0x2  }
0xb8: {  	s31 =	sshll.u32 s1, $0xD;
	s1 =	sshrl.u32 s1, $0x2  }
0xb9: {  	s3 =	sand.u32 $0x4000, s31;
	s1 =	sadd.s32 s1, s30  }
0xba: {  	s0 =	sor.u32 s3, s0;
	s1 =	sshll.u32 s1, $0x11  }
0xbb: {  	s0 =	sor.u32 s1, s0  }
0xbc: {  	s0 =	sadd.s32 $0x8F2B, s0  }
0xbd: {  	[sflag:s0] =	ssyncadd.remote.s32 $0x1  }
0xbe: {  	_ =	sfence.sel $0xFFFF  }
0xbf: {  	[dreg:$0x0] =	wrdreg $0xFFFFFFFF;
	(pc) =	sbr.abs _section_cstart, $3  }
0xc0: {  	[dreg:$0x1] =	wrdreg $0xFFFFFFFF  }
0xc1: {  	_ =	task.clear_ibuf [dreg:s7], $0x2FFFF;
	_ =	strace $0x9FFFFFFF  }
0xc2: {  	(tm) =	ssettm $0x7FFFFFFF  }
0xc3: {  	_ =	shalt  }
tec
execute0_lowered:
.L_overlay_start_1:
0x0: {  	(tag) =	ssettag $0x1  }
0x1: {  	s3 =	srdreg.scid;
	s1 =	stileid.u32  }
0x2: {  	s6 =	sand.u32 $0x1, s3;
	s28 =	sshll.u32 s1, $0x1  }
0x3: {  	s7 =	sor.u32 s6, s28;
	s6 =	ssub.s32 $0x2, s6  }
0x4: {  	s4 =	rddreg [dreg:$0x0];
	s29 =	sshrl.u32 s6, $0x1  }
0x5: {  	s5 =	rddreg [dreg:$0x1];
	s6 =	ssub.s32 s6, s29  }
0x6: {  	s0 =	rddreg [dreg:$0x2];
	s9 =	smax.u32 s6, $0x1  }
0x7: {  	s2 =	simm.s32 $0x0;
	p0 =	por $0x0, $0x0;
	p1 =	sne.s32 s9, $0x1  }
.Ltmp0:
0x8: {  	[smem:$0x7FF] =	sst s2;
	s3 =	sadd.s32 $0x1000, s4;
	(pc) =	sbr.rel @!p1 .LBB2_3-.Ltmp0, $4  }
0x9: {  	s30 =	sshll.u32 s1, $0xA;
	_ =	strace $0x80000047;
	s8 =	sshll.u32 s7, $0xD  }
0xa: {  	s31 =	sand.u32 $0x3800, s30;
	s7 =	sshll.u32 s7, $0x6;
	s4 =	sadd.s32 s8, s4  }
0xb: {  	s8 =	sadd.s32 s5, s7;
	s7 =	simm.s32 $0x1;
	s5 =	sadd.s32 $0x41000, s4  }
0xc: {  	v0 =	vmov s31;
	s4 =	simm.s32 $0x2;
	s6 =	simm.s32 $0x200;
	s9 =	sadd.s32 $0xFFFFFFFF, s9  }
0xd: {  	[tilespmem:s2], [sflag:$0x2] =	stream.linear.gather [hbm4b:s8+s2], $0x200, $0x38;
	[tilespmem:$0x10200] =	vst v63  }
0xe: {  	_ =	swait.ge [sflag:s4], $0x200  }
0xf: {  	[sflag:s4] =	ssyncset.done $0x0  }
0x10: {  	[sflag:s4] =	ssyncadd.s32 $0xFFFFFE00  }
0x11: {  	v1 =	vld [tilespmem:$0x50]  }
0x12: {  	v2 =	vld [tilespmem:$0x40]  }
0x13: {  	v3 =	vld [tilespmem:$0x1A0]  }
0x14: {  	v4 =	vld [tilespmem:$0x60]  }
0x15: {  	v5 =	vld [tilespmem:$0xF0]  }
0x16: {  	v7 =	vld [tilespmem:$0x0]  }
0x17: {  	v8 =	vld [tilespmem:$0x70];
	v2 =	vadd.s32 v0, v2  }
0x18: {  	v6 =	vld [tilespmem:$0x160];
	v1 =	vadd.s32 v0, v1;
	[tilespmem:$0x40] =	vst v2  }
0x19: {  	v2 =	vadd.s32 v0, v3;
	[tilespmem:$0x50] =	vst v1;
	v1 =	vld [tilespmem:$0xA0]  }
0x1a: {  	v4 =	vadd.s32 v0, v4;
	[tilespmem:$0x1A0] =	vst v2;
	v2 =	vld [tilespmem:$0x90]  }
0x1b: {  	v5 =	vadd.s32 v0, v5;
	[tilespmem:$0x60] =	vst v4;
	v4 =	vadd.s32 v0, v7;
	v7 =	vld [tilespmem:$0x10]  }
0x1c: {  	v9 =	vld [tilespmem:$0xD0];
	v8 =	vadd.s32 v0, v8;
	[tilespmem:$0xF0] =	vst v5  }
0x1d: {  	v3 =	vld [tilespmem:$0x80];
	[tilespmem:$0x70] =	vst v8  }
0x1e: {  	v6 =	vadd.s32 v0, v6;
	[tilespmem:$0x0] =	vst v4;
	v4 =	vld [tilespmem:$0xE0]  }
0x1f: {  	v5 =	vld [tilespmem:$0xB0];
	[tilespmem:$0x160] =	vst v6;
	v2 =	vadd.s32 v0, v2  }
0x20: {  	v1 =	vadd.s32 v0, v1;
	[tilespmem:$0x90] =	vst v2;
	v2 =	vadd.s32 v0, v7;
	v7 =	vld [tilespmem:$0x20]  }
0x21: {  	v63 =	vld [tilespmem:$0x1B0];
	[tilespmem:$0xA0] =	vst v1  }
0x22: {  	v3 =	vadd.s32 v0, v3;
	[tilespmem:$0x10] =	vst v2;
	v2 =	vld [tilespmem:$0xC0]  }
0x23: {  	v4 =	vadd.s32 v0, v4;
	[tilespmem:$0x80] =	vst v3;
	v3 =	vld [tilespmem:$0x120]  }
0x24: {  	v5 =	vadd.s32 v0, v5;
	[tilespmem:$0xE0] =	vst v4;
	v4 =	vld [tilespmem:$0x130]  }
0x25: {  	[tilespmem:$0xB0] =	vst v5;
	v5 =	vld [tilespmem:$0x140];
	v6 =	vadd.s32 v0, v7  }
0x26: {  	v7 =	vadd.s32 v0, v9;
	[tilespmem:$0x20] =	vst v6;
	v6 =	vld [tilespmem:$0x30]  }
0x27: {  	v2 =	vadd.s32 v0, v2;
	[tilespmem:$0xD0] =	vst v7;
	v7 =	vld [tilespmem:$0x150]  }
0x28: {  	[tilespmem:$0xC0] =	vst v2;
	v2 =	vadd.s32 v0, v3;
	v3 =	vld [tilespmem:$0x170]  }
0x29: {  	[tilespmem:$0x120] =	vst v2;
	v2 =	vadd.s32 v0, v4;
	v4 =	vld [tilespmem:$0x180]  }
0x2a: {  	v1 =	vld [tilespmem:$0x110];
	[tilespmem:$0x130] =	vst v2;
	v2 =	vadd.s32 v0, v5  }
0x2b: {  	v5 =	vld [tilespmem:$0x190];
	[tilespmem:$0x140] =	vst v2;
	v6 =	vadd.s32 v0, v6  }
0x2c: {  	v8 =	vld [tilespmem:$0x100];
	v2 =	vadd.s32 v0, v7;
	[tilespmem:$0x30] =	vst v6  }
0x2d: {  	p1 =	sne.s32 s9, $0x1;
	v6 =	vld [tilespmem:$0x1C0];
	[tilespmem:$0x150] =	vst v2;
	v2 =	vadd.s32 v0, v3  }
.Ltmp1:
0x2e: {  	[tilespmem:$0x170] =	vst v2;
	v3 =	vadd.s32 v0, v4;
	v2 =	vld [tilespmem:$0x1D0];
	(pc) =	sbr.rel @!p1 .LBB2_3-.Ltmp1, $4  }
0x2f: {  	[tilespmem:$0x180] =	vst v3;
	v3 =	vld [tilespmem:$0x1E0]  }
0x30: {  	v7 =	vadd.s32 v0, v1;
	v4 =	vadd.s32 v0, v5;
	v5 =	vld [tilespmem:$0x1F0]  }
0x31: {  	[tilespmem:$0x110] =	vst v7  }
0x32: {  	s9 =	sadd.s32 $0xFFFFFFFF, s9;
	p0 =	por $0x1, $0x1;
	v1 =	vadd.s32 v0, v8;
	[tilespmem:$0x190] =	vst v4;
	v4 =	vadd.s32 v0, v63;
	v6 =	vadd.s32 v0, v6  }
.LBB2_2:
0x33: {  	p1 =	sne.s32 s9, $0x1;
	s9 =	sadd.s32 $0xFFFFFFFF, s9;
	[tilespmem:$0x1C0] =	vst v6  }
0x34: {  	[tilespmem:$0x100] =	vst v1;
	v1 =	vadd.s32 v0, v3  }
0x35: {  	v2 =	vadd.s32 v0, v2;
	[tilespmem:$0x1E0] =	vst v1;
	v1 =	vadd.s32 v0, v5  }
0x36: {  	[tilespmem:$0x1F0] =	vst v1  }
0x37: {  	[tilespmem:$0x1B0] =	vst v4  }
0x38: {  	[tilespmem:$0x1D0] =	vst v2  }
0x39: {  	[tilespmem:s6], [sflag:$0x1] =	stream.indirect.gather [hbm4b:s3+s6], $0x80, s2, s6, $0xb8;
	[tilespmem:$0x10200] =	vst v63  }
0x3a: {  	_ =	swait.ge [sflag:s7], $0x10000  }
0x3b: {  	[sflag:s7] =	ssyncset.done $0x0  }
0x3c: {  	[sflag:s7] =	ssyncadd.s32 $0xFFFF0000  }
0x3d: {  	[hbm4b:s5+s2] =	stream.linear.scatter [tilespmem:s6], [sflag:$0x2], $0x10000, $0x38;
	[tilespmem:$0x10200] =	vst v63  }
0x3e: {  	_ =	swait.ge [sflag:s4], $0x10000  }
0x3f: {  	[sflag:s4] =	ssyncset.done $0x0  }
0x40: {  	[sflag:s4] =	ssyncadd.s32 $0xFFFF0000  }
0x41: {  	[tilespmem:s2], [sflag:$0x2] =	stream.linear.gather [hbm4b:s8+s2], $0x200, $0x38;
	[tilespmem:$0x10200] =	vst v63  }
0x42: {  	_ =	swait.ge [sflag:s4], $0x200  }
0x43: {  	[sflag:s4] =	ssyncset.done $0x0  }
0x44: {  	[sflag:s4] =	ssyncadd.s32 $0xFFFFFE00  }
0x45: {  	v1 =	vld [tilespmem:$0x50]  }
0x46: {  	v2 =	vld [tilespmem:$0x40]  }
0x47: {  	v3 =	vld [tilespmem:$0x1A0]  }
0x48: {  	v4 =	vld [tilespmem:$0x60]  }
0x49: {  	v5 =	vld [tilespmem:$0xF0]  }
0x4a: {  	v6 =	vld [tilespmem:$0x160]  }
0x4b: {  	v7 =	vld [tilespmem:$0x0];
	v2 =	vadd.s32 v0, v2  }
0x4c: {  	v1 =	vadd.s32 v0, v1;
	[tilespmem:$0x40] =	vst v2;
	v2 =	vld [tilespmem:$0x70];
	v3 =	vadd.s32 v0, v3  }
0x4d: {  	v4 =	vadd.s32 v0, v4;
	v8 =	vld [tilespmem:$0x80];
	[tilespmem:$0x1A0] =	vst v3  }
0x4e: {  	[tilespmem:$0x50] =	vst v1;
	v1 =	vld [tilespmem:$0x90];
	v3 =	vadd.s32 v0, v5  }
0x4f: {  	[tilespmem:$0x60] =	vst v4;
	v4 =	vld [tilespmem:$0xA0];
	v5 =	vadd.s32 v0, v6  }
0x50: {  	v6 =	vadd.s32 v0, v7;
	v7 =	vld [tilespmem:$0x10]  }
0x51: {  	[tilespmem:$0x0] =	vst v6;
	v2 =	vadd.s32 v0, v2;
	v6 =	vld [tilespmem:$0xE0]  }
0x52: {  	v8 =	vadd.s32 v0, v8;
	v9 =	vld [tilespmem:$0xD0];
	[tilespmem:$0xF0] =	vst v3  }
0x53: {  	[tilespmem:$0x70] =	vst v2;
	v1 =	vadd.s32 v0, v1;
	v2 =	vld [tilespmem:$0xB0]  }
0x54: {  	[tilespmem:$0x90] =	vst v1;
	v1 =	vadd.s32 v0, v4;
	v3 =	vld [tilespmem:$0x100]  }
0x55: {  	v4 =	vadd.s32 v0, v7;
	v7 =	vld [tilespmem:$0x20];
	[tilespmem:$0x160] =	vst v5  }
0x56: {  	[tilespmem:$0x10] =	vst v4;
	v4 =	vld [tilespmem:$0xC0];
	v5 =	vadd.s32 v0, v6  }
0x57: {  	[tilespmem:$0xA0] =	vst v1;
	v6 =	vadd.s32 v0, v9;
	v9 =	vld [tilespmem:$0x110]  }
0x58: {  	[tilespmem:$0x80] =	vst v8;
	v2 =	vadd.s32 v0, v2;
	v8 =	vld [tilespmem:$0x120]  }
0x59: {  	[tilespmem:$0xE0] =	vst v5;
	v1 =	vadd.s32 v0, v3;
	v3 =	vld [tilespmem:$0x130]  }
0x5a: {  	v5 =	vadd.s32 v0, v7;
	[tilespmem:$0xB0] =	vst v2;
	v2 =	vld [tilespmem:$0x140]  }
0x5b: {  	[tilespmem:$0x20] =	vst v5;
	v5 =	vld [tilespmem:$0x30];
	v4 =	vadd.s32 v0, v4  }
0x5c: {  	[tilespmem:$0xD0] =	vst v6;
	v6 =	vadd.s32 v0, v9;
	v7 =	vld [tilespmem:$0x150]  }
0x5d: {  	[tilespmem:$0xC0] =	vst v4;
	v4 =	vadd.s32 v0, v8;
	v8 =	vld [tilespmem:$0x170]  }
0x5e: {  	[tilespmem:$0x120] =	vst v4;
	v3 =	vadd.s32 v0, v3;
	v4 =	vld [tilespmem:$0x180]  }
0x5f: {  	[tilespmem:$0x130] =	vst v3;
	v2 =	vadd.s32 v0, v2;
	v9 =	vld [tilespmem:$0x190]  }
0x60: {  	v3 =	vadd.s32 v0, v5;
	[tilespmem:$0x140] =	vst v2;
	v10 =	vld [tilespmem:$0x1B0]  }
0x61: {  	[tilespmem:$0x30] =	vst v3;
	v2 =	vadd.s32 v0, v7;
	v7 =	vld [tilespmem:$0x1C0]  }
.Ltmp2:
0x62: {  	[tilespmem:$0x150] =	vst v2;
	v3 =	vadd.s32 v0, v8;
	v2 =	vld [tilespmem:$0x1D0];
	(pc) =	sbr.rel @p1 .LBB2_2-.Ltmp2, $4  }
0x63: {  	[tilespmem:$0x170] =	vst v3;
	v4 =	vadd.s32 v0, v4;
	v3 =	vld [tilespmem:$0x1E0]  }
0x64: {  	[tilespmem:$0x180] =	vst v4;
	v4 =	vadd.s32 v0, v9;
	v5 =	vld [tilespmem:$0x1F0]  }
0x65: {  	[tilespmem:$0x190] =	vst v4;
	v4 =	vadd.s32 v0, v10  }
0x66: {  	[tilespmem:$0x110] =	vst v6;
	v6 =	vadd.s32 v0, v7  }
.LBB2_3:
0x67: {  	[tilespmem:$0x1C0] =	vst @p0 v6  }
0x68: {  	[tilespmem:$0x100] =	vst @p0 v1  }
0x69: {  	[tilespmem:$0x1B0] =	vst @p0 v4;
	v1 =	vadd.s32 @p0 v0, v3  }
0x6a: {  	[tilespmem:$0x1E0] =	vst @p0 v1;
	v1 =	vadd.s32 @p0 v0, v5  }
0x6b: {  	[tilespmem:$0x1F0] =	vst @p0 v1;
	v1 =	vadd.s32 @p0 v0, v2  }
0x6c: {  	[tilespmem:$0x1D0] =	vst @p0 v1  }
0x6d: {  	[tilespmem:s6], [sflag:$0x1] =	stream.indirect.gather @p0 [hbm4b:s3+s6], $0x80, s2, s6, $0xb8;
	[tilespmem:$0x10200] =	vst v63  }
0x6e: {  	_ =	swait.ge @p0 [sflag:s7], $0x10000  }
0x6f: {  	[sflag:s7] =	ssyncset.done @p0 $0x0  }
0x70: {  	[sflag:s7] =	ssyncadd.s32 @p0 $0xFFFF0000  }
0x71: {  	[hbm4b:s5+s2] =	stream.linear.scatter @p0 [tilespmem:s6], [sflag:$0x2], $0x10000, $0x38;
	[tilespmem:$0x10200] =	vst v63  }
0x72: {  	_ =	swait.ge @p0 [sflag:s4], $0x10000  }
0x73: {  	[sflag:s4] =	ssyncset.done @p0 $0x0  }
0x74: {  	[sflag:s4] =	ssyncadd.s32 @p0 $0xFFFF0000  }
0x75: {  	[tilespmem:s2], [sflag:$0x2] =	stream.linear.gather [hbm4b:s8+s2], $0x200, $0x38;
	[tilespmem:$0x10200] =	vst v63  }
0x76: {  	_ =	swait.ge [sflag:s4], $0x200  }
0x77: {  	[sflag:s4] =	ssyncset.done $0x0  }
0x78: {  	[sflag:s4] =	ssyncadd.s32 $0xFFFFFE00  }
0x79: {  	v15 =	vld [tilespmem:$0x40]  }
0x7a: {  	v16 =	vld [tilespmem:$0x1A0]  }
0x7b: {  	v17 =	vld [tilespmem:$0x50]  }
0x7c: {  	v18 =	vld [tilespmem:$0x60]  }
0x7d: {  	v19 =	vld [tilespmem:$0x0]  }
0x7e: {  	v20 =	vld [tilespmem:$0xF0];
	v1 =	vadd.s32 v0, v15  }
0x7f: {  	v22 =	vld [tilespmem:$0x90];
	v2 =	vadd.s32 v0, v16;
	[tilespmem:$0x40] =	vst v1  }
0x80: {  	v7 =	vld [tilespmem:$0x160];
	v3 =	vadd.s32 v0, v17;
	[tilespmem:$0x1A0] =	vst v2  }
0x81: {  	v24 =	vld [tilespmem:$0x10];
	v4 =	vadd.s32 v0, v18;
	[tilespmem:$0x50] =	vst v3  }
0x82: {  	v26 =	vld [tilespmem:$0xA0];
	v23 =	vadd.s32 v0, v19;
	[tilespmem:$0x60] =	vst v4  }
0x83: {  	v27 =	vld [tilespmem:$0x80];
	v25 =	vadd.s32 v0, v20;
	[tilespmem:$0x0] =	vst v23  }
0x84: {  	v28 =	vld [tilespmem:$0xE0];
	v29 =	vadd.s32 v0, v22;
	[tilespmem:$0xF0] =	vst v25  }
0x85: {  	v31 =	vld [tilespmem:$0xB0];
	v30 =	vadd.s32 v0, v7;
	[tilespmem:$0x90] =	vst v29  }
0x86: {  	v39 =	vld [tilespmem:$0x130];
	v32 =	vadd.s32 v0, v24;
	[tilespmem:$0x160] =	vst v30  }
0x87: {  	v40 =	vld [tilespmem:$0x140];
	v6 =	vadd.s32 v0, v26;
	[tilespmem:$0x10] =	vst v32  }
0x88: {  	v42 =	vld [tilespmem:$0x150];
	v35 =	vadd.s32 v0, v27;
	[tilespmem:$0xA0] =	vst v6  }
0x89: {  	v43 =	vld [tilespmem:$0x170];
	v5 =	vadd.s32 v0, v28;
	[tilespmem:$0x80] =	vst v35  }
0x8a: {  	v45 =	vld [tilespmem:$0x180];
	v38 =	vadd.s32 v0, v31;
	[tilespmem:$0xE0] =	vst v5  }
0x8b: {  	v47 =	vld [tilespmem:$0x190];
	v44 =	vadd.s32 v0, v39;
	[tilespmem:$0xB0] =	vst v38  }
0x8c: {  	v48 =	vld [tilespmem:$0x110];
	v46 =	vadd.s32 v0, v40;
	[tilespmem:$0x130] =	vst v44  }
0x8d: {  	v54 =	vld [tilespmem:$0x1E0];
	v49 =	vadd.s32 v0, v42;
	[tilespmem:$0x140] =	vst v46  }
0x8e: {  	v56 =	vld [tilespmem:$0x1F0];
	v52 =	vadd.s32 v0, v43;
	[tilespmem:$0x150] =	vst v49  }
0x8f: {  	v58 =	vld [tilespmem:$0x1B0];
	v53 =	vadd.s32 v0, v45;
	[tilespmem:$0x170] =	vst v52  }
0x90: {  	v59 =	vld [tilespmem:$0x1D0];
	v55 =	vadd.s32 v0, v47;
	[tilespmem:$0x180] =	vst v53  }
0x91: {  	v21 =	vld [tilespmem:$0x70];
	v57 =	vadd.s32 v0, v48;
	[tilespmem:$0x190] =	vst v55  }
0x92: {  	v33 =	vld [tilespmem:$0x20];
	v60 =	vadd.s32 v0, v54;
	[tilespmem:$0x110] =	vst v57  }
0x93: {  	v34 =	vld [tilespmem:$0xD0];
	v61 =	vadd.s32 v0, v56;
	[tilespmem:$0x1E0] =	vst v60  }
0x94: {  	v36 =	vld [tilespmem:$0xC0];
	v62 =	vadd.s32 v0, v58;
	[tilespmem:$0x1F0] =	vst v61  }
0x95: {  	v37 =	vld [tilespmem:$0x120];
	v63 =	vadd.s32 v0, v59;
	[tilespmem:$0x1B0] =	vst v62  }
0x96: {  	v41 =	vld [tilespmem:$0x30];
	v1 =	vadd.s32 v0, v21;
	[tilespmem:$0x1D0] =	vst v63  }
0x97: {  	v50 =	vld [tilespmem:$0x1C0];
	v4 =	vadd.s32 v0, v33;
	[tilespmem:$0x70] =	vst v1  }
0x98: {  	v51 =	vld [tilespmem:$0x100];
	v2 =	vadd.s32 v0, v34;
	[tilespmem:$0x20] =	vst v4  }
0x99: {  	v3 =	vadd.s32 v0, v36;
	[tilespmem:$0xD0] =	vst v2  }
0x9a: {  	[tilespmem:$0xC0] =	vst v3;
	v1 =	vadd.s32 v0, v37  }
0x9b: {  	v4 =	vadd.s32 v0, v41;
	[tilespmem:$0x120] =	vst v1  }
0x9c: {  	v2 =	vadd.s32 v0, v50;
	[tilespmem:$0x30] =	vst v4  }
0x9d: {  	v4 =	vadd.s32 v0, v51;
	[tilespmem:$0x1C0] =	vst v2  }
0x9e: {  	[tilespmem:$0x100] =	vst v4  }
0x9f: {  	[tilespmem:s6], [sflag:$0x1] =	stream.indirect.gather [hbm4b:s3+s6], $0x80, s2, s6, $0xb8;
	[tilespmem:$0x10200] =	vst v63  }
0xa0: {  	_ =	swait.ge [sflag:s7], $0x10000  }
0xa1: {  	[sflag:s7] =	ssyncset.done $0x0  }
0xa2: {  	[sflag:s7] =	ssyncadd.s32 $0xFFFF0000  }
0xa3: {  	[hbm4b:s5+s2] =	stream.linear.scatter [tilespmem:s6], [sflag:$0x2], $0x10000, $0x38;
	[tilespmem:$0x10200] =	vst v63  }
0xa4: {  	_ =	swait.ge [sflag:s4], $0x10000  }
0xa5: {  	[sflag:s4] =	ssyncset.done $0x0  }
0xa6: {  	[sflag:s4] =	ssyncadd.s32 $0xFFFF0000  }
0xa7: {  	_ =	sfence.sel $0x180000  }
0xa8: {  	[bflag:$0x0] =	sbarrier.arrive $0xFFFF  }
0xa9: {  	p0 =	sne.s32 s1, $0x0;
	_ =	strace $0x90000047  }
0xaa: {  	s0 =	sadd.s32 @!p0 $0x100000, s0;
	[bflag:$0x2] =	sbarrier.arrive $0xFFFF  }
0xab: {  	[sflag:s0] =	ssyncadd.tile.s32 @!p0 $0x1;
	_ =	shalt  }
.Lfunc_end2:
_tile_overlayer_lowered:
.L_overlay_start_2:
0xac: {  	(tag) =	ssettag $0x2  }
0xad: {  	s0 =	rddreg [dreg:$0x0];
	s2 =	stileid.u32  }
0xae: {  	s1 =	rddreg [dreg:$0x1];
	p0 =	sne.s32 s2, $0x0  }
0xaf: {  	s3 =	rddreg [dreg:$0x2];
	[bflag:$0x3] =	sbarrier.arrive $0xFFFF;
	s2 =	simm.s32 @!p0 $0x1C02  }
0xb0: {  	[timem:s3], [sflag:s2] =	dma.local @!p0 [hbm:s0], s1  }
0xb1: {  	s0 =	simm.s32 @!p0 $0x2  }
0xb2: {  	_ =	swait.ge @!p0 [sflag:s0], s1  }
0xb3: {  	s1 =	ssub.s32 @!p0 $0x0, s1;
	[sflag:s0] =	ssyncset.done @!p0 $0x0  }
0xb4: {  	[sflag:s0] =	ssyncadd.s32 @!p0 s1  }
0xb5: {  	[bflag:$0x3] =	sbarrier.arrive $0xFFFF  }
0xb6: {  	_ =	shalt  }

</sc_bundles>
